<compile_context>
chip_gen: v7x
topology: tpu7x:2x2x1
jax: 0.10.2.dev20260603
libtpu: 0.0.44.dev20260713+nightly
codegen_flags: <defaults>
</compile_context>

<pallas_src>
import jax
import jax.numpy as jnp
import numpy as np
from jax import lax
from jax.experimental import pallas as pl
from jax.experimental.pallas import tpu as pltpu
from jax.experimental.pallas import tpu_sc as plsc

NEG_SLOPE = 0.2
NC = 2
NS = 16
L = 16

N = 10000
E = 320000
H = 8
F = 32
HF = H * F
HHF = HF // 2

NPAD = 10240
TILE_N = NPAD // NS
ZROWS = 128

K1 = 400
EPT1 = E // (NC * NS)
NCHUNK1 = EPT1 // K1

K2 = 200
EPT2 = E // NS
NCHUNK2 = EPT2 // K2

def _take16(x, idx):
    dn = lax.GatherDimensionNumbers(
        offset_dims=(), collapsed_slice_dims=(0,), start_index_map=(0,))
    return lax.gather(x, idx[:, None], dn, (1,),
                      mode=lax.GatherScatterMode.PROMISE_IN_BOUNDS)



def _proj_body(feat_ref, w_ref, bs_ref, bd_ref,
               fta_ref, ftb_ref, esx_ref, edcx_ref, esa_ref, eda_ref):
    i = pl.program_id(0)
    blk = feat_ref.shape[0]
    ft = jnp.dot(feat_ref[...], w_ref[...], preferred_element_type=jnp.float32)
    fta_ref[...] = ft[:, :HHF]
    ftb_ref[...] = ft[:, HHF:]
    esa_ref[pl.ds(i * blk, blk), :] = jnp.dot(
        ft, bs_ref[...], preferred_element_type=jnp.float32)
    eda_ref[pl.ds(i * blk, blk), :] = jnp.dot(
        ft, bd_ref[...], preferred_element_type=jnp.float32)

    @pl.when(i == pl.num_programs(0) - 1)
    def _():
        es = esa_ref[...]
        ed = eda_ref[...]
        m = jnp.max(es, axis=0, keepdims=True)
        cc = m + ed
        cc = jnp.where(cc > 0, cc, NEG_SLOPE * cc)
        esx_ref[...] = jnp.concatenate([es, jnp.zeros_like(es)], axis=1)
        edcx_ref[...] = jnp.concatenate([ed, cc], axis=1)



def _pass1_body(esx_hbm, edcx_hbm, src_hbm, dst_hbm, dist_hbm,
                wd_hbm, s0_hbm, s1_hbm,
                src_v, dst_v, dist_v, gs, gd, wbuf, wdbuf, sacc):
    c = lax.axis_index("c")
    s = lax.axis_index("s")
    wid = s * NC + c
    lane = lax.iota(jnp.int32, L)
    idx_c = (lane & 7) + 8
    mask_lo = lane < 8

    @pl.loop(0, ZROWS)
    def _(i):
        wbuf[i] = jnp.zeros((L,), jnp.float32)

    @pl.loop(0, TILE_N // ZROWS)
    def _(i):
        pltpu.sync_copy(wbuf.at[pl.ds(0, ZROWS)],
                        sacc.at[pl.ds(s * TILE_N + i * ZROWS, ZROWS)])

    plsc.subcore_barrier()

    base = wid * EPT1

    @pl.loop(0, NCHUNK1)
    def _(t):
        off = base + t * K1
        pltpu.sync_copy(src_hbm.at[pl.ds(off, K1)], src_v)
        pltpu.sync_copy(dst_hbm.at[pl.ds(off, K1)], dst_v)
        pltpu.sync_copy(dist_hbm.at[pl.ds(off, K1)], dist_v)
        pltpu.sync_copy(esx_hbm.at[src_v], gs)
        pltpu.sync_copy(edcx_hbm.at[dst_v], gd)

        @pl.loop(0, K1 // 16)
        def _(g):
            dreg = dist_v[pl.ds(g * 16, 16)]
            for jj in range(16):
                j = g * 16 + jj
                u = gs[j] + gd[j]
                lr = jnp.where(u > 0, u, NEG_SLOPE * u)
                cvec = _take16(u, idx_c)
                w = jnp.exp(lr - cvec)
                w = jnp.where(mask_lo, w, 0.0)
                wbuf[j] = w
                wdbuf[j] = w * _take16(dreg, jnp.full((L,), jj, jnp.int32))

        pltpu.sync_copy(wbuf, sacc.at[dst_v], add=True)
        pltpu.sync_copy(wdbuf, wd_hbm.at[pl.ds(off, K1)])

    plsc.subcore_barrier()
    rs = pl.ds(s * TILE_N, TILE_N)

    @pl.when(c == 0)
    def _():
        pltpu.sync_copy(sacc.at[rs], s0_hbm.at[rs])

    @pl.when(c == 1)
    def _():
        pltpu.sync_copy(sacc.at[rs], s1_hbm.at[rs])



def _pass2_body(fta_hbm, ftb_hbm, wd_hbm, src_hbm, dst_hbm,
                numa_hbm, numb_hbm,
                src_v, dst_v, wdc, msg, acc):
    c = lax.axis_index("c")
    s = lax.axis_index("s")

    @pl.loop(0, ZROWS)
    def _(i):
        for l8 in range(8):
            msg[i, pl.ds(l8 * 16, 16)] = jnp.zeros((L,), jnp.float32)

    @pl.loop(0, TILE_N // ZROWS)
    def _(i):
        pltpu.sync_copy(msg.at[pl.ds(0, ZROWS)],
                        acc.at[pl.ds(s * TILE_N + i * ZROWS, ZROWS)])

    plsc.subcore_barrier()

    hidx = [jnp.full((L,), 0, jnp.int32) + (c * 4 + hh) for hh in range(4)]
    base = s * EPT2

    @pl.loop(0, NCHUNK2)
    def _(t):
        off = base + t * K2
        pltpu.sync_copy(src_hbm.at[pl.ds(off, K2)], src_v)
        pltpu.sync_copy(dst_hbm.at[pl.ds(off, K2)], dst_v)
        pltpu.sync_copy(wd_hbm.at[pl.ds(off, K2)], wdc)

        @pl.when(c == 0)
        def _():
            pltpu.sync_copy(fta_hbm.at[src_v], msg)

        @pl.when(c == 1)
        def _():
            pltpu.sync_copy(ftb_hbm.at[src_v], msg)

        @pl.loop(0, K2)
        def _(j):
            wrow = wdc[j]
            for hh in range(4):
                coef = _take16(wrow, hidx[hh])
                for half in range(2):
                    sl = pl.ds(hh * 32 + half * 16, 16)
                    msg[j, sl] = msg[j, sl] * coef

        pltpu.sync_copy(msg, acc.at[dst_v], add=True)

    plsc.subcore_barrier()
    rs = pl.ds(s * TILE_N, TILE_N)

    @pl.when(c == 0)
    def _():
        pltpu.sync_copy(acc.at[rs], numa_hbm.at[rs])

    @pl.when(c == 1)
    def _():
        pltpu.sync_copy(acc.at[rs], numb_hbm.at[rs])



def _final_body(numa_ref, numb_ref, s0_ref, s1_ref, r4_ref, out_ref):
    s8 = s0_ref[...][:, :H] + s1_ref[...][:, :H]
    r4 = r4_ref[...]
    sa = jnp.dot(s8[:, 0:4], r4, preferred_element_type=jnp.float32)
    sb = jnp.dot(s8[:, 4:8], r4, preferred_element_type=jnp.float32)
    outa = jnp.where(sa > 0, numa_ref[...] / sa, 0.0)
    outb = jnp.where(sb > 0, numb_ref[...] / sb, 0.0)
    out_ref[...] = jnp.concatenate([outa, outb], axis=1)



def kernel(feat, dist, edge_index, W, w_att_src, w_att_dst):
    n, d = feat.shape
    srcs = edge_index[0].astype(jnp.int32)
    dsts = edge_index[1].astype(jnp.int32)
    distf = dist.reshape(E).astype(jnp.float32)

    eye = jnp.eye(H, dtype=jnp.float32)
    bs = (w_att_src[0][:, :, None] * eye[:, None, :]).reshape(HF, H)
    bd = (w_att_dst[0][:, :, None] * eye[:, None, :]).reshape(HF, H)

    blk = 1000
    fta, ftb, esx, edcx = pl.pallas_call(
        _proj_body,
        grid=(n // blk,),
        in_specs=[
            pl.BlockSpec((blk, d), lambda i: (i, 0)),
            pl.BlockSpec((d, HF), lambda i: (0, 0)),
            pl.BlockSpec((HF, H), lambda i: (0, 0)),
            pl.BlockSpec((HF, H), lambda i: (0, 0)),
        ],
        out_specs=[
            pl.BlockSpec((blk, HHF), lambda i: (i, 0)),
            pl.BlockSpec((blk, HHF), lambda i: (i, 0)),
            pl.BlockSpec((N, 2 * H), lambda i: (0, 0)),
            pl.BlockSpec((N, 2 * H), lambda i: (0, 0)),
        ],
        out_shape=[
            jax.ShapeDtypeStruct((N, HHF), jnp.float32),
            jax.ShapeDtypeStruct((N, HHF), jnp.float32),
            jax.ShapeDtypeStruct((N, 2 * H), jnp.float32),
            jax.ShapeDtypeStruct((N, 2 * H), jnp.float32),
        ],
        scratch_shapes=[
            pltpu.VMEM((N, H), jnp.float32),
            pltpu.VMEM((N, H), jnp.float32),
        ],
    )(feat, W, bs, bd)

    mesh = plsc.VectorSubcoreMesh(core_axis_name="c", subcore_axis_name="s")
    sc_params = pltpu.CompilerParams(use_tc_tiling_on_sc=False)

    wd, s0, s1 = pl.kernel(
        _pass1_body,
        compiler_params=sc_params,
        out_type=[
            jax.ShapeDtypeStruct((E, 16), jnp.float32),
            jax.ShapeDtypeStruct((NPAD, 16), jnp.float32),
            jax.ShapeDtypeStruct((NPAD, 16), jnp.float32),
        ],
        mesh=mesh,
        scratch_types=[
            pltpu.VMEM((K1,), jnp.int32),
            pltpu.VMEM((K1,), jnp.int32),
            pltpu.VMEM((K1,), jnp.float32),
            pltpu.VMEM((K1, 16), jnp.float32),
            pltpu.VMEM((K1, 16), jnp.float32),
            pltpu.VMEM((K1, 16), jnp.float32),
            pltpu.VMEM((K1, 16), jnp.float32),
            pltpu.VMEM_SHARED((NPAD, 16), jnp.float32),
        ],
    )(esx, edcx, srcs, dsts, distf)

    numa, numb = pl.kernel(
        _pass2_body,
        compiler_params=sc_params,
        out_type=[
            jax.ShapeDtypeStruct((NPAD, HHF), jnp.float32),
            jax.ShapeDtypeStruct((NPAD, HHF), jnp.float32),
        ],
        mesh=mesh,
        scratch_types=[
            pltpu.VMEM((K2,), jnp.int32),
            pltpu.VMEM((K2,), jnp.int32),
            pltpu.VMEM((K2, 16), jnp.float32),
            pltpu.VMEM((K2, HHF), jnp.float32),
            pltpu.VMEM_SHARED((NPAD, HHF), jnp.float32),
        ],
    )(fta, ftb, wd, srcs, dsts)

    r4 = jnp.kron(jnp.eye(4, dtype=jnp.float32), jnp.ones((1, F), jnp.float32))

    out = pl.pallas_call(
        _final_body,
        grid=(n // blk,),
        in_specs=[
            pl.BlockSpec((blk, HHF), lambda i: (i, 0)),
            pl.BlockSpec((blk, HHF), lambda i: (i, 0)),
            pl.BlockSpec((blk, 16), lambda i: (i, 0)),
            pl.BlockSpec((blk, 16), lambda i: (i, 0)),
            pl.BlockSpec((4, HHF), lambda i: (0, 0)),
        ],
        out_specs=pl.BlockSpec((blk, HF), lambda i: (i, 0)),
        out_shape=jax.ShapeDtypeStruct((N, HF), jnp.float32),
    )(numa, numb, s0, s1, r4)

    return out

# --- scband reference (transcript-rebuilt; emitter-appended) ---
"""Pipeline reference for scband-gatlayer-17678085390351 (READ-ONLY COPY).

The authoritative reference and input builder live on the scoring server;
editing this copy changes nothing except your own understanding.
"""

import jax, jax.numpy as jnp
import numpy as np

N = 10000
E = 320000
D = 128
H = 8
F = 32
NEG_SLOPE = 0.2


def setup_inputs(seed: int = 0) -> dict:
    key = jax.random.key(seed)
    k1, k2, k3, k4, k5, k6 = jax.random.split(key, 6)
    feat = jax.random.normal(k1, (N, D), dtype=jnp.float32)
    dist = jax.random.uniform(k2, (E, 1, 1), dtype=jnp.float32)
    edge_index = jax.random.randint(k3, (2, E), 0, N).astype(jnp.int64)
    # dense kernel (no bias), variance-scaling-ish init
    fan_avg = (D + H * F) / 2.0
    std_w = float(np.sqrt(np.sqrt(2.0) / fan_avg))
    W = (jax.random.normal(k4, (D, H * F)) * std_w).astype(jnp.float32)
    fan_avg_att = (1 + H * F) / 2.0
    std_a = float(np.sqrt(np.sqrt(2.0) / fan_avg_att))
    w_att_src = (jax.random.normal(k5, (1, H, F)) * std_a).astype(jnp.float32)
    w_att_dst = (jax.random.normal(k6, (1, H, F)) * std_a).astype(jnp.float32)
    return {"feat": feat, "dist": dist, "edge_index": edge_index,
            "W": W, "w_att_src": w_att_src, "w_att_dst": w_att_dst}


def reference(feat, dist, edge_index, W, w_att_src, w_att_dst):
    # dense projection (activation=None, bias=False)
    ft = (feat @ W).reshape(-1, H, F)  # [N, H, F]
    e_src = jnp.sum(ft * w_att_src, axis=-1, keepdims=True)  # [N, H, 1]
    e_dst = jnp.sum(ft * w_att_dst, axis=-1, keepdims=True)  # [N, H, 1]
    src = edge_index[0]
    dst = edge_index[1]
    # u_add_v: e_ij = e_src[u] + e_dst[v]
    e = e_src[src] + e_dst[dst]  # [E, H, 1]
    # leaky relu
    e = jnp.where(e > 0, e, NEG_SLOPE * e)
    # edge_softmax over incoming edges (grouped by dst)
    m = jax.ops.segment_max(e, dst, num_segments=N)  # [N, H, 1]
    e_exp = jnp.exp(e - m[dst])
    s = jax.ops.segment_sum(e_exp, dst, num_segments=N)  # [N, H, 1]
    a = e_exp / s[dst]
    a = a * dist  # scale attention by distance factor
    # u_mul_e + sum aggregation
    msg = ft[src] * a  # [E, H, F]
    out = jax.ops.segment_sum(msg, dst, num_segments=N)  # [N, H, F]
    return out.reshape(-1, H * F)

if __name__ == "__main__":
    import jax
    _d = setup_inputs()
    print(jax.jit(kernel)(*tuple(_d.values())))

</pallas_src>

<mosaic_0001>
#map = affine_map<(d0, d1) -> (0, 0)>
#map1 = affine_map<(d0, d1) -> (0)>
module attributes {stable_mosaic.version = 14 : i64} {
  func.func @_pass1_body(%arg0: i32, %arg1: i32, %arg2: memref<10000x16xf32, #tpu.memory_space<hbm>>, %arg3: memref<10000x16xf32, #tpu.memory_space<hbm>>, %arg4: memref<320000xi32, #tpu.memory_space<hbm>>, %arg5: memref<320000xi32, #tpu.memory_space<hbm>>, %arg6: memref<320000xf32, #tpu.memory_space<hbm>>, %arg7: memref<320000x16xf32, #tpu.memory_space<hbm>>, %arg8: memref<10240x16xf32, #tpu.memory_space<hbm>>, %arg9: memref<10240x16xf32, #tpu.memory_space<hbm>>, %arg10: memref<400xi32, #tpu.memory_space<vmem>>, %arg11: memref<400xi32, #tpu.memory_space<vmem>>, %arg12: memref<400xf32, #tpu.memory_space<vmem>>, %arg13: memref<400x16xf32, #tpu.memory_space<vmem>>, %arg14: memref<400x16xf32, #tpu.memory_space<vmem>>, %arg15: memref<400x16xf32, #tpu.memory_space<vmem>>, %arg16: memref<400x16xf32, #tpu.memory_space<vmem>>, %arg17: memref<10240x16xf32, #tpu.memory_space<vmem_shared>>) attributes {dimension_semantics = [#tpu.dimension_semantics<core_parallel>, #tpu.dimension_semantics<subcore_parallel>], iteration_bounds = array<i64: 2, 16>, scalar_prefetch = 0 : i64, scratch_operands = 8 : i64, tpu.core_type = #tpu.core_type<sc_vector_subcore>, window_params = [{transform_indices = #map}, {transform_indices = #map}, {transform_indices = #map1}, {transform_indices = #map1}, {transform_indices = #map1}, {transform_indices = #map}, {transform_indices = #map}, {transform_indices = #map}]} {
    %mul3A = arith.constant 2 : i32
    %mul3A_0 = arith.muli %arg1, %mul3A : i32
    %add3A = arith.addi %mul3A_0, %arg0 : i32
    %iota3A = tpu.iota {dimensions = array<i32: 0>} : vector<16xi32>
    %and3A = arith.constant 7 : i32
    %and3A_1 = vector.broadcast %and3A : i32 to vector<16xi32>
    %and3A_2 = arith.andi %iota3A, %and3A_1 : vector<16xi32>
    %add3A_3 = arith.constant 8 : i32
    %add3A_4 = vector.broadcast %add3A_3 : i32 to vector<16xi32>
    %add3A_5 = arith.addi %and3A_2, %add3A_4 : vector<16xi32>
    %lt3A = arith.constant 8 : i32
    %lt3A_6 = vector.broadcast %lt3A : i32 to vector<16xi32>
    %lt3A_7 = arith.cmpi slt, %iota3A, %lt3A_6 : vector<16xi32>
    %scan3A = arith.constant 0 : i32
    %scan3A_8 = arith.constant 128 : i32
    %scan3A_9 = arith.addi %scan3A, %scan3A_8 : i32
    %scan3A_10 = arith.constant 1 : i32
    scf.for %scan3A_34 = %scan3A to %scan3A_9 step %scan3A_10  : i32 {
      %mul3A_35 = arith.constant 1 : i32
      %mul3A_36 = arith.muli %scan3A_34, %mul3A_35 : i32
      %add3A_37 = arith.constant 0 : i32
      %add3A_38 = arith.addi %add3A_37, %mul3A_36 : i32
      %broadcast_in_dim3A = arith.constant 0.000000e+00 : f32
      %broadcast_in_dim3A_39 = vector.broadcast %broadcast_in_dim3A : f32 to vector<16xf32>
      %swap3A = arith.index_cast %add3A_38 : i32 to index
      %swap3A_40 = arith.constant 0 : index
      %swap3A_41 = tpu.vector_load %arg15[%swap3A, %swap3A_40] {strides = array<i32>} : memref<400x16xf32, #tpu.memory_space<vmem>>, vector<1x16xf32>,
      %swap3A_42 = vector.shape_cast %swap3A_41 : vector<1x16xf32> to vector<16xf32>
      %swap3A_43 = vector.shape_cast %broadcast_in_dim3A_39 : vector<16xf32> to vector<1x16xf32>
      tpu.vector_store %arg15[%swap3A, %swap3A_40], %swap3A_43 {strides = array<i32>} : memref<400x16xf32, #tpu.memory_space<vmem>>, vector<1x16xf32>,
    }
    %scan3A_11 = arith.constant 128 : i32
    %scan3A_12 = arith.constant 0 : i32
    %scan3A_13 = arith.constant 5 : i32
    %scan3A_14 = arith.addi %scan3A_12, %scan3A_13 : i32
    %scan3A_15 = arith.constant 1 : i32
    scf.for %scan3A_34 = %scan3A_12 to %scan3A_14 step %scan3A_15  : i32 {
      %mul3A_35 = arith.constant 1 : i32
      %mul3A_36 = arith.muli %scan3A_34, %mul3A_35 : i32
      %add3A_37 = arith.constant 0 : i32
      %add3A_38 = arith.addi %add3A_37, %mul3A_36 : i32
      %mul3A_39 = arith.constant 640 : i32
      %mul3A_40 = arith.muli %arg1, %mul3A_39 : i32
      %mul3A_41 = arith.constant 128 : i32
      %mul3A_42 = arith.muli %add3A_38, %mul3A_41 : i32
      %add3A_43 = arith.addi %mul3A_40, %mul3A_42 : i32
      "tpu.region"() ({
        %run_scoped3A = tpu.sem_alloc : memref<!tpu.dma_semaphore, #tpu.memory_space<semaphore_mem>>
        %dma_start3A = arith.constant 0 : i32
        %dma_start3A_44 = arith.constant 0 : i32
        %dma_start3A_45 = tpu.memref_slice %arg15[%dma_start3A, %dma_start3A_44] : memref<400x16xf32, #tpu.memory_space<vmem>> -> memref<128x16xf32, #tpu.memory_space<vmem>>
        %dma_start3A_46 = arith.constant 0 : i32
        %dma_start3A_47 = tpu.memref_slice %arg17[%add3A_43, %dma_start3A_46] : memref<10240x16xf32, #tpu.memory_space<vmem_shared>> -> memref<128x16xf32, #tpu.memory_space<vmem_shared>>
        %dma_start3A_48 = arith.constant 0 : i32
        %dma_start3A_49 = tpu.memref_slice %arg17[%add3A_43, %dma_start3A_48] : memref<10240x16xf32, #tpu.memory_space<vmem_shared>> -> memref<128x16xf32, #tpu.memory_space<vmem_shared>>
        %dma_start3A_50 = arith.constant 0 : i32
        %dma_start3A_51 = arith.constant 0 : i32
        %dma_start3A_52 = tpu.memref_slice %arg15[%dma_start3A_50, %dma_start3A_51] : memref<400x16xf32, #tpu.memory_space<vmem>> -> memref<128x16xf32, #tpu.memory_space<vmem>>
        tpu.enqueue_dma source(%dma_start3A_52 : memref<128x16xf32, #tpu.memory_space<vmem>>) target(%dma_start3A_49 : memref<128x16xf32, #tpu.memory_space<vmem_shared>>) target_semaphore(%run_scoped3A : memref<!tpu.dma_semaphore, #tpu.memory_space<semaphore_mem>>)
        %dma_wait3A = arith.constant 0 : i32
        %dma_wait3A_53 = arith.constant 0 : i32
        %dma_wait3A_54 = tpu.memref_slice %arg15[%dma_wait3A, %dma_wait3A_53] : memref<400x16xf32, #tpu.memory_space<vmem>> -> memref<128x16xf32, #tpu.memory_space<vmem>>
        %dma_wait3A_55 = arith.constant 0 : i32
        %dma_wait3A_56 = tpu.memref_slice %arg17[%add3A_43, %dma_wait3A_55] : memref<10240x16xf32, #tpu.memory_space<vmem_shared>> -> memref<128x16xf32, #tpu.memory_space<vmem_shared>>
        %dma_wait3A_57 = arith.constant 0 : i32
        %dma_wait3A_58 = tpu.memref_slice %arg17[%add3A_43, %dma_wait3A_57] : memref<10240x16xf32, #tpu.memory_space<vmem_shared>> -> memref<128x16xf32, #tpu.memory_space<vmem_shared>>
        %dma_wait3A_59 = arith.constant 0 : i32
        %dma_wait3A_60 = arith.constant 0 : i32
        %dma_wait3A_61 = tpu.memref_slice %arg15[%dma_wait3A_59, %dma_wait3A_60] : memref<400x16xf32, #tpu.memory_space<vmem>> -> memref<128x16xf32, #tpu.memory_space<vmem>>
        tpu.wait_dma2 semaphore(%run_scoped3A : memref<!tpu.dma_semaphore, #tpu.memory_space<semaphore_mem>>) src(%dma_wait3A_61 : memref<128x16xf32, #tpu.memory_space<vmem>>) dst(%dma_wait3A_58 : memref<128x16xf32, #tpu.memory_space<vmem_shared>>)
        tpu.yield
      }) : () -> ()
    }
    %scan3A_16 = arith.constant 5 : i32
    %barrier3A = arith.constant 0 : index
    tpu.barrier barrier_id(%barrier3A)
    %mul3A_17 = arith.constant 10000 : i32
    %mul3A_18 = arith.muli %add3A, %mul3A_17 : i32
    %scan3A_19 = arith.constant 0 : i32
    %scan3A_20 = arith.constant 25 : i32
    %scan3A_21 = arith.addi %scan3A_19, %scan3A_20 : i32
    %scan3A_22 = arith.constant 1 : i32
    scf.for %scan3A_34 = %scan3A_19 to %scan3A_21 step %scan3A_22  : i32 {
      %mul3A_35 = arith.constant 1 : i32
      %mul3A_36 = arith.muli %scan3A_34, %mul3A_35 : i32
      %add3A_37 = arith.constant 0 : i32
      %add3A_38 = arith.addi %add3A_37, %mul3A_36 : i32
      %mul3A_39 = arith.constant 400 : i32
      %mul3A_40 = arith.muli %add3A_38, %mul3A_39 : i32
      %add3A_41 = arith.addi %mul3A_18, %mul3A_40 : i32
      "tpu.region"() ({
        %run_scoped3A = tpu.sem_alloc : memref<!tpu.dma_semaphore, #tpu.memory_space<semaphore_mem>>
        %dma_start3A = tpu.memref_slice %arg4[%add3A_41] : memref<320000xi32, #tpu.memory_space<hbm>> -> memref<400xi32, #tpu.memory_space<hbm>>
        %dma_start3A_47 = tpu.memref_slice %arg4[%add3A_41] : memref<320000xi32, #tpu.memory_space<hbm>> -> memref<400xi32, #tpu.memory_space<hbm>>
        tpu.enqueue_dma source(%dma_start3A_47 : memref<400xi32, #tpu.memory_space<hbm>>) target(%arg10 : memref<400xi32, #tpu.memory_space<vmem>>) target_semaphore(%run_scoped3A : memref<!tpu.dma_semaphore, #tpu.memory_space<semaphore_mem>>)
        %dma_wait3A = tpu.memref_slice %arg4[%add3A_41] : memref<320000xi32, #tpu.memory_space<hbm>> -> memref<400xi32, #tpu.memory_space<hbm>>
        %dma_wait3A_48 = tpu.memref_slice %arg4[%add3A_41] : memref<320000xi32, #tpu.memory_space<hbm>> -> memref<400xi32, #tpu.memory_space<hbm>>
        tpu.wait_dma2 semaphore(%run_scoped3A : memref<!tpu.dma_semaphore, #tpu.memory_space<semaphore_mem>>) src(%dma_wait3A_48 : memref<400xi32, #tpu.memory_space<hbm>>) dst(%arg10 : memref<400xi32, #tpu.memory_space<vmem>>)
        tpu.yield
      }) : () -> ()
      "tpu.region"() ({
        %run_scoped3A = tpu.sem_alloc : memref<!tpu.dma_semaphore, #tpu.memory_space<semaphore_mem>>
        %dma_start3A = tpu.memref_slice %arg5[%add3A_41] : memref<320000xi32, #tpu.memory_space<hbm>> -> memref<400xi32, #tpu.memory_space<hbm>>
        %dma_start3A_47 = tpu.memref_slice %arg5[%add3A_41] : memref<320000xi32, #tpu.memory_space<hbm>> -> memref<400xi32, #tpu.memory_space<hbm>>
        tpu.enqueue_dma source(%dma_start3A_47 : memref<400xi32, #tpu.memory_space<hbm>>) target(%arg11 : memref<400xi32, #tpu.memory_space<vmem>>) target_semaphore(%run_scoped3A : memref<!tpu.dma_semaphore, #tpu.memory_space<semaphore_mem>>)
        %dma_wait3A = tpu.memref_slice %arg5[%add3A_41] : memref<320000xi32, #tpu.memory_space<hbm>> -> memref<400xi32, #tpu.memory_space<hbm>>
        %dma_wait3A_48 = tpu.memref_slice %arg5[%add3A_41] : memref<320000xi32, #tpu.memory_space<hbm>> -> memref<400xi32, #tpu.memory_space<hbm>>
        tpu.wait_dma2 semaphore(%run_scoped3A : memref<!tpu.dma_semaphore, #tpu.memory_space<semaphore_mem>>) src(%dma_wait3A_48 : memref<400xi32, #tpu.memory_space<hbm>>) dst(%arg11 : memref<400xi32, #tpu.memory_space<vmem>>)
        tpu.yield
      }) : () -> ()
      "tpu.region"() ({
        %run_scoped3A = tpu.sem_alloc : memref<!tpu.dma_semaphore, #tpu.memory_space<semaphore_mem>>
        %dma_start3A = tpu.memref_slice %arg6[%add3A_41] : memref<320000xf32, #tpu.memory_space<hbm>> -> memref<400xf32, #tpu.memory_space<hbm>>
        %dma_start3A_47 = tpu.memref_slice %arg6[%add3A_41] : memref<320000xf32, #tpu.memory_space<hbm>> -> memref<400xf32, #tpu.memory_space<hbm>>
        tpu.enqueue_dma source(%dma_start3A_47 : memref<400xf32, #tpu.memory_space<hbm>>) target(%arg12 : memref<400xf32, #tpu.memory_space<vmem>>) target_semaphore(%run_scoped3A : memref<!tpu.dma_semaphore, #tpu.memory_space<semaphore_mem>>)
        %dma_wait3A = tpu.memref_slice %arg6[%add3A_41] : memref<320000xf32, #tpu.memory_space<hbm>> -> memref<400xf32, #tpu.memory_space<hbm>>
        %dma_wait3A_48 = tpu.memref_slice %arg6[%add3A_41] : memref<320000xf32, #tpu.memory_space<hbm>> -> memref<400xf32, #tpu.memory_space<hbm>>
        tpu.wait_dma2 semaphore(%run_scoped3A : memref<!tpu.dma_semaphore, #tpu.memory_space<semaphore_mem>>) src(%dma_wait3A_48 : memref<400xf32, #tpu.memory_space<hbm>>) dst(%arg12 : memref<400xf32, #tpu.memory_space<vmem>>)
        tpu.yield
      }) : () -> ()
      "tpu.region"() ({
        %run_scoped3A = tpu.sem_alloc : memref<!tpu.dma_semaphore, #tpu.memory_space<semaphore_mem>>
        %dma_start3A = arith.constant 0 : i32
        %dma_start3A_47 = arith.constant 0 : i32
        %dma_start3A_48 = tpu.memref_slice %arg2[%dma_start3A, %dma_start3A_47] : memref<10000x16xf32, #tpu.memory_space<hbm>> -> memref<10000x16xf32, #tpu.memory_space<hbm>>
        tpu.enqueue_indirect_dma source(%dma_start3A_48 : memref<10000x16xf32, #tpu.memory_space<hbm>>) target(%arg13 : memref<400x16xf32, #tpu.memory_space<vmem>>) offsets(%arg10 : memref<400xi32, #tpu.memory_space<vmem>>) semaphore(%run_scoped3A : memref<!tpu.dma_semaphore, #tpu.memory_space<semaphore_mem>>)
        %dma_wait3A = arith.constant 0 : i32
        %dma_wait3A_49 = arith.constant 0 : i32
        %dma_wait3A_50 = tpu.memref_slice %arg2[%dma_wait3A, %dma_wait3A_49] : memref<10000x16xf32, #tpu.memory_space<hbm>> -> memref<10000x16xf32, #tpu.memory_space<hbm>>
        tpu.wait_indirect_dma semaphore(%run_scoped3A : memref<!tpu.dma_semaphore, #tpu.memory_space<semaphore_mem>>) src(%dma_wait3A_50 : memref<10000x16xf32, #tpu.memory_space<hbm>>) dst(%arg13 : memref<400x16xf32, #tpu.memory_space<vmem>>)
        tpu.yield
      }) : () -> ()
      "tpu.region"() ({
        %run_scoped3A = tpu.sem_alloc : memref<!tpu.dma_semaphore, #tpu.memory_space<semaphore_mem>>
        %dma_start3A = arith.constant 0 : i32
        %dma_start3A_47 = arith.constant 0 : i32
        %dma_start3A_48 = tpu.memref_slice %arg3[%dma_start3A, %dma_start3A_47] : memref<10000x16xf32, #tpu.memory_space<hbm>> -> memref<10000x16xf32, #tpu.memory_space<hbm>>
        tpu.enqueue_indirect_dma source(%dma_start3A_48 : memref<10000x16xf32, #tpu.memory_space<hbm>>) target(%arg14 : memref<400x16xf32, #tpu.memory_space<vmem>>) offsets(%arg11 : memref<400xi32, #tpu.memory_space<vmem>>) semaphore(%run_scoped3A : memref<!tpu.dma_semaphore, #tpu.memory_space<semaphore_mem>>)
        %dma_wait3A = arith.constant 0 : i32
        %dma_wait3A_49 = arith.constant 0 : i32
        %dma_wait3A_50 = tpu.memref_slice %arg3[%dma_wait3A, %dma_wait3A_49] : memref<10000x16xf32, #tpu.memory_space<hbm>> -> memref<10000x16xf32, #tpu.memory_space<hbm>>
        tpu.wait_indirect_dma semaphore(%run_scoped3A : memref<!tpu.dma_semaphore, #tpu.memory_space<semaphore_mem>>) src(%dma_wait3A_50 : memref<10000x16xf32, #tpu.memory_space<hbm>>) dst(%arg14 : memref<400x16xf32, #tpu.memory_space<vmem>>)
        tpu.yield
      }) : () -> ()
      %scan3A_42 = arith.constant 0 : i32
      %scan3A_43 = arith.constant 25 : i32
      %scan3A_44 = arith.addi %scan3A_42, %scan3A_43 : i32
      %scan3A_45 = arith.constant 1 : i32
      scf.for %scan3A_47 = %scan3A_42 to %scan3A_44 step %scan3A_45  : i32 {
        %mul3A_48 = arith.constant 1 : i32
        %mul3A_49 = arith.muli %scan3A_47, %mul3A_48 : i32
        %add3A_50 = arith.constant 0 : i32
        %add3A_51 = arith.addi %add3A_50, %mul3A_49 : i32
        %mul3A_52 = arith.constant 16 : i32
        %mul3A_53 = arith.muli %add3A_51, %mul3A_52 : i32
        %get3A = arith.index_cast %mul3A_53 : i32 to index
        %get3A_54 = tpu.vector_load %arg12[%get3A] {strides = array<i32>} : memref<400xf32, #tpu.memory_space<vmem>>, vector<16xf32>,
        %get3A_55 = vector.shape_cast %get3A_54 : vector<16xf32> to vector<16xf32>
        %mul3A_56 = arith.constant 16 : i32
        %mul3A_57 = arith.muli %add3A_51, %mul3A_56 : i32
        %add3A_58 = arith.constant 0 : i32
        %add3A_59 = arith.addi %mul3A_57, %add3A_58 : i32
        %get3A_60 = arith.index_cast %add3A_59 : i32 to index
        %get3A_61 = arith.constant 0 : index
        %get3A_62 = tpu.vector_load %arg13[%get3A_60, %get3A_61] {strides = array<i32>} : memref<400x16xf32, #tpu.memory_space<vmem>>, vector<1x16xf32>,
        %get3A_63 = vector.shape_cast %get3A_62 : vector<1x16xf32> to vector<16xf32>
        %get3A_64 = arith.index_cast %add3A_59 : i32 to index
        %get3A_65 = arith.constant 0 : index
        %get3A_66 = tpu.vector_load %arg14[%get3A_64, %get3A_65] {strides = array<i32>} : memref<400x16xf32, #tpu.memory_space<vmem>>, vector<1x16xf32>,
        %get3A_67 = vector.shape_cast %get3A_66 : vector<1x16xf32> to vector<16xf32>
        %add3A_68 = arith.addf %get3A_63, %get3A_67 : vector<16xf32>
        %gt3A = arith.constant 0.000000e+00 : f32
        %gt3A_69 = vector.broadcast %gt3A : f32 to vector<16xf32>
        %gt3A_70 = arith.cmpf ogt, %add3A_68, %gt3A_69 : vector<16xf32>
        %mul3A_71 = arith.constant 2.000000e-01 : f32
        %mul3A_72 = vector.broadcast %mul3A_71 : f32 to vector<16xf32>
        %mul3A_73 = arith.mulf %mul3A_72, %add3A_68 : vector<16xf32>
        %select_n3A = arith.select %gt3A_70, %add3A_68, %mul3A_73 : vector<16xi1>, vector<16xf32>
        %broadcast_in_dim3A = vector.shape_cast %add3A_5 : vector<16xi32> to vector<16x1xi32>
        %gather3A = vector.shape_cast %broadcast_in_dim3A : vector<16x1xi32> to vector<16xi32>
        %gather3A_74 = tpu.dynamic_gather %add3A_68[%gather3A] in [0] : vector<16xf32>, vector<16xi32> -> vector<16xf32>
        %sub3A = arith.subf %select_n3A, %gather3A_74 : vector<16xf32>
        %exp3A = math.exp %sub3A : vector<16xf32>
        %jit3A = arith.constant 0.000000e+00 : f32
        %broadcast_in_dim3A_75 = vector.broadcast %jit3A : f32 to vector<16xf32>
        %select_n3A_76 = arith.select %lt3A_7, %exp3A, %broadcast_in_dim3A_75 : vector<16xi1>, vector<16xf32>
        %swap3A = arith.index_cast %add3A_59 : i32 to index
        %swap3A_77 = arith.constant 0 : index
        %swap3A_78 = tpu.vector_load %arg15[%swap3A, %swap3A_77] {strides = array<i32>} : memref<400x16xf32, #tpu.memory_space<vmem>>, vector<1x16xf32>,
        %swap3A_79 = vector.shape_cast %swap3A_78 : vector<1x16xf32> to vector<16xf32>
        %swap3A_80 = vector.shape_cast %select_n3A_76 : vector<16xf32> to vector<1x16xf32>
        tpu.vector_store %arg15[%swap3A, %swap3A_77], %swap3A_80 {strides = array<i32>} : memref<400x16xf32, #tpu.memory_space<vmem>>, vector<1x16xf32>,
        %broadcast_in_dim3A_81 = arith.constant 0 : i32
        %broadcast_in_dim3A_82 = vector.broadcast %broadcast_in_dim3A_81 : i32 to vector<16xi32>
        %broadcast_in_dim3A_83 = vector.shape_cast %broadcast_in_dim3A_82 : vector<16xi32> to vector<16x1xi32>
        %gather3A_84 = vector.shape_cast %broadcast_in_dim3A_83 : vector<16x1xi32> to vector<16xi32>
        %gather3A_85 = tpu.dynamic_gather %get3A_55[%gather3A_84] in [0] : vector<16xf32>, vector<16xi32> -> vector<16xf32>
        %mul3A_86 = arith.mulf %select_n3A_76, %gather3A_85 : vector<16xf32>
        %swap3A_87 = arith.index_cast %add3A_59 : i32 to index
        %swap3A_88 = arith.constant 0 : index
        %swap3A_89 = tpu.vector_load %arg16[%swap3A_87, %swap3A_88] {strides = array<i32>} : memref<400x16xf32, #tpu.memory_space<vmem>>, vector<1x16xf32>,
        %swap3A_90 = vector.shape_cast %swap3A_89 : vector<1x16xf32> to vector<16xf32>
        %swap3A_91 = vector.shape_cast %mul3A_86 : vector<16xf32> to vector<1x16xf32>
        tpu.vector_store %arg16[%swap3A_87, %swap3A_88], %swap3A_91 {strides = array<i32>} : memref<400x16xf32, #tpu.memory_space<vmem>>, vector<1x16xf32>,
        %mul3A_92 = arith.constant 16 : i32
        %mul3A_93 = arith.muli %add3A_51, %mul3A_92 : i32
        %add3A_94 = arith.constant 1 : i32
        %add3A_95 = arith.addi %mul3A_93, %add3A_94 : i32
        %get3A_96 = arith.index_cast %add3A_95 : i32 to index
        %get3A_97 = arith.constant 0 : index
        %get3A_98 = tpu.vector_load %arg13[%get3A_96, %get3A_97] {strides = array<i32>} : memref<400x16xf32, #tpu.memory_space<vmem>>, vector<1x16xf32>,
        %get3A_99 = vector.shape_cast %get3A_98 : vector<1x16xf32> to vector<16xf32>
        %get3A_100 = arith.index_cast %add3A_95 : i32 to index
        %get3A_101 = arith.constant 0 : index
        %get3A_102 = tpu.vector_load %arg14[%get3A_100, %get3A_101] {strides = array<i32>} : memref<400x16xf32, #tpu.memory_space<vmem>>, vector<1x16xf32>,
        %get3A_103 = vector.shape_cast %get3A_102 : vector<1x16xf32> to vector<16xf32>
        %add3A_104 = arith.addf %get3A_99, %get3A_103 : vector<16xf32>
        %gt3A_105 = arith.constant 0.000000e+00 : f32
        %gt3A_106 = vector.broadcast %gt3A_105 : f32 to vector<16xf32>
        %gt3A_107 = arith.cmpf ogt, %add3A_104, %gt3A_106 : vector<16xf32>
        %mul3A_108 = arith.constant 2.000000e-01 : f32
        %mul3A_109 = vector.broadcast %mul3A_108 : f32 to vector<16xf32>
        %mul3A_110 = arith.mulf %mul3A_109, %add3A_104 : vector<16xf32>
        %select_n3A_111 = arith.select %gt3A_107, %add3A_104, %mul3A_110 : vector<16xi1>, vector<16xf32>
        %broadcast_in_dim3A_112 = vector.shape_cast %add3A_5 : vector<16xi32> to vector<16x1xi32>
        %gather3A_113 = vector.shape_cast %broadcast_in_dim3A_112 : vector<16x1xi32> to vector<16xi32>
        %gather3A_114 = tpu.dynamic_gather %add3A_104[%gather3A_113] in [0] : vector<16xf32>, vector<16xi32> -> vector<16xf32>
        %sub3A_115 = arith.subf %select_n3A_111, %gather3A_114 : vector<16xf32>
        %exp3A_116 = math.exp %sub3A_115 : vector<16xf32>
        %jit3A_117 = arith.constant 0.000000e+00 : f32
        %broadcast_in_dim3A_118 = vector.broadcast %jit3A_117 : f32 to vector<16xf32>
        %select_n3A_119 = arith.select %lt3A_7, %exp3A_116, %broadcast_in_dim3A_118 : vector<16xi1>, vector<16xf32>
        %swap3A_120 = arith.index_cast %add3A_95 : i32 to index
        %swap3A_121 = arith.constant 0 : index
        %swap3A_122 = tpu.vector_load %arg15[%swap3A_120, %swap3A_121] {strides = array<i32>} : memref<400x16xf32, #tpu.memory_space<vmem>>, vector<1x16xf32>,
        %swap3A_123 = vector.shape_cast %swap3A_122 : vector<1x16xf32> to vector<16xf32>
        %swap3A_124 = vector.shape_cast %select_n3A_119 : vector<16xf32> to vector<1x16xf32>
        tpu.vector_store %arg15[%swap3A_120, %swap3A_121], %swap3A_124 {strides = array<i32>} : memref<400x16xf32, #tpu.memory_space<vmem>>, vector<1x16xf32>,
        %broadcast_in_dim3A_125 = arith.constant 1 : i32
        %broadcast_in_dim3A_126 = vector.broadcast %broadcast_in_dim3A_125 : i32 to vector<16xi32>
        %broadcast_in_dim3A_127 = vector.shape_cast %broadcast_in_dim3A_126 : vector<16xi32> to vector<16x1xi32>
        %gather3A_128 = vector.shape_cast %broadcast_in_dim3A_127 : vector<16x1xi32> to vector<16xi32>
        %gather3A_129 = tpu.dynamic_gather %get3A_55[%gather3A_128] in [0] : vector<16xf32>, vector<16xi32> -> vector<16xf32>
        %mul3A_130 = arith.mulf %select_n3A_119, %gather3A_129 : vector<16xf32>
        %swap3A_131 = arith.index_cast %add3A_95 : i32 to index
        %swap3A_132 = arith.constant 0 : index
        %swap3A_133 = tpu.vector_load %arg16[%swap3A_131, %swap3A_132] {strides = array<i32>} : memref<400x16xf32, #tpu.memory_space<vmem>>, vector<1x16xf32>,
        %swap3A_134 = vector.shape_cast %swap3A_133 : vector<1x16xf32> to vector<16xf32>
        %swap3A_135 = vector.shape_cast %mul3A_130 : vector<16xf32> to vector<1x16xf32>
        tpu.vector_store %arg16[%swap3A_131, %swap3A_132], %swap3A_135 {strides = array<i32>} : memref<400x16xf32, #tpu.memory_space<vmem>>, vector<1x16xf32>,
        %mul3A_136 = arith.constant 16 : i32
        %mul3A_137 = arith.muli %add3A_51, %mul3A_136 : i32
        %add3A_138 = arith.constant 2 : i32
        %add3A_139 = arith.addi %mul3A_137, %add3A_138 : i32
        %get3A_140 = arith.index_cast %add3A_139 : i32 to index
        %get3A_141 = arith.constant 0 : index
        %get3A_142 = tpu.vector_load %arg13[%get3A_140, %get3A_141] {strides = array<i32>} : memref<400x16xf32, #tpu.memory_space<vmem>>, vector<1x16xf32>,
        %get3A_143 = vector.shape_cast %get3A_142 : vector<1x16xf32> to vector<16xf32>
        %get3A_144 = arith.index_cast %add3A_139 : i32 to index
        %get3A_145 = arith.constant 0 : index
        %get3A_146 = tpu.vector_load %arg14[%get3A_144, %get3A_145] {strides = array<i32>} : memref<400x16xf32, #tpu.memory_space<vmem>>, vector<1x16xf32>,
        %get3A_147 = vector.shape_cast %get3A_146 : vector<1x16xf32> to vector<16xf32>
        %add3A_148 = arith.addf %get3A_143, %get3A_147 : vector<16xf32>
        %gt3A_149 = arith.constant 0.000000e+00 : f32
        %gt3A_150 = vector.broadcast %gt3A_149 : f32 to vector<16xf32>
        %gt3A_151 = arith.cmpf ogt, %add3A_148, %gt3A_150 : vector<16xf32>
        %mul3A_152 = arith.constant 2.000000e-01 : f32
        %mul3A_153 = vector.broadcast %mul3A_152 : f32 to vector<16xf32>
        %mul3A_154 = arith.mulf %mul3A_153, %add3A_148 : vector<16xf32>
        %select_n3A_155 = arith.select %gt3A_151, %add3A_148, %mul3A_154 : vector<16xi1>, vector<16xf32>
        %broadcast_in_dim3A_156 = vector.shape_cast %add3A_5 : vector<16xi32> to vector<16x1xi32>
        %gather3A_157 = vector.shape_cast %broadcast_in_dim3A_156 : vector<16x1xi32> to vector<16xi32>
        %gather3A_158 = tpu.dynamic_gather %add3A_148[%gather3A_157] in [0] : vector<16xf32>, vector<16xi32> -> vector<16xf32>
        %sub3A_159 = arith.subf %select_n3A_155, %gather3A_158 : vector<16xf32>
        %exp3A_160 = math.exp %sub3A_159 : vector<16xf32>
        %jit3A_161 = arith.constant 0.000000e+00 : f32
        %broadcast_in_dim3A_162 = vector.broadcast %jit3A_161 : f32 to vector<16xf32>
        %select_n3A_163 = arith.select %lt3A_7, %exp3A_160, %broadcast_in_dim3A_162 : vector<16xi1>, vector<16xf32>
        %swap3A_164 = arith.index_cast %add3A_139 : i32 to index
        %swap3A_165 = arith.constant 0 : index
        %swap3A_166 = tpu.vector_load %arg15[%swap3A_164, %swap3A_165] {strides = array<i32>} : memref<400x16xf32, #tpu.memory_space<vmem>>, vector<1x16xf32>,
        %swap3A_167 = vector.shape_cast %swap3A_166 : vector<1x16xf32> to vector<16xf32>
        %swap3A_168 = vector.shape_cast %select_n3A_163 : vector<16xf32> to vector<1x16xf32>
        tpu.vector_store %arg15[%swap3A_164, %swap3A_165], %swap3A_168 {strides = array<i32>} : memref<400x16xf32, #tpu.memory_space<vmem>>, vector<1x16xf32>,
        %broadcast_in_dim3A_169 = arith.constant 2 : i32
        %broadcast_in_dim3A_170 = vector.broadcast %broadcast_in_dim3A_169 : i32 to vector<16xi32>
        %broadcast_in_dim3A_171 = vector.shape_cast %broadcast_in_dim3A_170 : vector<16xi32> to vector<16x1xi32>
        %gather3A_172 = vector.shape_cast %broadcast_in_dim3A_171 : vector<16x1xi32> to vector<16xi32>
        %gather3A_173 = tpu.dynamic_gather %get3A_55[%gather3A_172] in [0] : vector<16xf32>, vector<16xi32> -> vector<16xf32>
        %mul3A_174 = arith.mulf %select_n3A_163, %gather3A_173 : vector<16xf32>
        %swap3A_175 = arith.index_cast %add3A_139 : i32 to index
        %swap3A_176 = arith.constant 0 : index
        %swap3A_177 = tpu.vector_load %arg16[%swap3A_175, %swap3A_176] {strides = array<i32>} : memref<400x16xf32, #tpu.memory_space<vmem>>, vector<1x16xf32>,
        %swap3A_178 = vector.shape_cast %swap3A_177 : vector<1x16xf32> to vector<16xf32>
        %swap3A_179 = vector.shape_cast %mul3A_174 : vector<16xf32> to vector<1x16xf32>
        tpu.vector_store %arg16[%swap3A_175, %swap3A_176], %swap3A_179 {strides = array<i32>} : memref<400x16xf32, #tpu.memory_space<vmem>>, vector<1x16xf32>,
        %mul3A_180 = arith.constant 16 : i32
        %mul3A_181 = arith.muli %add3A_51, %mul3A_180 : i32
        %add3A_182 = arith.constant 3 : i32
        %add3A_183 = arith.addi %mul3A_181, %add3A_182 : i32
        %get3A_184 = arith.index_cast %add3A_183 : i32 to index
        %get3A_185 = arith.constant 0 : index
        %get3A_186 = tpu.vector_load %arg13[%get3A_184, %get3A_185] {strides = array<i32>} : memref<400x16xf32, #tpu.memory_space<vmem>>, vector<1x16xf32>,
        %get3A_187 = vector.shape_cast %get3A_186 : vector<1x16xf32> to vector<16xf32>
        %get3A_188 = arith.index_cast %add3A_183 : i32 to index
        %get3A_189 = arith.constant 0 : index
        %get3A_190 = tpu.vector_load %arg14[%get3A_188, %get3A_189] {strides = array<i32>} : memref<400x16xf32, #tpu.memory_space<vmem>>, vector<1x16xf32>,
        %get3A_191 = vector.shape_cast %get3A_190 : vector<1x16xf32> to vector<16xf32>
        %add3A_192 = arith.addf %get3A_187, %get3A_191 : vector<16xf32>
        %gt3A_193 = arith.constant 0.000000e+00 : f32
        %gt3A_194 = vector.broadcast %gt3A_193 : f32 to vector<16xf32>
        %gt3A_195 = arith.cmpf ogt, %add3A_192, %gt3A_194 : vector<16xf32>
        %mul3A_196 = arith.constant 2.000000e-01 : f32
        %mul3A_197 = vector.broadcast %mul3A_196 : f32 to vector<16xf32>
        %mul3A_198 = arith.mulf %mul3A_197, %add3A_192 : vector<16xf32>
        %select_n3A_199 = arith.select %gt3A_195, %add3A_192, %mul3A_198 : vector<16xi1>, vector<16xf32>
        %broadcast_in_dim3A_200 = vector.shape_cast %add3A_5 : vector<16xi32> to vector<16x1xi32>
        %gather3A_201 = vector.shape_cast %broadcast_in_dim3A_200 : vector<16x1xi32> to vector<16xi32>
        %gather3A_202 = tpu.dynamic_gather %add3A_192[%gather3A_201] in [0] : vector<16xf32>, vector<16xi32> -> vector<16xf32>
        %sub3A_203 = arith.subf %select_n3A_199, %gather3A_202 : vector<16xf32>
        %exp3A_204 = math.exp %sub3A_203 : vector<16xf32>
        %jit3A_205 = arith.constant 0.000000e+00 : f32
        %broadcast_in_dim3A_206 = vector.broadcast %jit3A_205 : f32 to vector<16xf32>
        %select_n3A_207 = arith.select %lt3A_7, %exp3A_204, %broadcast_in_dim3A_206 : vector<16xi1>, vector<16xf32>
        %swap3A_208 = arith.index_cast %add3A_183 : i32 to index
        %swap3A_209 = arith.constant 0 : index
        %swap3A_210 = tpu.vector_load %arg15[%swap3A_208, %swap3A_209] {strides = array<i32>} : memref<400x16xf32, #tpu.memory_space<vmem>>, vector<1x16xf32>,
        %swap3A_211 = vector.shape_cast %swap3A_210 : vector<1x16xf32> to vector<16xf32>
        %swap3A_212 = vector.shape_cast %select_n3A_207 : vector<16xf32> to vector<1x16xf32>
        tpu.vector_store %arg15[%swap3A_208, %swap3A_209], %swap3A_212 {strides = array<i32>} : memref<400x16xf32, #tpu.memory_space<vmem>>, vector<1x16xf32>,
        %broadcast_in_dim3A_213 = arith.constant 3 : i32
        %broadcast_in_dim3A_214 = vector.broadcast %broadcast_in_dim3A_213 : i32 to vector<16xi32>
        %broadcast_in_dim3A_215 = vector.shape_cast %broadcast_in_dim3A_214 : vector<16xi32> to vector<16x1xi32>
        %gather3A_216 = vector.shape_cast %broadcast_in_dim3A_215 : vector<16x1xi32> to vector<16xi32>
        %gather3A_217 = tpu.dynamic_gather %get3A_55[%gather3A_216] in [0] : vector<16xf32>, vector<16xi32> -> vector<16xf32>
        %mul3A_218 = arith.mulf %select_n3A_207, %gather3A_217 : vector<16xf32>
        %swap3A_219 = arith.index_cast %add3A_183 : i32 to index
        %swap3A_220 = arith.constant 0 : index
        %swap3A_221 = tpu.vector_load %arg16[%swap3A_219, %swap3A_220] {strides = array<i32>} : memref<400x16xf32, #tpu.memory_space<vmem>>, vector<1x16xf32>,
        %swap3A_222 = vector.shape_cast %swap3A_221 : vector<1x16xf32> to vector<16xf32>
        %swap3A_223 = vector.shape_cast %mul3A_218 : vector<16xf32> to vector<1x16xf32>
        tpu.vector_store %arg16[%swap3A_219, %swap3A_220], %swap3A_223 {strides = array<i32>} : memref<400x16xf32, #tpu.memory_space<vmem>>, vector<1x16xf32>,
        %mul3A_224 = arith.constant 16 : i32
        %mul3A_225 = arith.muli %add3A_51, %mul3A_224 : i32
        %add3A_226 = arith.constant 4 : i32
        %add3A_227 = arith.addi %mul3A_225, %add3A_226 : i32
        %get3A_228 = arith.index_cast %add3A_227 : i32 to index
        %get3A_229 = arith.constant 0 : index
        %get3A_230 = tpu.vector_load %arg13[%get3A_228, %get3A_229] {strides = array<i32>} : memref<400x16xf32, #tpu.memory_space<vmem>>, vector<1x16xf32>,
        %get3A_231 = vector.shape_cast %get3A_230 : vector<1x16xf32> to vector<16xf32>
        %get3A_232 = arith.index_cast %add3A_227 : i32 to index
        %get3A_233 = arith.constant 0 : index
        %get3A_234 = tpu.vector_load %arg14[%get3A_232, %get3A_233] {strides = array<i32>} : memref<400x16xf32, #tpu.memory_space<vmem>>, vector<1x16xf32>,
        %get3A_235 = vector.shape_cast %get3A_234 : vector<1x16xf32> to vector<16xf32>
        %add3A_236 = arith.addf %get3A_231, %get3A_235 : vector<16xf32>
        %gt3A_237 = arith.constant 0.000000e+00 : f32
        %gt3A_238 = vector.broadcast %gt3A_237 : f32 to vector<16xf32>
        %gt3A_239 = arith.cmpf ogt, %add3A_236, %gt3A_238 : vector<16xf32>
        %mul3A_240 = arith.constant 2.000000e-01 : f32
        %mul3A_241 = vector.broadcast %mul3A_240 : f32 to vector<16xf32>
        %mul3A_242 = arith.mulf %mul3A_241, %add3A_236 : vector<16xf32>
        %select_n3A_243 = arith.select %gt3A_239, %add3A_236, %mul3A_242 : vector<16xi1>, vector<16xf32>
        %broadcast_in_dim3A_244 = vector.shape_cast %add3A_5 : vector<16xi32> to vector<16x1xi32>
        %gather3A_245 = vector.shape_cast %broadcast_in_dim3A_244 : vector<16x1xi32> to vector<16xi32>
        %gather3A_246 = tpu.dynamic_gather %add3A_236[%gather3A_245] in [0] : vector<16xf32>, vector<16xi32> -> vector<16xf32>
        %sub3A_247 = arith.subf %select_n3A_243, %gather3A_246 : vector<16xf32>
        %exp3A_248 = math.exp %sub3A_247 : vector<16xf32>
        %jit3A_249 = arith.constant 0.000000e+00 : f32
        %broadcast_in_dim3A_250 = vector.broadcast %jit3A_249 : f32 to vector<16xf32>
        %select_n3A_251 = arith.select %lt3A_7, %exp3A_248, %broadcast_in_dim3A_250 : vector<16xi1>, vector<16xf32>
        %swap3A_252 = arith.index_cast %add3A_227 : i32 to index
        %swap3A_253 = arith.constant 0 : index
        %swap3A_254 = tpu.vector_load %arg15[%swap3A_252, %swap3A_253] {strides = array<i32>} : memref<400x16xf32, #tpu.memory_space<vmem>>, vector<1x16xf32>,
        %swap3A_255 = vector.shape_cast %swap3A_254 : vector<1x16xf32> to vector<16xf32>
        %swap3A_256 = vector.shape_cast %select_n3A_251 : vector<16xf32> to vector<1x16xf32>
        tpu.vector_store %arg15[%swap3A_252, %swap3A_253], %swap3A_256 {strides = array<i32>} : memref<400x16xf32, #tpu.memory_space<vmem>>, vector<1x16xf32>,
        %broadcast_in_dim3A_257 = arith.constant 4 : i32
        %broadcast_in_dim3A_258 = vector.broadcast %broadcast_in_dim3A_257 : i32 to vector<16xi32>
        %broadcast_in_dim3A_259 = vector.shape_cast %broadcast_in_dim3A_258 : vector<16xi32> to vector<16x1xi32>
        %gather3A_260 = vector.shape_cast %broadcast_in_dim3A_259 : vector<16x1xi32> to vector<16xi32>
        %gather3A_261 = tpu.dynamic_gather %get3A_55[%gather3A_260] in [0] : vector<16xf32>, vector<16xi32> -> vector<16xf32>
        %mul3A_262 = arith.mulf %select_n3A_251, %gather3A_261 : vector<16xf32>
        %swap3A_263 = arith.index_cast %add3A_227 : i32 to index
        %swap3A_264 = arith.constant 0 : index
        %swap3A_265 = tpu.vector_load %arg16[%swap3A_263, %swap3A_264] {strides = array<i32>} : memref<400x16xf32, #tpu.memory_space<vmem>>, vector<1x16xf32>,
        %swap3A_266 = vector.shape_cast %swap3A_265 : vector<1x16xf32> to vector<16xf32>
        %swap3A_267 = vector.shape_cast %mul3A_262 : vector<16xf32> to vector<1x16xf32>
        tpu.vector_store %arg16[%swap3A_263, %swap3A_264], %swap3A_267 {strides = array<i32>} : memref<400x16xf32, #tpu.memory_space<vmem>>, vector<1x16xf32>,
        %mul3A_268 = arith.constant 16 : i32
        %mul3A_269 = arith.muli %add3A_51, %mul3A_268 : i32
        %add3A_270 = arith.constant 5 : i32
        %add3A_271 = arith.addi %mul3A_269, %add3A_270 : i32
        %get3A_272 = arith.index_cast %add3A_271 : i32 to index
        %get3A_273 = arith.constant 0 : index
        %get3A_274 = tpu.vector_load %arg13[%get3A_272, %get3A_273] {strides = array<i32>} : memref<400x16xf32, #tpu.memory_space<vmem>>, vector<1x16xf32>,
        %get3A_275 = vector.shape_cast %get3A_274 : vector<1x16xf32> to vector<16xf32>
        %get3A_276 = arith.index_cast %add3A_271 : i32 to index
        %get3A_277 = arith.constant 0 : index
        %get3A_278 = tpu.vector_load %arg14[%get3A_276, %get3A_277] {strides = array<i32>} : memref<400x16xf32, #tpu.memory_space<vmem>>, vector<1x16xf32>,
        %get3A_279 = vector.shape_cast %get3A_278 : vector<1x16xf32> to vector<16xf32>
        %add3A_280 = arith.addf %get3A_275, %get3A_279 : vector<16xf32>
        %gt3A_281 = arith.constant 0.000000e+00 : f32
        %gt3A_282 = vector.broadcast %gt3A_281 : f32 to vector<16xf32>
        %gt3A_283 = arith.cmpf ogt, %add3A_280, %gt3A_282 : vector<16xf32>
        %mul3A_284 = arith.constant 2.000000e-01 : f32
        %mul3A_285 = vector.broadcast %mul3A_284 : f32 to vector<16xf32>
        %mul3A_286 = arith.mulf %mul3A_285, %add3A_280 : vector<16xf32>
        %select_n3A_287 = arith.select %gt3A_283, %add3A_280, %mul3A_286 : vector<16xi1>, vector<16xf32>
        %broadcast_in_dim3A_288 = vector.shape_cast %add3A_5 : vector<16xi32> to vector<16x1xi32>
        %gather3A_289 = vector.shape_cast %broadcast_in_dim3A_288 : vector<16x1xi32> to vector<16xi32>
        %gather3A_290 = tpu.dynamic_gather %add3A_280[%gather3A_289] in [0] : vector<16xf32>, vector<16xi32> -> vector<16xf32>
        %sub3A_291 = arith.subf %select_n3A_287, %gather3A_290 : vector<16xf32>
        %exp3A_292 = math.exp %sub3A_291 : vector<16xf32>
        %jit3A_293 = arith.constant 0.000000e+00 : f32
        %broadcast_in_dim3A_294 = vector.broadcast %jit3A_293 : f32 to vector<16xf32>
        %select_n3A_295 = arith.select %lt3A_7, %exp3A_292, %broadcast_in_dim3A_294 : vector<16xi1>, vector<16xf32>
        %swap3A_296 = arith.index_cast %add3A_271 : i32 to index
        %swap3A_297 = arith.constant 0 : index
        %swap3A_298 = tpu.vector_load %arg15[%swap3A_296, %swap3A_297] {strides = array<i32>} : memref<400x16xf32, #tpu.memory_space<vmem>>, vector<1x16xf32>,
        %swap3A_299 = vector.shape_cast %swap3A_298 : vector<1x16xf32> to vector<16xf32>
        %swap3A_300 = vector.shape_cast %select_n3A_295 : vector<16xf32> to vector<1x16xf32>
        tpu.vector_store %arg15[%swap3A_296, %swap3A_297], %swap3A_300 {strides = array<i32>} : memref<400x16xf32, #tpu.memory_space<vmem>>, vector<1x16xf32>,
        %broadcast_in_dim3A_301 = arith.constant 5 : i32
        %broadcast_in_dim3A_302 = vector.broadcast %broadcast_in_dim3A_301 : i32 to vector<16xi32>
        %broadcast_in_dim3A_303 = vector.shape_cast %broadcast_in_dim3A_302 : vector<16xi32> to vector<16x1xi32>
        %gather3A_304 = vector.shape_cast %broadcast_in_dim3A_303 : vector<16x1xi32> to vector<16xi32>
        %gather3A_305 = tpu.dynamic_gather %get3A_55[%gather3A_304] in [0] : vector<16xf32>, vector<16xi32> -> vector<16xf32>
        %mul3A_306 = arith.mulf %select_n3A_295, %gather3A_305 : vector<16xf32>
        %swap3A_307 = arith.index_cast %add3A_271 : i32 to index
        %swap3A_308 = arith.constant 0 : index
        %swap3A_309 = tpu.vector_load %arg16[%swap3A_307, %swap3A_308] {strides = array<i32>} : memref<400x16xf32, #tpu.memory_space<vmem>>, vector<1x16xf32>,
        %swap3A_310 = vector.shape_cast %swap3A_309 : vector<1x16xf32> to vector<16xf32>
        %swap3A_311 = vector.shape_cast %mul3A_306 : vector<16xf32> to vector<1x16xf32>
        tpu.vector_store %arg16[%swap3A_307, %swap3A_308], %swap3A_311 {strides = array<i32>} : memref<400x16xf32, #tpu.memory_space<vmem>>, vector<1x16xf32>,
        %mul3A_312 = arith.constant 16 : i32
        %mul3A_313 = arith.muli %add3A_51, %mul3A_312 : i32
        %add3A_314 = arith.constant 6 : i32
        %add3A_315 = arith.addi %mul3A_313, %add3A_314 : i32
        %get3A_316 = arith.index_cast %add3A_315 : i32 to index
        %get3A_317 = arith.constant 0 : index
        %get3A_318 = tpu.vector_load %arg13[%get3A_316, %get3A_317] {strides = array<i32>} : memref<400x16xf32, #tpu.memory_space<vmem>>, vector<1x16xf32>,
        %get3A_319 = vector.shape_cast %get3A_318 : vector<1x16xf32> to vector<16xf32>
        %get3A_320 = arith.index_cast %add3A_315 : i32 to index
        %get3A_321 = arith.constant 0 : index
        %get3A_322 = tpu.vector_load %arg14[%get3A_320, %get3A_321] {strides = array<i32>} : memref<400x16xf32, #tpu.memory_space<vmem>>, vector<1x16xf32>,
        %get3A_323 = vector.shape_cast %get3A_322 : vector<1x16xf32> to vector<16xf32>
        %add3A_324 = arith.addf %get3A_319, %get3A_323 : vector<16xf32>
        %gt3A_325 = arith.constant 0.000000e+00 : f32
        %gt3A_326 = vector.broadcast %gt3A_325 : f32 to vector<16xf32>
        %gt3A_327 = arith.cmpf ogt, %add3A_324, %gt3A_326 : vector<16xf32>
        %mul3A_328 = arith.constant 2.000000e-01 : f32
        %mul3A_329 = vector.broadcast %mul3A_328 : f32 to vector<16xf32>
        %mul3A_330 = arith.mulf %mul3A_329, %add3A_324 : vector<16xf32>
        %select_n3A_331 = arith.select %gt3A_327, %add3A_324, %mul3A_330 : vector<16xi1>, vector<16xf32>
        %broadcast_in_dim3A_332 = vector.shape_cast %add3A_5 : vector<16xi32> to vector<16x1xi32>
        %gather3A_333 = vector.shape_cast %broadcast_in_dim3A_332 : vector<16x1xi32> to vector<16xi32>
        %gather3A_334 = tpu.dynamic_gather %add3A_324[%gather3A_333] in [0] : vector<16xf32>, vector<16xi32> -> vector<16xf32>
        %sub3A_335 = arith.subf %select_n3A_331, %gather3A_334 : vector<16xf32>
        %exp3A_336 = math.exp %sub3A_335 : vector<16xf32>
        %jit3A_337 = arith.constant 0.000000e+00 : f32
        %broadcast_in_dim3A_338 = vector.broadcast %jit3A_337 : f32 to vector<16xf32>
        %select_n3A_339 = arith.select %lt3A_7, %exp3A_336, %broadcast_in_dim3A_338 : vector<16xi1>, vector<16xf32>
        %swap3A_340 = arith.index_cast %add3A_315 : i32 to index
        %swap3A_341 = arith.constant 0 : index
        %swap3A_342 = tpu.vector_load %arg15[%swap3A_340, %swap3A_341] {strides = array<i32>} : memref<400x16xf32, #tpu.memory_space<vmem>>, vector<1x16xf32>,
        %swap3A_343 = vector.shape_cast %swap3A_342 : vector<1x16xf32> to vector<16xf32>
        %swap3A_344 = vector.shape_cast %select_n3A_339 : vector<16xf32> to vector<1x16xf32>
        tpu.vector_store %arg15[%swap3A_340, %swap3A_341], %swap3A_344 {strides = array<i32>} : memref<400x16xf32, #tpu.memory_space<vmem>>, vector<1x16xf32>,
        %broadcast_in_dim3A_345 = arith.constant 6 : i32
        %broadcast_in_dim3A_346 = vector.broadcast %broadcast_in_dim3A_345 : i32 to vector<16xi32>
        %broadcast_in_dim3A_347 = vector.shape_cast %broadcast_in_dim3A_346 : vector<16xi32> to vector<16x1xi32>
        %gather3A_348 = vector.shape_cast %broadcast_in_dim3A_347 : vector<16x1xi32> to vector<16xi32>
        %gather3A_349 = tpu.dynamic_gather %get3A_55[%gather3A_348] in [0] : vector<16xf32>, vector<16xi32> -> vector<16xf32>
        %mul3A_350 = arith.mulf %select_n3A_339, %gather3A_349 : vector<16xf32>
        %swap3A_351 = arith.index_cast %add3A_315 : i32 to index
        %swap3A_352 = arith.constant 0 : index
        %swap3A_353 = tpu.vector_load %arg16[%swap3A_351, %swap3A_352] {strides = array<i32>} : memref<400x16xf32, #tpu.memory_space<vmem>>, vector<1x16xf32>,
        %swap3A_354 = vector.shape_cast %swap3A_353 : vector<1x16xf32> to vector<16xf32>
        %swap3A_355 = vector.shape_cast %mul3A_350 : vector<16xf32> to vector<1x16xf32>
        tpu.vector_store %arg16[%swap3A_351, %swap3A_352], %swap3A_355 {strides = array<i32>} : memref<400x16xf32, #tpu.memory_space<vmem>>, vector<1x16xf32>,
        %mul3A_356 = arith.constant 16 : i32
        %mul3A_357 = arith.muli %add3A_51, %mul3A_356 : i32
        %add3A_358 = arith.constant 7 : i32
        %add3A_359 = arith.addi %mul3A_357, %add3A_358 : i32
        %get3A_360 = arith.index_cast %add3A_359 : i32 to index
        %get3A_361 = arith.constant 0 : index
        %get3A_362 = tpu.vector_load %arg13[%get3A_360, %get3A_361] {strides = array<i32>} : memref<400x16xf32, #tpu.memory_space<vmem>>, vector<1x16xf32>,
        %get3A_363 = vector.shape_cast %get3A_362 : vector<1x16xf32> to vector<16xf32>
        %get3A_364 = arith.index_cast %add3A_359 : i32 to index
        %get3A_365 = arith.constant 0 : index
        %get3A_366 = tpu.vector_load %arg14[%get3A_364, %get3A_365] {strides = array<i32>} : memref<400x16xf32, #tpu.memory_space<vmem>>, vector<1x16xf32>,
        %get3A_367 = vector.shape_cast %get3A_366 : vector<1x16xf32> to vector<16xf32>
        %add3A_368 = arith.addf %get3A_363, %get3A_367 : vector<16xf32>
        %gt3A_369 = arith.constant 0.000000e+00 : f32
        %gt3A_370 = vector.broadcast %gt3A_369 : f32 to vector<16xf32>
        %gt3A_371 = arith.cmpf ogt, %add3A_368, %gt3A_370 : vector<16xf32>
        %mul3A_372 = arith.constant 2.000000e-01 : f32
        %mul3A_373 = vector.broadcast %mul3A_372 : f32 to vector<16xf32>
        %mul3A_374 = arith.mulf %mul3A_373, %add3A_368 : vector<16xf32>
        %select_n3A_375 = arith.select %gt3A_371, %add3A_368, %mul3A_374 : vector<16xi1>, vector<16xf32>
        %broadcast_in_dim3A_376 = vector.shape_cast %add3A_5 : vector<16xi32> to vector<16x1xi32>
        %gather3A_377 = vector.shape_cast %broadcast_in_dim3A_376 : vector<16x1xi32> to vector<16xi32>
        %gather3A_378 = tpu.dynamic_gather %add3A_368[%gather3A_377] in [0] : vector<16xf32>, vector<16xi32> -> vector<16xf32>
        %sub3A_379 = arith.subf %select_n3A_375, %gather3A_378 : vector<16xf32>
        %exp3A_380 = math.exp %sub3A_379 : vector<16xf32>
        %jit3A_381 = arith.constant 0.000000e+00 : f32
        %broadcast_in_dim3A_382 = vector.broadcast %jit3A_381 : f32 to vector<16xf32>
        %select_n3A_383 = arith.select %lt3A_7, %exp3A_380, %broadcast_in_dim3A_382 : vector<16xi1>, vector<16xf32>
        %swap3A_384 = arith.index_cast %add3A_359 : i32 to index
        %swap3A_385 = arith.constant 0 : index
        %swap3A_386 = tpu.vector_load %arg15[%swap3A_384, %swap3A_385] {strides = array<i32>} : memref<400x16xf32, #tpu.memory_space<vmem>>, vector<1x16xf32>,
        %swap3A_387 = vector.shape_cast %swap3A_386 : vector<1x16xf32> to vector<16xf32>
        %swap3A_388 = vector.shape_cast %select_n3A_383 : vector<16xf32> to vector<1x16xf32>
        tpu.vector_store %arg15[%swap3A_384, %swap3A_385], %swap3A_388 {strides = array<i32>} : memref<400x16xf32, #tpu.memory_space<vmem>>, vector<1x16xf32>,
        %broadcast_in_dim3A_389 = arith.constant 7 : i32
        %broadcast_in_dim3A_390 = vector.broadcast %broadcast_in_dim3A_389 : i32 to vector<16xi32>
        %broadcast_in_dim3A_391 = vector.shape_cast %broadcast_in_dim3A_390 : vector<16xi32> to vector<16x1xi32>
        %gather3A_392 = vector.shape_cast %broadcast_in_dim3A_391 : vector<16x1xi32> to vector<16xi32>
        %gather3A_393 = tpu.dynamic_gather %get3A_55[%gather3A_392] in [0] : vector<16xf32>, vector<16xi32> -> vector<16xf32>
        %mul3A_394 = arith.mulf %select_n3A_383, %gather3A_393 : vector<16xf32>
        %swap3A_395 = arith.index_cast %add3A_359 : i32 to index
        %swap3A_396 = arith.constant 0 : index
        %swap3A_397 = tpu.vector_load %arg16[%swap3A_395, %swap3A_396] {strides = array<i32>} : memref<400x16xf32, #tpu.memory_space<vmem>>, vector<1x16xf32>,
        %swap3A_398 = vector.shape_cast %swap3A_397 : vector<1x16xf32> to vector<16xf32>
        %swap3A_399 = vector.shape_cast %mul3A_394 : vector<16xf32> to vector<1x16xf32>
        tpu.vector_store %arg16[%swap3A_395, %swap3A_396], %swap3A_399 {strides = array<i32>} : memref<400x16xf32, #tpu.memory_space<vmem>>, vector<1x16xf32>,
        %mul3A_400 = arith.constant 16 : i32
        %mul3A_401 = arith.muli %add3A_51, %mul3A_400 : i32
        %add3A_402 = arith.constant 8 : i32
        %add3A_403 = arith.addi %mul3A_401, %add3A_402 : i32
        %get3A_404 = arith.index_cast %add3A_403 : i32 to index
        %get3A_405 = arith.constant 0 : index
        %get3A_406 = tpu.vector_load %arg13[%get3A_404, %get3A_405] {strides = array<i32>} : memref<400x16xf32, #tpu.memory_space<vmem>>, vector<1x16xf32>,
        %get3A_407 = vector.shape_cast %get3A_406 : vector<1x16xf32> to vector<16xf32>
        %get3A_408 = arith.index_cast %add3A_403 : i32 to index
        %get3A_409 = arith.constant 0 : index
        %get3A_410 = tpu.vector_load %arg14[%get3A_408, %get3A_409] {strides = array<i32>} : memref<400x16xf32, #tpu.memory_space<vmem>>, vector<1x16xf32>,
        %get3A_411 = vector.shape_cast %get3A_410 : vector<1x16xf32> to vector<16xf32>
        %add3A_412 = arith.addf %get3A_407, %get3A_411 : vector<16xf32>
        %gt3A_413 = arith.constant 0.000000e+00 : f32
        %gt3A_414 = vector.broadcast %gt3A_413 : f32 to vector<16xf32>
        %gt3A_415 = arith.cmpf ogt, %add3A_412, %gt3A_414 : vector<16xf32>
        %mul3A_416 = arith.constant 2.000000e-01 : f32
        %mul3A_417 = vector.broadcast %mul3A_416 : f32 to vector<16xf32>
        %mul3A_418 = arith.mulf %mul3A_417, %add3A_412 : vector<16xf32>
        %select_n3A_419 = arith.select %gt3A_415, %add3A_412, %mul3A_418 : vector<16xi1>, vector<16xf32>
        %broadcast_in_dim3A_420 = vector.shape_cast %add3A_5 : vector<16xi32> to vector<16x1xi32>
        %gather3A_421 = vector.shape_cast %broadcast_in_dim3A_420 : vector<16x1xi32> to vector<16xi32>
        %gather3A_422 = tpu.dynamic_gather %add3A_412[%gather3A_421] in [0] : vector<16xf32>, vector<16xi32> -> vector<16xf32>
        %sub3A_423 = arith.subf %select_n3A_419, %gather3A_422 : vector<16xf32>
        %exp3A_424 = math.exp %sub3A_423 : vector<16xf32>
        %jit3A_425 = arith.constant 0.000000e+00 : f32
        %broadcast_in_dim3A_426 = vector.broadcast %jit3A_425 : f32 to vector<16xf32>
        %select_n3A_427 = arith.select %lt3A_7, %exp3A_424, %broadcast_in_dim3A_426 : vector<16xi1>, vector<16xf32>
        %swap3A_428 = arith.index_cast %add3A_403 : i32 to index
        %swap3A_429 = arith.constant 0 : index
        %swap3A_430 = tpu.vector_load %arg15[%swap3A_428, %swap3A_429] {strides = array<i32>} : memref<400x16xf32, #tpu.memory_space<vmem>>, vector<1x16xf32>,
        %swap3A_431 = vector.shape_cast %swap3A_430 : vector<1x16xf32> to vector<16xf32>
        %swap3A_432 = vector.shape_cast %select_n3A_427 : vector<16xf32> to vector<1x16xf32>
        tpu.vector_store %arg15[%swap3A_428, %swap3A_429], %swap3A_432 {strides = array<i32>} : memref<400x16xf32, #tpu.memory_space<vmem>>, vector<1x16xf32>,
        %broadcast_in_dim3A_433 = arith.constant 8 : i32
        %broadcast_in_dim3A_434 = vector.broadcast %broadcast_in_dim3A_433 : i32 to vector<16xi32>
        %broadcast_in_dim3A_435 = vector.shape_cast %broadcast_in_dim3A_434 : vector<16xi32> to vector<16x1xi32>
        %gather3A_436 = vector.shape_cast %broadcast_in_dim3A_435 : vector<16x1xi32> to vector<16xi32>
        %gather3A_437 = tpu.dynamic_gather %get3A_55[%gather3A_436] in [0] : vector<16xf32>, vector<16xi32> -> vector<16xf32>
        %mul3A_438 = arith.mulf %select_n3A_427, %gather3A_437 : vector<16xf32>
        %swap3A_439 = arith.index_cast %add3A_403 : i32 to index
        %swap3A_440 = arith.constant 0 : index
        %swap3A_441 = tpu.vector_load %arg16[%swap3A_439, %swap3A_440] {strides = array<i32>} : memref<400x16xf32, #tpu.memory_space<vmem>>, vector<1x16xf32>,
        %swap3A_442 = vector.shape_cast %swap3A_441 : vector<1x16xf32> to vector<16xf32>
        %swap3A_443 = vector.shape_cast %mul3A_438 : vector<16xf32> to vector<1x16xf32>
        tpu.vector_store %arg16[%swap3A_439, %swap3A_440], %swap3A_443 {strides = array<i32>} : memref<400x16xf32, #tpu.memory_space<vmem>>, vector<1x16xf32>,
        %mul3A_444 = arith.constant 16 : i32
        %mul3A_445 = arith.muli %add3A_51, %mul3A_444 : i32
        %add3A_446 = arith.constant 9 : i32
        %add3A_447 = arith.addi %mul3A_445, %add3A_446 : i32
        %get3A_448 = arith.index_cast %add3A_447 : i32 to index
        %get3A_449 = arith.constant 0 : index
        %get3A_450 = tpu.vector_load %arg13[%get3A_448, %get3A_449] {strides = array<i32>} : memref<400x16xf32, #tpu.memory_space<vmem>>, vector<1x16xf32>,
        %get3A_451 = vector.shape_cast %get3A_450 : vector<1x16xf32> to vector<16xf32>
        %get3A_452 = arith.index_cast %add3A_447 : i32 to index
        %get3A_453 = arith.constant 0 : index
        %get3A_454 = tpu.vector_load %arg14[%get3A_452, %get3A_453] {strides = array<i32>} : memref<400x16xf32, #tpu.memory_space<vmem>>, vector<1x16xf32>,
        %get3A_455 = vector.shape_cast %get3A_454 : vector<1x16xf32> to vector<16xf32>
        %add3A_456 = arith.addf %get3A_451, %get3A_455 : vector<16xf32>
        %gt3A_457 = arith.constant 0.000000e+00 : f32
        %gt3A_458 = vector.broadcast %gt3A_457 : f32 to vector<16xf32>
        %gt3A_459 = arith.cmpf ogt, %add3A_456, %gt3A_458 : vector<16xf32>
        %mul3A_460 = arith.constant 2.000000e-01 : f32
        %mul3A_461 = vector.broadcast %mul3A_460 : f32 to vector<16xf32>
        %mul3A_462 = arith.mulf %mul3A_461, %add3A_456 : vector<16xf32>
        %select_n3A_463 = arith.select %gt3A_459, %add3A_456, %mul3A_462 : vector<16xi1>, vector<16xf32>
        %broadcast_in_dim3A_464 = vector.shape_cast %add3A_5 : vector<16xi32> to vector<16x1xi32>
        %gather3A_465 = vector.shape_cast %broadcast_in_dim3A_464 : vector<16x1xi32> to vector<16xi32>
        %gather3A_466 = tpu.dynamic_gather %add3A_456[%gather3A_465] in [0] : vector<16xf32>, vector<16xi32> -> vector<16xf32>
        %sub3A_467 = arith.subf %select_n3A_463, %gather3A_466 : vector<16xf32>
        %exp3A_468 = math.exp %sub3A_467 : vector<16xf32>
        %jit3A_469 = arith.constant 0.000000e+00 : f32
        %broadcast_in_dim3A_470 = vector.broadcast %jit3A_469 : f32 to vector<16xf32>
        %select_n3A_471 = arith.select %lt3A_7, %exp3A_468, %broadcast_in_dim3A_470 : vector<16xi1>, vector<16xf32>
        %swap3A_472 = arith.index_cast %add3A_447 : i32 to index
        %swap3A_473 = arith.constant 0 : index
        %swap3A_474 = tpu.vector_load %arg15[%swap3A_472, %swap3A_473] {strides = array<i32>} : memref<400x16xf32, #tpu.memory_space<vmem>>, vector<1x16xf32>,
        %swap3A_475 = vector.shape_cast %swap3A_474 : vector<1x16xf32> to vector<16xf32>
        %swap3A_476 = vector.shape_cast %select_n3A_471 : vector<16xf32> to vector<1x16xf32>
        tpu.vector_store %arg15[%swap3A_472, %swap3A_473], %swap3A_476 {strides = array<i32>} : memref<400x16xf32, #tpu.memory_space<vmem>>, vector<1x16xf32>,
        %broadcast_in_dim3A_477 = arith.constant 9 : i32
        %broadcast_in_dim3A_478 = vector.broadcast %broadcast_in_dim3A_477 : i32 to vector<16xi32>
        %broadcast_in_dim3A_479 = vector.shape_cast %broadcast_in_dim3A_478 : vector<16xi32> to vector<16x1xi32>
        %gather3A_480 = vector.shape_cast %broadcast_in_dim3A_479 : vector<16x1xi32> to vector<16xi32>
        %gather3A_481 = tpu.dynamic_gather %get3A_55[%gather3A_480] in [0] : vector<16xf32>, vector<16xi32> -> vector<16xf32>
        %mul3A_482 = arith.mulf %select_n3A_471, %gather3A_481 : vector<16xf32>
        %swap3A_483 = arith.index_cast %add3A_447 : i32 to index
        %swap3A_484 = arith.constant 0 : index
        %swap3A_485 = tpu.vector_load %arg16[%swap3A_483, %swap3A_484] {strides = array<i32>} : memref<400x16xf32, #tpu.memory_space<vmem>>, vector<1x16xf32>,
        %swap3A_486 = vector.shape_cast %swap3A_485 : vector<1x16xf32> to vector<16xf32>
        %swap3A_487 = vector.shape_cast %mul3A_482 : vector<16xf32> to vector<1x16xf32>
        tpu.vector_store %arg16[%swap3A_483, %swap3A_484], %swap3A_487 {strides = array<i32>} : memref<400x16xf32, #tpu.memory_space<vmem>>, vector<1x16xf32>,
        %mul3A_488 = arith.constant 16 : i32
        %mul3A_489 = arith.muli %add3A_51, %mul3A_488 : i32
        %add3A_490 = arith.constant 10 : i32
        %add3A_491 = arith.addi %mul3A_489, %add3A_490 : i32
        %get3A_492 = arith.index_cast %add3A_491 : i32 to index
        %get3A_493 = arith.constant 0 : index
        %get3A_494 = tpu.vector_load %arg13[%get3A_492, %get3A_493] {strides = array<i32>} : memref<400x16xf32, #tpu.memory_space<vmem>>, vector<1x16xf32>,
        %get3A_495 = vector.shape_cast %get3A_494 : vector<1x16xf32> to vector<16xf32>
        %get3A_496 = arith.index_cast %add3A_491 : i32 to index
        %get3A_497 = arith.constant 0 : index
        %get3A_498 = tpu.vector_load %arg14[%get3A_496, %get3A_497] {strides = array<i32>} : memref<400x16xf32, #tpu.memory_space<vmem>>, vector<1x16xf32>,
        %get3A_499 = vector.shape_cast %get3A_498 : vector<1x16xf32> to vector<16xf32>
        %add3A_500 = arith.addf %get3A_495, %get3A_499 : vector<16xf32>
        %gt3A_501 = arith.constant 0.000000e+00 : f32
        %gt3A_502 = vector.broadcast %gt3A_501 : f32 to vector<16xf32>
        %gt3A_503 = arith.cmpf ogt, %add3A_500, %gt3A_502 : vector<16xf32>
        %mul3A_504 = arith.constant 2.000000e-01 : f32
        %mul3A_505 = vector.broadcast %mul3A_504 : f32 to vector<16xf32>
        %mul3A_506 = arith.mulf %mul3A_505, %add3A_500 : vector<16xf32>
        %select_n3A_507 = arith.select %gt3A_503, %add3A_500, %mul3A_506 : vector<16xi1>, vector<16xf32>
        %broadcast_in_dim3A_508 = vector.shape_cast %add3A_5 : vector<16xi32> to vector<16x1xi32>
        %gather3A_509 = vector.shape_cast %broadcast_in_dim3A_508 : vector<16x1xi32> to vector<16xi32>
        %gather3A_510 = tpu.dynamic_gather %add3A_500[%gather3A_509] in [0] : vector<16xf32>, vector<16xi32> -> vector<16xf32>
        %sub3A_511 = arith.subf %select_n3A_507, %gather3A_510 : vector<16xf32>
        %exp3A_512 = math.exp %sub3A_511 : vector<16xf32>
        %jit3A_513 = arith.constant 0.000000e+00 : f32
        %broadcast_in_dim3A_514 = vector.broadcast %jit3A_513 : f32 to vector<16xf32>
        %select_n3A_515 = arith.select %lt3A_7, %exp3A_512, %broadcast_in_dim3A_514 : vector<16xi1>, vector<16xf32>
        %swap3A_516 = arith.index_cast %add3A_491 : i32 to index
        %swap3A_517 = arith.constant 0 : index
        %swap3A_518 = tpu.vector_load %arg15[%swap3A_516, %swap3A_517] {strides = array<i32>} : memref<400x16xf32, #tpu.memory_space<vmem>>, vector<1x16xf32>,
        %swap3A_519 = vector.shape_cast %swap3A_518 : vector<1x16xf32> to vector<16xf32>
        %swap3A_520 = vector.shape_cast %select_n3A_515 : vector<16xf32> to vector<1x16xf32>
        tpu.vector_store %arg15[%swap3A_516, %swap3A_517], %swap3A_520 {strides = array<i32>} : memref<400x16xf32, #tpu.memory_space<vmem>>, vector<1x16xf32>,
        %broadcast_in_dim3A_521 = arith.constant 10 : i32
        %broadcast_in_dim3A_522 = vector.broadcast %broadcast_in_dim3A_521 : i32 to vector<16xi32>
        %broadcast_in_dim3A_523 = vector.shape_cast %broadcast_in_dim3A_522 : vector<16xi32> to vector<16x1xi32>
        %gather3A_524 = vector.shape_cast %broadcast_in_dim3A_523 : vector<16x1xi32> to vector<16xi32>
        %gather3A_525 = tpu.dynamic_gather %get3A_55[%gather3A_524] in [0] : vector<16xf32>, vector<16xi32> -> vector<16xf32>
        %mul3A_526 = arith.mulf %select_n3A_515, %gather3A_525 : vector<16xf32>
        %swap3A_527 = arith.index_cast %add3A_491 : i32 to index
        %swap3A_528 = arith.constant 0 : index
        %swap3A_529 = tpu.vector_load %arg16[%swap3A_527, %swap3A_528] {strides = array<i32>} : memref<400x16xf32, #tpu.memory_space<vmem>>, vector<1x16xf32>,
        %swap3A_530 = vector.shape_cast %swap3A_529 : vector<1x16xf32> to vector<16xf32>
        %swap3A_531 = vector.shape_cast %mul3A_526 : vector<16xf32> to vector<1x16xf32>
        tpu.vector_store %arg16[%swap3A_527, %swap3A_528], %swap3A_531 {strides = array<i32>} : memref<400x16xf32, #tpu.memory_space<vmem>>, vector<1x16xf32>,
        %mul3A_532 = arith.constant 16 : i32
        %mul3A_533 = arith.muli %add3A_51, %mul3A_532 : i32
        %add3A_534 = arith.constant 11 : i32
        %add3A_535 = arith.addi %mul3A_533, %add3A_534 : i32
        %get3A_536 = arith.index_cast %add3A_535 : i32 to index
        %get3A_537 = arith.constant 0 : index
        %get3A_538 = tpu.vector_load %arg13[%get3A_536, %get3A_537] {strides = array<i32>} : memref<400x16xf32, #tpu.memory_space<vmem>>, vector<1x16xf32>,
        %get3A_539 = vector.shape_cast %get3A_538 : vector<1x16xf32> to vector<16xf32>
        %get3A_540 = arith.index_cast %add3A_535 : i32 to index
        %get3A_541 = arith.constant 0 : index
        %get3A_542 = tpu.vector_load %arg14[%get3A_540, %get3A_541] {strides = array<i32>} : memref<400x16xf32, #tpu.memory_space<vmem>>, vector<1x16xf32>,
        %get3A_543 = vector.shape_cast %get3A_542 : vector<1x16xf32> to vector<16xf32>
        %add3A_544 = arith.addf %get3A_539, %get3A_543 : vector<16xf32>
        %gt3A_545 = arith.constant 0.000000e+00 : f32
        %gt3A_546 = vector.broadcast %gt3A_545 : f32 to vector<16xf32>
        %gt3A_547 = arith.cmpf ogt, %add3A_544, %gt3A_546 : vector<16xf32>
        %mul3A_548 = arith.constant 2.000000e-01 : f32
        %mul3A_549 = vector.broadcast %mul3A_548 : f32 to vector<16xf32>
        %mul3A_550 = arith.mulf %mul3A_549, %add3A_544 : vector<16xf32>
        %select_n3A_551 = arith.select %gt3A_547, %add3A_544, %mul3A_550 : vector<16xi1>, vector<16xf32>
        %broadcast_in_dim3A_552 = vector.shape_cast %add3A_5 : vector<16xi32> to vector<16x1xi32>
        %gather3A_553 = vector.shape_cast %broadcast_in_dim3A_552 : vector<16x1xi32> to vector<16xi32>
        %gather3A_554 = tpu.dynamic_gather %add3A_544[%gather3A_553] in [0] : vector<16xf32>, vector<16xi32> -> vector<16xf32>
        %sub3A_555 = arith.subf %select_n3A_551, %gather3A_554 : vector<16xf32>
        %exp3A_556 = math.exp %sub3A_555 : vector<16xf32>
        %jit3A_557 = arith.constant 0.000000e+00 : f32
        %broadcast_in_dim3A_558 = vector.broadcast %jit3A_557 : f32 to vector<16xf32>
        %select_n3A_559 = arith.select %lt3A_7, %exp3A_556, %broadcast_in_dim3A_558 : vector<16xi1>, vector<16xf32>
        %swap3A_560 = arith.index_cast %add3A_535 : i32 to index
        %swap3A_561 = arith.constant 0 : index
        %swap3A_562 = tpu.vector_load %arg15[%swap3A_560, %swap3A_561] {strides = array<i32>} : memref<400x16xf32, #tpu.memory_space<vmem>>, vector<1x16xf32>,
        %swap3A_563 = vector.shape_cast %swap3A_562 : vector<1x16xf32> to vector<16xf32>
        %swap3A_564 = vector.shape_cast %select_n3A_559 : vector<16xf32> to vector<1x16xf32>
        tpu.vector_store %arg15[%swap3A_560, %swap3A_561], %swap3A_564 {strides = array<i32>} : memref<400x16xf32, #tpu.memory_space<vmem>>, vector<1x16xf32>,
        %broadcast_in_dim3A_565 = arith.constant 11 : i32
        %broadcast_in_dim3A_566 = vector.broadcast %broadcast_in_dim3A_565 : i32 to vector<16xi32>
        %broadcast_in_dim3A_567 = vector.shape_cast %broadcast_in_dim3A_566 : vector<16xi32> to vector<16x1xi32>
        %gather3A_568 = vector.shape_cast %broadcast_in_dim3A_567 : vector<16x1xi32> to vector<16xi32>
        %gather3A_569 = tpu.dynamic_gather %get3A_55[%gather3A_568] in [0] : vector<16xf32>, vector<16xi32> -> vector<16xf32>
        %mul3A_570 = arith.mulf %select_n3A_559, %gather3A_569 : vector<16xf32>
        %swap3A_571 = arith.index_cast %add3A_535 : i32 to index
        %swap3A_572 = arith.constant 0 : index
        %swap3A_573 = tpu.vector_load %arg16[%swap3A_571, %swap3A_572] {strides = array<i32>} : memref<400x16xf32, #tpu.memory_space<vmem>>, vector<1x16xf32>,
        %swap3A_574 = vector.shape_cast %swap3A_573 : vector<1x16xf32> to vector<16xf32>
        %swap3A_575 = vector.shape_cast %mul3A_570 : vector<16xf32> to vector<1x16xf32>
        tpu.vector_store %arg16[%swap3A_571, %swap3A_572], %swap3A_575 {strides = array<i32>} : memref<400x16xf32, #tpu.memory_space<vmem>>, vector<1x16xf32>,
        %mul3A_576 = arith.constant 16 : i32
        %mul3A_577 = arith.muli %add3A_51, %mul3A_576 : i32
        %add3A_578 = arith.constant 12 : i32
        %add3A_579 = arith.addi %mul3A_577, %add3A_578 : i32
        %get3A_580 = arith.index_cast %add3A_579 : i32 to index
        %get3A_581 = arith.constant 0 : index
        %get3A_582 = tpu.vector_load %arg13[%get3A_580, %get3A_581] {strides = array<i32>} : memref<400x16xf32, #tpu.memory_space<vmem>>, vector<1x16xf32>,
        %get3A_583 = vector.shape_cast %get3A_582 : vector<1x16xf32> to vector<16xf32>
        %get3A_584 = arith.index_cast %add3A_579 : i32 to index
        %get3A_585 = arith.constant 0 : index
        %get3A_586 = tpu.vector_load %arg14[%get3A_584, %get3A_585] {strides = array<i32>} : memref<400x16xf32, #tpu.memory_space<vmem>>, vector<1x16xf32>,
        %get3A_587 = vector.shape_cast %get3A_586 : vector<1x16xf32> to vector<16xf32>
        %add3A_588 = arith.addf %get3A_583, %get3A_587 : vector<16xf32>
        %gt3A_589 = arith.constant 0.000000e+00 : f32
        %gt3A_590 = vector.broadcast %gt3A_589 : f32 to vector<16xf32>
        %gt3A_591 = arith.cmpf ogt, %add3A_588, %gt3A_590 : vector<16xf32>
        %mul3A_592 = arith.constant 2.000000e-01 : f32
        %mul3A_593 = vector.broadcast %mul3A_592 : f32 to vector<16xf32>
        %mul3A_594 = arith.mulf %mul3A_593, %add3A_588 : vector<16xf32>
        %select_n3A_595 = arith.select %gt3A_591, %add3A_588, %mul3A_594 : vector<16xi1>, vector<16xf32>
        %broadcast_in_dim3A_596 = vector.shape_cast %add3A_5 : vector<16xi32> to vector<16x1xi32>
        %gather3A_597 = vector.shape_cast %broadcast_in_dim3A_596 : vector<16x1xi32> to vector<16xi32>
        %gather3A_598 = tpu.dynamic_gather %add3A_588[%gather3A_597] in [0] : vector<16xf32>, vector<16xi32> -> vector<16xf32>
        %sub3A_599 = arith.subf %select_n3A_595, %gather3A_598 : vector<16xf32>
        %exp3A_600 = math.exp %sub3A_599 : vector<16xf32>
        %jit3A_601 = arith.constant 0.000000e+00 : f32
        %broadcast_in_dim3A_602 = vector.broadcast %jit3A_601 : f32 to vector<16xf32>
        %select_n3A_603 = arith.select %lt3A_7, %exp3A_600, %broadcast_in_dim3A_602 : vector<16xi1>, vector<16xf32>
        %swap3A_604 = arith.index_cast %add3A_579 : i32 to index
        %swap3A_605 = arith.constant 0 : index
        %swap3A_606 = tpu.vector_load %arg15[%swap3A_604, %swap3A_605] {strides = array<i32>} : memref<400x16xf32, #tpu.memory_space<vmem>>, vector<1x16xf32>,
        %swap3A_607 = vector.shape_cast %swap3A_606 : vector<1x16xf32> to vector<16xf32>
        %swap3A_608 = vector.shape_cast %select_n3A_603 : vector<16xf32> to vector<1x16xf32>
        tpu.vector_store %arg15[%swap3A_604, %swap3A_605], %swap3A_608 {strides = array<i32>} : memref<400x16xf32, #tpu.memory_space<vmem>>, vector<1x16xf32>,
        %broadcast_in_dim3A_609 = arith.constant 12 : i32
        %broadcast_in_dim3A_610 = vector.broadcast %broadcast_in_dim3A_609 : i32 to vector<16xi32>
        %broadcast_in_dim3A_611 = vector.shape_cast %broadcast_in_dim3A_610 : vector<16xi32> to vector<16x1xi32>
        %gather3A_612 = vector.shape_cast %broadcast_in_dim3A_611 : vector<16x1xi32> to vector<16xi32>
        %gather3A_613 = tpu.dynamic_gather %get3A_55[%gather3A_612] in [0] : vector<16xf32>, vector<16xi32> -> vector<16xf32>
        %mul3A_614 = arith.mulf %select_n3A_603, %gather3A_613 : vector<16xf32>
        %swap3A_615 = arith.index_cast %add3A_579 : i32 to index
        %swap3A_616 = arith.constant 0 : index
        %swap3A_617 = tpu.vector_load %arg16[%swap3A_615, %swap3A_616] {strides = array<i32>} : memref<400x16xf32, #tpu.memory_space<vmem>>, vector<1x16xf32>,
        %swap3A_618 = vector.shape_cast %swap3A_617 : vector<1x16xf32> to vector<16xf32>
        %swap3A_619 = vector.shape_cast %mul3A_614 : vector<16xf32> to vector<1x16xf32>
        tpu.vector_store %arg16[%swap3A_615, %swap3A_616], %swap3A_619 {strides = array<i32>} : memref<400x16xf32, #tpu.memory_space<vmem>>, vector<1x16xf32>,
        %mul3A_620 = arith.constant 16 : i32
        %mul3A_621 = arith.muli %add3A_51, %mul3A_620 : i32
        %add3A_622 = arith.constant 13 : i32
        %add3A_623 = arith.addi %mul3A_621, %add3A_622 : i32
        %get3A_624 = arith.index_cast %add3A_623 : i32 to index
        %get3A_625 = arith.constant 0 : index
        %get3A_626 = tpu.vector_load %arg13[%get3A_624, %get3A_625] {strides = array<i32>} : memref<400x16xf32, #tpu.memory_space<vmem>>, vector<1x16xf32>,
        %get3A_627 = vector.shape_cast %get3A_626 : vector<1x16xf32> to vector<16xf32>
        %get3A_628 = arith.index_cast %add3A_623 : i32 to index
        %get3A_629 = arith.constant 0 : index
        %get3A_630 = tpu.vector_load %arg14[%get3A_628, %get3A_629] {strides = array<i32>} : memref<400x16xf32, #tpu.memory_space<vmem>>, vector<1x16xf32>,
        %get3A_631 = vector.shape_cast %get3A_630 : vector<1x16xf32> to vector<16xf32>
        %add3A_632 = arith.addf %get3A_627, %get3A_631 : vector<16xf32>
        %gt3A_633 = arith.constant 0.000000e+00 : f32
        %gt3A_634 = vector.broadcast %gt3A_633 : f32 to vector<16xf32>
        %gt3A_635 = arith.cmpf ogt, %add3A_632, %gt3A_634 : vector<16xf32>
        %mul3A_636 = arith.constant 2.000000e-01 : f32
        %mul3A_637 = vector.broadcast %mul3A_636 : f32 to vector<16xf32>
        %mul3A_638 = arith.mulf %mul3A_637, %add3A_632 : vector<16xf32>
        %select_n3A_639 = arith.select %gt3A_635, %add3A_632, %mul3A_638 : vector<16xi1>, vector<16xf32>
        %broadcast_in_dim3A_640 = vector.shape_cast %add3A_5 : vector<16xi32> to vector<16x1xi32>
        %gather3A_641 = vector.shape_cast %broadcast_in_dim3A_640 : vector<16x1xi32> to vector<16xi32>
        %gather3A_642 = tpu.dynamic_gather %add3A_632[%gather3A_641] in [0] : vector<16xf32>, vector<16xi32> -> vector<16xf32>
        %sub3A_643 = arith.subf %select_n3A_639, %gather3A_642 : vector<16xf32>
        %exp3A_644 = math.exp %sub3A_643 : vector<16xf32>
        %jit3A_645 = arith.constant 0.000000e+00 : f32
        %broadcast_in_dim3A_646 = vector.broadcast %jit3A_645 : f32 to vector<16xf32>
        %select_n3A_647 = arith.select %lt3A_7, %exp3A_644, %broadcast_in_dim3A_646 : vector<16xi1>, vector<16xf32>
        %swap3A_648 = arith.index_cast %add3A_623 : i32 to index
        %swap3A_649 = arith.constant 0 : index
        %swap3A_650 = tpu.vector_load %arg15[%swap3A_648, %swap3A_649] {strides = array<i32>} : memref<400x16xf32, #tpu.memory_space<vmem>>, vector<1x16xf32>,
        %swap3A_651 = vector.shape_cast %swap3A_650 : vector<1x16xf32> to vector<16xf32>
        %swap3A_652 = vector.shape_cast %select_n3A_647 : vector<16xf32> to vector<1x16xf32>
        tpu.vector_store %arg15[%swap3A_648, %swap3A_649], %swap3A_652 {strides = array<i32>} : memref<400x16xf32, #tpu.memory_space<vmem>>, vector<1x16xf32>,
        %broadcast_in_dim3A_653 = arith.constant 13 : i32
        %broadcast_in_dim3A_654 = vector.broadcast %broadcast_in_dim3A_653 : i32 to vector<16xi32>
        %broadcast_in_dim3A_655 = vector.shape_cast %broadcast_in_dim3A_654 : vector<16xi32> to vector<16x1xi32>
        %gather3A_656 = vector.shape_cast %broadcast_in_dim3A_655 : vector<16x1xi32> to vector<16xi32>
        %gather3A_657 = tpu.dynamic_gather %get3A_55[%gather3A_656] in [0] : vector<16xf32>, vector<16xi32> -> vector<16xf32>
        %mul3A_658 = arith.mulf %select_n3A_647, %gather3A_657 : vector<16xf32>
        %swap3A_659 = arith.index_cast %add3A_623 : i32 to index
        %swap3A_660 = arith.constant 0 : index
        %swap3A_661 = tpu.vector_load %arg16[%swap3A_659, %swap3A_660] {strides = array<i32>} : memref<400x16xf32, #tpu.memory_space<vmem>>, vector<1x16xf32>,
        %swap3A_662 = vector.shape_cast %swap3A_661 : vector<1x16xf32> to vector<16xf32>
        %swap3A_663 = vector.shape_cast %mul3A_658 : vector<16xf32> to vector<1x16xf32>
        tpu.vector_store %arg16[%swap3A_659, %swap3A_660], %swap3A_663 {strides = array<i32>} : memref<400x16xf32, #tpu.memory_space<vmem>>, vector<1x16xf32>,
        %mul3A_664 = arith.constant 16 : i32
        %mul3A_665 = arith.muli %add3A_51, %mul3A_664 : i32
        %add3A_666 = arith.constant 14 : i32
        %add3A_667 = arith.addi %mul3A_665, %add3A_666 : i32
        %get3A_668 = arith.index_cast %add3A_667 : i32 to index
        %get3A_669 = arith.constant 0 : index
        %get3A_670 = tpu.vector_load %arg13[%get3A_668, %get3A_669] {strides = array<i32>} : memref<400x16xf32, #tpu.memory_space<vmem>>, vector<1x16xf32>,
        %get3A_671 = vector.shape_cast %get3A_670 : vector<1x16xf32> to vector<16xf32>
        %get3A_672 = arith.index_cast %add3A_667 : i32 to index
        %get3A_673 = arith.constant 0 : index
        %get3A_674 = tpu.vector_load %arg14[%get3A_672, %get3A_673] {strides = array<i32>} : memref<400x16xf32, #tpu.memory_space<vmem>>, vector<1x16xf32>,
        %get3A_675 = vector.shape_cast %get3A_674 : vector<1x16xf32> to vector<16xf32>
        %add3A_676 = arith.addf %get3A_671, %get3A_675 : vector<16xf32>
        %gt3A_677 = arith.constant 0.000000e+00 : f32
        %gt3A_678 = vector.broadcast %gt3A_677 : f32 to vector<16xf32>
        %gt3A_679 = arith.cmpf ogt, %add3A_676, %gt3A_678 : vector<16xf32>
        %mul3A_680 = arith.constant 2.000000e-01 : f32
        %mul3A_681 = vector.broadcast %mul3A_680 : f32 to vector<16xf32>
        %mul3A_682 = arith.mulf %mul3A_681, %add3A_676 : vector<16xf32>
        %select_n3A_683 = arith.select %gt3A_679, %add3A_676, %mul3A_682 : vector<16xi1>, vector<16xf32>
        %broadcast_in_dim3A_684 = vector.shape_cast %add3A_5 : vector<16xi32> to vector<16x1xi32>
        %gather3A_685 = vector.shape_cast %broadcast_in_dim3A_684 : vector<16x1xi32> to vector<16xi32>
        %gather3A_686 = tpu.dynamic_gather %add3A_676[%gather3A_685] in [0] : vector<16xf32>, vector<16xi32> -> vector<16xf32>
        %sub3A_687 = arith.subf %select_n3A_683, %gather3A_686 : vector<16xf32>
        %exp3A_688 = math.exp %sub3A_687 : vector<16xf32>
        %jit3A_689 = arith.constant 0.000000e+00 : f32
        %broadcast_in_dim3A_690 = vector.broadcast %jit3A_689 : f32 to vector<16xf32>
        %select_n3A_691 = arith.select %lt3A_7, %exp3A_688, %broadcast_in_dim3A_690 : vector<16xi1>, vector<16xf32>
        %swap3A_692 = arith.index_cast %add3A_667 : i32 to index
        %swap3A_693 = arith.constant 0 : index
        %swap3A_694 = tpu.vector_load %arg15[%swap3A_692, %swap3A_693] {strides = array<i32>} : memref<400x16xf32, #tpu.memory_space<vmem>>, vector<1x16xf32>,
        %swap3A_695 = vector.shape_cast %swap3A_694 : vector<1x16xf32> to vector<16xf32>
        %swap3A_696 = vector.shape_cast %select_n3A_691 : vector<16xf32> to vector<1x16xf32>
        tpu.vector_store %arg15[%swap3A_692, %swap3A_693], %swap3A_696 {strides = array<i32>} : memref<400x16xf32, #tpu.memory_space<vmem>>, vector<1x16xf32>,
        %broadcast_in_dim3A_697 = arith.constant 14 : i32
        %broadcast_in_dim3A_698 = vector.broadcast %broadcast_in_dim3A_697 : i32 to vector<16xi32>
        %broadcast_in_dim3A_699 = vector.shape_cast %broadcast_in_dim3A_698 : vector<16xi32> to vector<16x1xi32>
        %gather3A_700 = vector.shape_cast %broadcast_in_dim3A_699 : vector<16x1xi32> to vector<16xi32>
        %gather3A_701 = tpu.dynamic_gather %get3A_55[%gather3A_700] in [0] : vector<16xf32>, vector<16xi32> -> vector<16xf32>
        %mul3A_702 = arith.mulf %select_n3A_691, %gather3A_701 : vector<16xf32>
        %swap3A_703 = arith.index_cast %add3A_667 : i32 to index
        %swap3A_704 = arith.constant 0 : index
        %swap3A_705 = tpu.vector_load %arg16[%swap3A_703, %swap3A_704] {strides = array<i32>} : memref<400x16xf32, #tpu.memory_space<vmem>>, vector<1x16xf32>,
        %swap3A_706 = vector.shape_cast %swap3A_705 : vector<1x16xf32> to vector<16xf32>
        %swap3A_707 = vector.shape_cast %mul3A_702 : vector<16xf32> to vector<1x16xf32>
        tpu.vector_store %arg16[%swap3A_703, %swap3A_704], %swap3A_707 {strides = array<i32>} : memref<400x16xf32, #tpu.memory_space<vmem>>, vector<1x16xf32>,
        %mul3A_708 = arith.constant 16 : i32
        %mul3A_709 = arith.muli %add3A_51, %mul3A_708 : i32
        %add3A_710 = arith.constant 15 : i32
        %add3A_711 = arith.addi %mul3A_709, %add3A_710 : i32
        %get3A_712 = arith.index_cast %add3A_711 : i32 to index
        %get3A_713 = arith.constant 0 : index
        %get3A_714 = tpu.vector_load %arg13[%get3A_712, %get3A_713] {strides = array<i32>} : memref<400x16xf32, #tpu.memory_space<vmem>>, vector<1x16xf32>,
        %get3A_715 = vector.shape_cast %get3A_714 : vector<1x16xf32> to vector<16xf32>
        %get3A_716 = arith.index_cast %add3A_711 : i32 to index
        %get3A_717 = arith.constant 0 : index
        %get3A_718 = tpu.vector_load %arg14[%get3A_716, %get3A_717] {strides = array<i32>} : memref<400x16xf32, #tpu.memory_space<vmem>>, vector<1x16xf32>,
        %get3A_719 = vector.shape_cast %get3A_718 : vector<1x16xf32> to vector<16xf32>
        %add3A_720 = arith.addf %get3A_715, %get3A_719 : vector<16xf32>
        %gt3A_721 = arith.constant 0.000000e+00 : f32
        %gt3A_722 = vector.broadcast %gt3A_721 : f32 to vector<16xf32>
        %gt3A_723 = arith.cmpf ogt, %add3A_720, %gt3A_722 : vector<16xf32>
        %mul3A_724 = arith.constant 2.000000e-01 : f32
        %mul3A_725 = vector.broadcast %mul3A_724 : f32 to vector<16xf32>
        %mul3A_726 = arith.mulf %mul3A_725, %add3A_720 : vector<16xf32>
        %select_n3A_727 = arith.select %gt3A_723, %add3A_720, %mul3A_726 : vector<16xi1>, vector<16xf32>
        %broadcast_in_dim3A_728 = vector.shape_cast %add3A_5 : vector<16xi32> to vector<16x1xi32>
        %gather3A_729 = vector.shape_cast %broadcast_in_dim3A_728 : vector<16x1xi32> to vector<16xi32>
        %gather3A_730 = tpu.dynamic_gather %add3A_720[%gather3A_729] in [0] : vector<16xf32>, vector<16xi32> -> vector<16xf32>
        %sub3A_731 = arith.subf %select_n3A_727, %gather3A_730 : vector<16xf32>
        %exp3A_732 = math.exp %sub3A_731 : vector<16xf32>
        %jit3A_733 = arith.constant 0.000000e+00 : f32
        %broadcast_in_dim3A_734 = vector.broadcast %jit3A_733 : f32 to vector<16xf32>
        %select_n3A_735 = arith.select %lt3A_7, %exp3A_732, %broadcast_in_dim3A_734 : vector<16xi1>, vector<16xf32>
        %swap3A_736 = arith.index_cast %add3A_711 : i32 to index
        %swap3A_737 = arith.constant 0 : index
        %swap3A_738 = tpu.vector_load %arg15[%swap3A_736, %swap3A_737] {strides = array<i32>} : memref<400x16xf32, #tpu.memory_space<vmem>>, vector<1x16xf32>,
        %swap3A_739 = vector.shape_cast %swap3A_738 : vector<1x16xf32> to vector<16xf32>
        %swap3A_740 = vector.shape_cast %select_n3A_735 : vector<16xf32> to vector<1x16xf32>
        tpu.vector_store %arg15[%swap3A_736, %swap3A_737], %swap3A_740 {strides = array<i32>} : memref<400x16xf32, #tpu.memory_space<vmem>>, vector<1x16xf32>,
        %broadcast_in_dim3A_741 = arith.constant 15 : i32
        %broadcast_in_dim3A_742 = vector.broadcast %broadcast_in_dim3A_741 : i32 to vector<16xi32>
        %broadcast_in_dim3A_743 = vector.shape_cast %broadcast_in_dim3A_742 : vector<16xi32> to vector<16x1xi32>
        %gather3A_744 = vector.shape_cast %broadcast_in_dim3A_743 : vector<16x1xi32> to vector<16xi32>
        %gather3A_745 = tpu.dynamic_gather %get3A_55[%gather3A_744] in [0] : vector<16xf32>, vector<16xi32> -> vector<16xf32>
        %mul3A_746 = arith.mulf %select_n3A_735, %gather3A_745 : vector<16xf32>
        %swap3A_747 = arith.index_cast %add3A_711 : i32 to index
        %swap3A_748 = arith.constant 0 : index
        %swap3A_749 = tpu.vector_load %arg16[%swap3A_747, %swap3A_748] {strides = array<i32>} : memref<400x16xf32, #tpu.memory_space<vmem>>, vector<1x16xf32>,
        %swap3A_750 = vector.shape_cast %swap3A_749 : vector<1x16xf32> to vector<16xf32>
        %swap3A_751 = vector.shape_cast %mul3A_746 : vector<16xf32> to vector<1x16xf32>
        tpu.vector_store %arg16[%swap3A_747, %swap3A_748], %swap3A_751 {strides = array<i32>} : memref<400x16xf32, #tpu.memory_space<vmem>>, vector<1x16xf32>,
      }
      %scan3A_46 = arith.constant 25 : i32
      "tpu.region"() ({
        %run_scoped3A = tpu.sem_alloc : memref<!tpu.dma_semaphore, #tpu.memory_space<semaphore_mem>>
        %dma_start3A = arith.constant 0 : i32
        %dma_start3A_47 = arith.constant 0 : i32
        %dma_start3A_48 = tpu.memref_slice %arg17[%dma_start3A, %dma_start3A_47] : memref<10240x16xf32, #tpu.memory_space<vmem_shared>> -> memref<10240x16xf32, #tpu.memory_space<vmem_shared>>
        tpu.enqueue_indirect_dma source(%arg15 : memref<400x16xf32, #tpu.memory_space<vmem>>) target(%dma_start3A_48 : memref<10240x16xf32, #tpu.memory_space<vmem_shared>>) offsets(%arg11 : memref<400xi32, #tpu.memory_space<vmem>>) semaphore(%run_scoped3A : memref<!tpu.dma_semaphore, #tpu.memory_space<semaphore_mem>>) {add = true}
        %dma_wait3A = arith.constant 0 : i32
        %dma_wait3A_49 = arith.constant 0 : i32
        %dma_wait3A_50 = tpu.memref_slice %arg17[%dma_wait3A, %dma_wait3A_49] : memref<10240x16xf32, #tpu.memory_space<vmem_shared>> -> memref<10240x16xf32, #tpu.memory_space<vmem_shared>>
        tpu.wait_indirect_dma semaphore(%run_scoped3A : memref<!tpu.dma_semaphore, #tpu.memory_space<semaphore_mem>>) src(%arg15 : memref<400x16xf32, #tpu.memory_space<vmem>>) dst(%dma_wait3A_50 : memref<10240x16xf32, #tpu.memory_space<vmem_shared>>)
        tpu.yield
      }) : () -> ()
      "tpu.region"() ({
        %run_scoped3A = tpu.sem_alloc : memref<!tpu.dma_semaphore, #tpu.memory_space<semaphore_mem>>
        %dma_start3A = arith.constant 0 : i32
        %dma_start3A_47 = tpu.memref_slice %arg7[%add3A_41, %dma_start3A] : memref<320000x16xf32, #tpu.memory_space<hbm>> -> memref<400x16xf32, #tpu.memory_space<hbm>>
        %dma_start3A_48 = arith.constant 0 : i32
        %dma_start3A_49 = tpu.memref_slice %arg7[%add3A_41, %dma_start3A_48] : memref<320000x16xf32, #tpu.memory_space<hbm>> -> memref<400x16xf32, #tpu.memory_space<hbm>>
        tpu.enqueue_dma source(%arg16 : memref<400x16xf32, #tpu.memory_space<vmem>>) target(%dma_start3A_49 : memref<400x16xf32, #tpu.memory_space<hbm>>) target_semaphore(%run_scoped3A : memref<!tpu.dma_semaphore, #tpu.memory_space<semaphore_mem>>)
        %dma_wait3A = arith.constant 0 : i32
        %dma_wait3A_50 = tpu.memref_slice %arg7[%add3A_41, %dma_wait3A] : memref<320000x16xf32, #tpu.memory_space<hbm>> -> memref<400x16xf32, #tpu.memory_space<hbm>>
        %dma_wait3A_51 = arith.constant 0 : i32
        %dma_wait3A_52 = tpu.memref_slice %arg7[%add3A_41, %dma_wait3A_51] : memref<320000x16xf32, #tpu.memory_space<hbm>> -> memref<400x16xf32, #tpu.memory_space<hbm>>
        tpu.wait_dma2 semaphore(%run_scoped3A : memref<!tpu.dma_semaphore, #tpu.memory_space<semaphore_mem>>) src(%arg16 : memref<400x16xf32, #tpu.memory_space<vmem>>) dst(%dma_wait3A_52 : memref<400x16xf32, #tpu.memory_space<hbm>>)
        tpu.yield
      }) : () -> ()
    }
    %scan3A_23 = arith.constant 25 : i32
    %barrier3A_24 = arith.constant 0 : index
    tpu.barrier barrier_id(%barrier3A_24)
    %mul3A_25 = arith.constant 640 : i32
    %mul3A_26 = arith.muli %arg1, %mul3A_25 : i32
    %eq3A = arith.constant 0 : i32
    %eq3A_27 = arith.cmpi eq, %arg0, %eq3A : i32
    %convert_element_type3A = arith.extui %eq3A_27 : i1 to i32
    %cond3A = arith.constant 0 : i32
    %cond3A_28 = arith.cmpi ne, %convert_element_type3A, %cond3A : i32
    scf.if %cond3A_28 {
      "tpu.region"() ({
        %run_scoped3A = tpu.sem_alloc : memref<!tpu.dma_semaphore, #tpu.memory_space<semaphore_mem>>
        %dma_start3A = arith.constant 0 : i32
        %dma_start3A_34 = tpu.memref_slice %arg8[%mul3A_26, %dma_start3A] : memref<10240x16xf32, #tpu.memory_space<hbm>> -> memref<640x16xf32, #tpu.memory_space<hbm>>
        %dma_start3A_35 = arith.constant 0 : i32
        %dma_start3A_36 = tpu.memref_slice %arg17[%mul3A_26, %dma_start3A_35] : memref<10240x16xf32, #tpu.memory_space<vmem_shared>> -> memref<640x16xf32, #tpu.memory_space<vmem_shared>>
        tpu.enqueue_dma source(%dma_start3A_36 : memref<640x16xf32, #tpu.memory_space<vmem_shared>>) target(%dma_start3A_34 : memref<640x16xf32, #tpu.memory_space<hbm>>) target_semaphore(%run_scoped3A : memref<!tpu.dma_semaphore, #tpu.memory_space<semaphore_mem>>)
        %dma_wait3A = arith.constant 0 : i32
        %dma_wait3A_37 = tpu.memref_slice %arg8[%mul3A_26, %dma_wait3A] : memref<10240x16xf32, #tpu.memory_space<hbm>> -> memref<640x16xf32, #tpu.memory_space<hbm>>
        %dma_wait3A_38 = arith.constant 0 : i32
        %dma_wait3A_39 = tpu.memref_slice %arg17[%mul3A_26, %dma_wait3A_38] : memref<10240x16xf32, #tpu.memory_space<vmem_shared>> -> memref<640x16xf32, #tpu.memory_space<vmem_shared>>
        tpu.wait_dma2 semaphore(%run_scoped3A : memref<!tpu.dma_semaphore, #tpu.memory_space<semaphore_mem>>) src(%dma_wait3A_39 : memref<640x16xf32, #tpu.memory_space<vmem_shared>>) dst(%dma_wait3A_37 : memref<640x16xf32, #tpu.memory_space<hbm>>)
        tpu.yield
      }) : () -> ()
    } else {
    }
    %eq3A_29 = arith.constant 1 : i32
    %eq3A_30 = arith.cmpi eq, %arg0, %eq3A_29 : i32
    %convert_element_type3A_31 = arith.extui %eq3A_30 : i1 to i32
    %cond3A_32 = arith.constant 0 : i32
    %cond3A_33 = arith.cmpi ne, %convert_element_type3A_31, %cond3A_32 : i32
    scf.if %cond3A_33 {
      "tpu.region"() ({
        %run_scoped3A = tpu.sem_alloc : memref<!tpu.dma_semaphore, #tpu.memory_space<semaphore_mem>>
        %dma_start3A = arith.constant 0 : i32
        %dma_start3A_34 = tpu.memref_slice %arg9[%mul3A_26, %dma_start3A] : memref<10240x16xf32, #tpu.memory_space<hbm>> -> memref<640x16xf32, #tpu.memory_space<hbm>>
        %dma_start3A_35 = arith.constant 0 : i32
        %dma_start3A_36 = tpu.memref_slice %arg17[%mul3A_26, %dma_start3A_35] : memref<10240x16xf32, #tpu.memory_space<vmem_shared>> -> memref<640x16xf32, #tpu.memory_space<vmem_shared>>
        tpu.enqueue_dma source(%dma_start3A_36 : memref<640x16xf32, #tpu.memory_space<vmem_shared>>) target(%dma_start3A_34 : memref<640x16xf32, #tpu.memory_space<hbm>>) target_semaphore(%run_scoped3A : memref<!tpu.dma_semaphore, #tpu.memory_space<semaphore_mem>>)
        %dma_wait3A = arith.constant 0 : i32
        %dma_wait3A_37 = tpu.memref_slice %arg9[%mul3A_26, %dma_wait3A] : memref<10240x16xf32, #tpu.memory_space<hbm>> -> memref<640x16xf32, #tpu.memory_space<hbm>>
        %dma_wait3A_38 = arith.constant 0 : i32
        %dma_wait3A_39 = tpu.memref_slice %arg17[%mul3A_26, %dma_wait3A_38] : memref<10240x16xf32, #tpu.memory_space<vmem_shared>> -> memref<640x16xf32, #tpu.memory_space<vmem_shared>>
        tpu.wait_dma2 semaphore(%run_scoped3A : memref<!tpu.dma_semaphore, #tpu.memory_space<semaphore_mem>>) src(%dma_wait3A_39 : memref<640x16xf32, #tpu.memory_space<vmem_shared>>) dst(%dma_wait3A_37 : memref<640x16xf32, #tpu.memory_space<hbm>>)
        tpu.yield
      }) : () -> ()
    } else {
    }
    return
  }
}

#map = affine_map<(d0, d1) -> (0, 0)>
#map1 = affine_map<(d0, d1) -> (0)>
module attributes {stable_mosaic.version = 14 : i64} {
  func.func @_pass2_body(%arg0: i32, %arg1: i32, %arg2: memref<10000x128xf32, #tpu.memory_space<hbm>>, %arg3: memref<10000x128xf32, #tpu.memory_space<hbm>>, %arg4: memref<320000x16xf32, #tpu.memory_space<hbm>>, %arg5: memref<320000xi32, #tpu.memory_space<hbm>>, %arg6: memref<320000xi32, #tpu.memory_space<hbm>>, %arg7: memref<10240x128xf32, #tpu.memory_space<hbm>>, %arg8: memref<10240x128xf32, #tpu.memory_space<hbm>>, %arg9: memref<200xi32, #tpu.memory_space<vmem>>, %arg10: memref<200xi32, #tpu.memory_space<vmem>>, %arg11: memref<200x16xf32, #tpu.memory_space<vmem>>, %arg12: memref<200x128xf32, #tpu.memory_space<vmem>>, %arg13: memref<10240x128xf32, #tpu.memory_space<vmem_shared>>) attributes {dimension_semantics = [#tpu.dimension_semantics<core_parallel>, #tpu.dimension_semantics<subcore_parallel>], iteration_bounds = array<i64: 2, 16>, scalar_prefetch = 0 : i64, scratch_operands = 5 : i64, tpu.core_type = #tpu.core_type<sc_vector_subcore>, window_params = [{transform_indices = #map}, {transform_indices = #map}, {transform_indices = #map}, {transform_indices = #map1}, {transform_indices = #map1}, {transform_indices = #map}, {transform_indices = #map}]} {
    %scan3A = arith.constant 0 : i32
    %scan3A_0 = arith.constant 128 : i32
    %scan3A_1 = arith.addi %scan3A, %scan3A_0 : i32
    %scan3A_2 = arith.constant 1 : i32
    scf.for %scan3A_55 = %scan3A to %scan3A_1 step %scan3A_2  : i32 {
      %mul3A_56 = arith.constant 1 : i32
      %mul3A_57 = arith.muli %scan3A_55, %mul3A_56 : i32
      %add3A_58 = arith.constant 0 : i32
      %add3A_59 = arith.addi %add3A_58, %mul3A_57 : i32
      %broadcast_in_dim3A_60 = arith.constant 0.000000e+00 : f32
      %broadcast_in_dim3A_61 = vector.broadcast %broadcast_in_dim3A_60 : f32 to vector<16xf32>
      %swap3A = arith.index_cast %add3A_59 : i32 to index
      %swap3A_62 = arith.constant 0 : index
      %swap3A_63 = tpu.vector_load %arg12[%swap3A, %swap3A_62] {strides = array<i32>} : memref<200x128xf32, #tpu.memory_space<vmem>>, vector<1x16xf32>,
      %swap3A_64 = vector.shape_cast %swap3A_63 : vector<1x16xf32> to vector<16xf32>
      %swap3A_65 = vector.shape_cast %broadcast_in_dim3A_61 : vector<16xf32> to vector<1x16xf32>
      tpu.vector_store %arg12[%swap3A, %swap3A_62], %swap3A_65 {strides = array<i32>} : memref<200x128xf32, #tpu.memory_space<vmem>>, vector<1x16xf32>,
      %broadcast_in_dim3A_66 = arith.constant 0.000000e+00 : f32
      %broadcast_in_dim3A_67 = vector.broadcast %broadcast_in_dim3A_66 : f32 to vector<16xf32>
      %swap3A_68 = arith.index_cast %add3A_59 : i32 to index
      %swap3A_69 = arith.constant 16 : index
      %swap3A_70 = tpu.vector_load %arg12[%swap3A_68, %swap3A_69] {strides = array<i32>} : memref<200x128xf32, #tpu.memory_space<vmem>>, vector<1x16xf32>,
      %swap3A_71 = vector.shape_cast %swap3A_70 : vector<1x16xf32> to vector<16xf32>
      %swap3A_72 = vector.shape_cast %broadcast_in_dim3A_67 : vector<16xf32> to vector<1x16xf32>
      tpu.vector_store %arg12[%swap3A_68, %swap3A_69], %swap3A_72 {strides = array<i32>} : memref<200x128xf32, #tpu.memory_space<vmem>>, vector<1x16xf32>,
      %broadcast_in_dim3A_73 = arith.constant 0.000000e+00 : f32
      %broadcast_in_dim3A_74 = vector.broadcast %broadcast_in_dim3A_73 : f32 to vector<16xf32>
      %swap3A_75 = arith.index_cast %add3A_59 : i32 to index
      %swap3A_76 = arith.constant 32 : index
      %swap3A_77 = tpu.vector_load %arg12[%swap3A_75, %swap3A_76] {strides = array<i32>} : memref<200x128xf32, #tpu.memory_space<vmem>>, vector<1x16xf32>,
      %swap3A_78 = vector.shape_cast %swap3A_77 : vector<1x16xf32> to vector<16xf32>
      %swap3A_79 = vector.shape_cast %broadcast_in_dim3A_74 : vector<16xf32> to vector<1x16xf32>
      tpu.vector_store %arg12[%swap3A_75, %swap3A_76], %swap3A_79 {strides = array<i32>} : memref<200x128xf32, #tpu.memory_space<vmem>>, vector<1x16xf32>,
      %broadcast_in_dim3A_80 = arith.constant 0.000000e+00 : f32
      %broadcast_in_dim3A_81 = vector.broadcast %broadcast_in_dim3A_80 : f32 to vector<16xf32>
      %swap3A_82 = arith.index_cast %add3A_59 : i32 to index
      %swap3A_83 = arith.constant 48 : index
      %swap3A_84 = tpu.vector_load %arg12[%swap3A_82, %swap3A_83] {strides = array<i32>} : memref<200x128xf32, #tpu.memory_space<vmem>>, vector<1x16xf32>,
      %swap3A_85 = vector.shape_cast %swap3A_84 : vector<1x16xf32> to vector<16xf32>
      %swap3A_86 = vector.shape_cast %broadcast_in_dim3A_81 : vector<16xf32> to vector<1x16xf32>
      tpu.vector_store %arg12[%swap3A_82, %swap3A_83], %swap3A_86 {strides = array<i32>} : memref<200x128xf32, #tpu.memory_space<vmem>>, vector<1x16xf32>,
      %broadcast_in_dim3A_87 = arith.constant 0.000000e+00 : f32
      %broadcast_in_dim3A_88 = vector.broadcast %broadcast_in_dim3A_87 : f32 to vector<16xf32>
      %swap3A_89 = arith.index_cast %add3A_59 : i32 to index
      %swap3A_90 = arith.constant 64 : index
      %swap3A_91 = tpu.vector_load %arg12[%swap3A_89, %swap3A_90] {strides = array<i32>} : memref<200x128xf32, #tpu.memory_space<vmem>>, vector<1x16xf32>,
      %swap3A_92 = vector.shape_cast %swap3A_91 : vector<1x16xf32> to vector<16xf32>
      %swap3A_93 = vector.shape_cast %broadcast_in_dim3A_88 : vector<16xf32> to vector<1x16xf32>
      tpu.vector_store %arg12[%swap3A_89, %swap3A_90], %swap3A_93 {strides = array<i32>} : memref<200x128xf32, #tpu.memory_space<vmem>>, vector<1x16xf32>,
      %broadcast_in_dim3A_94 = arith.constant 0.000000e+00 : f32
      %broadcast_in_dim3A_95 = vector.broadcast %broadcast_in_dim3A_94 : f32 to vector<16xf32>
      %swap3A_96 = arith.index_cast %add3A_59 : i32 to index
      %swap3A_97 = arith.constant 80 : index
      %swap3A_98 = tpu.vector_load %arg12[%swap3A_96, %swap3A_97] {strides = array<i32>} : memref<200x128xf32, #tpu.memory_space<vmem>>, vector<1x16xf32>,
      %swap3A_99 = vector.shape_cast %swap3A_98 : vector<1x16xf32> to vector<16xf32>
      %swap3A_100 = vector.shape_cast %broadcast_in_dim3A_95 : vector<16xf32> to vector<1x16xf32>
      tpu.vector_store %arg12[%swap3A_96, %swap3A_97], %swap3A_100 {strides = array<i32>} : memref<200x128xf32, #tpu.memory_space<vmem>>, vector<1x16xf32>,
      %broadcast_in_dim3A_101 = arith.constant 0.000000e+00 : f32
      %broadcast_in_dim3A_102 = vector.broadcast %broadcast_in_dim3A_101 : f32 to vector<16xf32>
      %swap3A_103 = arith.index_cast %add3A_59 : i32 to index
      %swap3A_104 = arith.constant 96 : index
      %swap3A_105 = tpu.vector_load %arg12[%swap3A_103, %swap3A_104] {strides = array<i32>} : memref<200x128xf32, #tpu.memory_space<vmem>>, vector<1x16xf32>,
      %swap3A_106 = vector.shape_cast %swap3A_105 : vector<1x16xf32> to vector<16xf32>
      %swap3A_107 = vector.shape_cast %broadcast_in_dim3A_102 : vector<16xf32> to vector<1x16xf32>
      tpu.vector_store %arg12[%swap3A_103, %swap3A_104], %swap3A_107 {strides = array<i32>} : memref<200x128xf32, #tpu.memory_space<vmem>>, vector<1x16xf32>,
      %broadcast_in_dim3A_108 = arith.constant 0.000000e+00 : f32
      %broadcast_in_dim3A_109 = vector.broadcast %broadcast_in_dim3A_108 : f32 to vector<16xf32>
      %swap3A_110 = arith.index_cast %add3A_59 : i32 to index
      %swap3A_111 = arith.constant 112 : index
      %swap3A_112 = tpu.vector_load %arg12[%swap3A_110, %swap3A_111] {strides = array<i32>} : memref<200x128xf32, #tpu.memory_space<vmem>>, vector<1x16xf32>,
      %swap3A_113 = vector.shape_cast %swap3A_112 : vector<1x16xf32> to vector<16xf32>
      %swap3A_114 = vector.shape_cast %broadcast_in_dim3A_109 : vector<16xf32> to vector<1x16xf32>
      tpu.vector_store %arg12[%swap3A_110, %swap3A_111], %swap3A_114 {strides = array<i32>} : memref<200x128xf32, #tpu.memory_space<vmem>>, vector<1x16xf32>,
    }
    %scan3A_3 = arith.constant 128 : i32
    %scan3A_4 = arith.constant 0 : i32
    %scan3A_5 = arith.constant 5 : i32
    %scan3A_6 = arith.addi %scan3A_4, %scan3A_5 : i32
    %scan3A_7 = arith.constant 1 : i32
    scf.for %scan3A_55 = %scan3A_4 to %scan3A_6 step %scan3A_7  : i32 {
      %mul3A_56 = arith.constant 1 : i32
      %mul3A_57 = arith.muli %scan3A_55, %mul3A_56 : i32
      %add3A_58 = arith.constant 0 : i32
      %add3A_59 = arith.addi %add3A_58, %mul3A_57 : i32
      %mul3A_60 = arith.constant 640 : i32
      %mul3A_61 = arith.muli %arg1, %mul3A_60 : i32
      %mul3A_62 = arith.constant 128 : i32
      %mul3A_63 = arith.muli %add3A_59, %mul3A_62 : i32
      %add3A_64 = arith.addi %mul3A_61, %mul3A_63 : i32
      "tpu.region"() ({
        %run_scoped3A = tpu.sem_alloc : memref<!tpu.dma_semaphore, #tpu.memory_space<semaphore_mem>>
        %dma_start3A = arith.constant 0 : i32
        %dma_start3A_65 = arith.constant 0 : i32
        %dma_start3A_66 = tpu.memref_slice %arg12[%dma_start3A, %dma_start3A_65] : memref<200x128xf32, #tpu.memory_space<vmem>> -> memref<128x128xf32, #tpu.memory_space<vmem>>
        %dma_start3A_67 = arith.constant 0 : i32
        %dma_start3A_68 = tpu.memref_slice %arg13[%add3A_64, %dma_start3A_67] : memref<10240x128xf32, #tpu.memory_space<vmem_shared>> -> memref<128x128xf32, #tpu.memory_space<vmem_shared>>
        %dma_start3A_69 = arith.constant 0 : i32
        %dma_start3A_70 = tpu.memref_slice %arg13[%add3A_64, %dma_start3A_69] : memref<10240x128xf32, #tpu.memory_space<vmem_shared>> -> memref<128x128xf32, #tpu.memory_space<vmem_shared>>
        %dma_start3A_71 = arith.constant 0 : i32
        %dma_start3A_72 = arith.constant 0 : i32
        %dma_start3A_73 = tpu.memref_slice %arg12[%dma_start3A_71, %dma_start3A_72] : memref<200x128xf32, #tpu.memory_space<vmem>> -> memref<128x128xf32, #tpu.memory_space<vmem>>
        tpu.enqueue_dma source(%dma_start3A_73 : memref<128x128xf32, #tpu.memory_space<vmem>>) target(%dma_start3A_70 : memref<128x128xf32, #tpu.memory_space<vmem_shared>>) target_semaphore(%run_scoped3A : memref<!tpu.dma_semaphore, #tpu.memory_space<semaphore_mem>>)
        %dma_wait3A = arith.constant 0 : i32
        %dma_wait3A_74 = arith.constant 0 : i32
        %dma_wait3A_75 = tpu.memref_slice %arg12[%dma_wait3A, %dma_wait3A_74] : memref<200x128xf32, #tpu.memory_space<vmem>> -> memref<128x128xf32, #tpu.memory_space<vmem>>
        %dma_wait3A_76 = arith.constant 0 : i32
        %dma_wait3A_77 = tpu.memref_slice %arg13[%add3A_64, %dma_wait3A_76] : memref<10240x128xf32, #tpu.memory_space<vmem_shared>> -> memref<128x128xf32, #tpu.memory_space<vmem_shared>>
        %dma_wait3A_78 = arith.constant 0 : i32
        %dma_wait3A_79 = tpu.memref_slice %arg13[%add3A_64, %dma_wait3A_78] : memref<10240x128xf32, #tpu.memory_space<vmem_shared>> -> memref<128x128xf32, #tpu.memory_space<vmem_shared>>
        %dma_wait3A_80 = arith.constant 0 : i32
        %dma_wait3A_81 = arith.constant 0 : i32
        %dma_wait3A_82 = tpu.memref_slice %arg12[%dma_wait3A_80, %dma_wait3A_81] : memref<200x128xf32, #tpu.memory_space<vmem>> -> memref<128x128xf32, #tpu.memory_space<vmem>>
        tpu.wait_dma2 semaphore(%run_scoped3A : memref<!tpu.dma_semaphore, #tpu.memory_space<semaphore_mem>>) src(%dma_wait3A_82 : memref<128x128xf32, #tpu.memory_space<vmem>>) dst(%dma_wait3A_79 : memref<128x128xf32, #tpu.memory_space<vmem_shared>>)
        tpu.yield
      }) : () -> ()
    }
    %scan3A_8 = arith.constant 5 : i32
    %barrier3A = arith.constant 0 : index
    tpu.barrier barrier_id(%barrier3A)
    %broadcast_in_dim3A = arith.constant 0 : i32
    %broadcast_in_dim3A_9 = vector.broadcast %broadcast_in_dim3A : i32 to vector<16xi32>
    %mul3A = arith.constant 4 : i32
    %mul3A_10 = arith.muli %arg0, %mul3A : i32
    %add3A = arith.constant 0 : i32
    %add3A_11 = arith.addi %mul3A_10, %add3A : i32
    %add3A_12 = vector.broadcast %add3A_11 : i32 to vector<16xi32>
    %add3A_13 = arith.addi %broadcast_in_dim3A_9, %add3A_12 : vector<16xi32>
    %broadcast_in_dim3A_14 = arith.constant 0 : i32
    %broadcast_in_dim3A_15 = vector.broadcast %broadcast_in_dim3A_14 : i32 to vector<16xi32>
    %mul3A_16 = arith.constant 4 : i32
    %mul3A_17 = arith.muli %arg0, %mul3A_16 : i32
    %add3A_18 = arith.constant 1 : i32
    %add3A_19 = arith.addi %mul3A_17, %add3A_18 : i32
    %add3A_20 = vector.broadcast %add3A_19 : i32 to vector<16xi32>
    %add3A_21 = arith.addi %broadcast_in_dim3A_15, %add3A_20 : vector<16xi32>
    %broadcast_in_dim3A_22 = arith.constant 0 : i32
    %broadcast_in_dim3A_23 = vector.broadcast %broadcast_in_dim3A_22 : i32 to vector<16xi32>
    %mul3A_24 = arith.constant 4 : i32
    %mul3A_25 = arith.muli %arg0, %mul3A_24 : i32
    %add3A_26 = arith.constant 2 : i32
    %add3A_27 = arith.addi %mul3A_25, %add3A_26 : i32
    %add3A_28 = vector.broadcast %add3A_27 : i32 to vector<16xi32>
    %add3A_29 = arith.addi %broadcast_in_dim3A_23, %add3A_28 : vector<16xi32>
    %broadcast_in_dim3A_30 = arith.constant 0 : i32
    %broadcast_in_dim3A_31 = vector.broadcast %broadcast_in_dim3A_30 : i32 to vector<16xi32>
    %mul3A_32 = arith.constant 4 : i32
    %mul3A_33 = arith.muli %arg0, %mul3A_32 : i32
    %add3A_34 = arith.constant 3 : i32
    %add3A_35 = arith.addi %mul3A_33, %add3A_34 : i32
    %add3A_36 = vector.broadcast %add3A_35 : i32 to vector<16xi32>
    %add3A_37 = arith.addi %broadcast_in_dim3A_31, %add3A_36 : vector<16xi32>
    %mul3A_38 = arith.constant 20000 : i32
    %mul3A_39 = arith.muli %arg1, %mul3A_38 : i32
    %scan3A_40 = arith.constant 0 : i32
    %scan3A_41 = arith.constant 100 : i32
    %scan3A_42 = arith.addi %scan3A_40, %scan3A_41 : i32
    %scan3A_43 = arith.constant 1 : i32
    scf.for %scan3A_55 = %scan3A_40 to %scan3A_42 step %scan3A_43  : i32 {
      %mul3A_56 = arith.constant 1 : i32
      %mul3A_57 = arith.muli %scan3A_55, %mul3A_56 : i32
      %add3A_58 = arith.constant 0 : i32
      %add3A_59 = arith.addi %add3A_58, %mul3A_57 : i32
      %mul3A_60 = arith.constant 200 : i32
      %mul3A_61 = arith.muli %add3A_59, %mul3A_60 : i32
      %add3A_62 = arith.addi %mul3A_39, %mul3A_61 : i32
      "tpu.region"() ({
        %run_scoped3A = tpu.sem_alloc : memref<!tpu.dma_semaphore, #tpu.memory_space<semaphore_mem>>
        %dma_start3A = tpu.memref_slice %arg5[%add3A_62] : memref<320000xi32, #tpu.memory_space<hbm>> -> memref<200xi32, #tpu.memory_space<hbm>>
        %dma_start3A_78 = tpu.memref_slice %arg5[%add3A_62] : memref<320000xi32, #tpu.memory_space<hbm>> -> memref<200xi32, #tpu.memory_space<hbm>>
        tpu.enqueue_dma source(%dma_start3A_78 : memref<200xi32, #tpu.memory_space<hbm>>) target(%arg9 : memref<200xi32, #tpu.memory_space<vmem>>) target_semaphore(%run_scoped3A : memref<!tpu.dma_semaphore, #tpu.memory_space<semaphore_mem>>)
        %dma_wait3A = tpu.memref_slice %arg5[%add3A_62] : memref<320000xi32, #tpu.memory_space<hbm>> -> memref<200xi32, #tpu.memory_space<hbm>>
        %dma_wait3A_79 = tpu.memref_slice %arg5[%add3A_62] : memref<320000xi32, #tpu.memory_space<hbm>> -> memref<200xi32, #tpu.memory_space<hbm>>
        tpu.wait_dma2 semaphore(%run_scoped3A : memref<!tpu.dma_semaphore, #tpu.memory_space<semaphore_mem>>) src(%dma_wait3A_79 : memref<200xi32, #tpu.memory_space<hbm>>) dst(%arg9 : memref<200xi32, #tpu.memory_space<vmem>>)
        tpu.yield
      }) : () -> ()
      "tpu.region"() ({
        %run_scoped3A = tpu.sem_alloc : memref<!tpu.dma_semaphore, #tpu.memory_space<semaphore_mem>>
        %dma_start3A = tpu.memref_slice %arg6[%add3A_62] : memref<320000xi32, #tpu.memory_space<hbm>> -> memref<200xi32, #tpu.memory_space<hbm>>
        %dma_start3A_78 = tpu.memref_slice %arg6[%add3A_62] : memref<320000xi32, #tpu.memory_space<hbm>> -> memref<200xi32, #tpu.memory_space<hbm>>
        tpu.enqueue_dma source(%dma_start3A_78 : memref<200xi32, #tpu.memory_space<hbm>>) target(%arg10 : memref<200xi32, #tpu.memory_space<vmem>>) target_semaphore(%run_scoped3A : memref<!tpu.dma_semaphore, #tpu.memory_space<semaphore_mem>>)
        %dma_wait3A = tpu.memref_slice %arg6[%add3A_62] : memref<320000xi32, #tpu.memory_space<hbm>> -> memref<200xi32, #tpu.memory_space<hbm>>
        %dma_wait3A_79 = tpu.memref_slice %arg6[%add3A_62] : memref<320000xi32, #tpu.memory_space<hbm>> -> memref<200xi32, #tpu.memory_space<hbm>>
        tpu.wait_dma2 semaphore(%run_scoped3A : memref<!tpu.dma_semaphore, #tpu.memory_space<semaphore_mem>>) src(%dma_wait3A_79 : memref<200xi32, #tpu.memory_space<hbm>>) dst(%arg10 : memref<200xi32, #tpu.memory_space<vmem>>)
        tpu.yield
      }) : () -> ()
      "tpu.region"() ({
        %run_scoped3A = tpu.sem_alloc : memref<!tpu.dma_semaphore, #tpu.memory_space<semaphore_mem>>
        %dma_start3A = arith.constant 0 : i32
        %dma_start3A_78 = tpu.memref_slice %arg4[%add3A_62, %dma_start3A] : memref<320000x16xf32, #tpu.memory_space<hbm>> -> memref<200x16xf32, #tpu.memory_space<hbm>>
        %dma_start3A_79 = arith.constant 0 : i32
        %dma_start3A_80 = tpu.memref_slice %arg4[%add3A_62, %dma_start3A_79] : memref<320000x16xf32, #tpu.memory_space<hbm>> -> memref<200x16xf32, #tpu.memory_space<hbm>>
        tpu.enqueue_dma source(%dma_start3A_80 : memref<200x16xf32, #tpu.memory_space<hbm>>) target(%arg11 : memref<200x16xf32, #tpu.memory_space<vmem>>) target_semaphore(%run_scoped3A : memref<!tpu.dma_semaphore, #tpu.memory_space<semaphore_mem>>)
        %dma_wait3A = arith.constant 0 : i32
        %dma_wait3A_81 = tpu.memref_slice %arg4[%add3A_62, %dma_wait3A] : memref<320000x16xf32, #tpu.memory_space<hbm>> -> memref<200x16xf32, #tpu.memory_space<hbm>>
        %dma_wait3A_82 = arith.constant 0 : i32
        %dma_wait3A_83 = tpu.memref_slice %arg4[%add3A_62, %dma_wait3A_82] : memref<320000x16xf32, #tpu.memory_space<hbm>> -> memref<200x16xf32, #tpu.memory_space<hbm>>
        tpu.wait_dma2 semaphore(%run_scoped3A : memref<!tpu.dma_semaphore, #tpu.memory_space<semaphore_mem>>) src(%dma_wait3A_83 : memref<200x16xf32, #tpu.memory_space<hbm>>) dst(%arg11 : memref<200x16xf32, #tpu.memory_space<vmem>>)
        tpu.yield
      }) : () -> ()
      %eq3A_63 = arith.constant 0 : i32
      %eq3A_64 = arith.cmpi eq, %arg0, %eq3A_63 : i32
      %convert_element_type3A_65 = arith.extui %eq3A_64 : i1 to i32
      %cond3A_66 = arith.constant 0 : i32
      %cond3A_67 = arith.cmpi ne, %convert_element_type3A_65, %cond3A_66 : i32
      scf.if %cond3A_67 {
        "tpu.region"() ({
          %run_scoped3A = tpu.sem_alloc : memref<!tpu.dma_semaphore, #tpu.memory_space<semaphore_mem>>
          %dma_start3A = arith.constant 0 : i32
          %dma_start3A_78 = arith.constant 0 : i32
          %dma_start3A_79 = tpu.memref_slice %arg2[%dma_start3A, %dma_start3A_78] : memref<10000x128xf32, #tpu.memory_space<hbm>> -> memref<10000x128xf32, #tpu.memory_space<hbm>>
          tpu.enqueue_indirect_dma source(%dma_start3A_79 : memref<10000x128xf32, #tpu.memory_space<hbm>>) target(%arg12 : memref<200x128xf32, #tpu.memory_space<vmem>>) offsets(%arg9 : memref<200xi32, #tpu.memory_space<vmem>>) semaphore(%run_scoped3A : memref<!tpu.dma_semaphore, #tpu.memory_space<semaphore_mem>>)
          %dma_wait3A = arith.constant 0 : i32
          %dma_wait3A_80 = arith.constant 0 : i32
          %dma_wait3A_81 = tpu.memref_slice %arg2[%dma_wait3A, %dma_wait3A_80] : memref<10000x128xf32, #tpu.memory_space<hbm>> -> memref<10000x128xf32, #tpu.memory_space<hbm>>
          tpu.wait_indirect_dma semaphore(%run_scoped3A : memref<!tpu.dma_semaphore, #tpu.memory_space<semaphore_mem>>) src(%dma_wait3A_81 : memref<10000x128xf32, #tpu.memory_space<hbm>>) dst(%arg12 : memref<200x128xf32, #tpu.memory_space<vmem>>)
          tpu.yield
        }) : () -> ()
      } else {
      }
      %eq3A_68 = arith.constant 1 : i32
      %eq3A_69 = arith.cmpi eq, %arg0, %eq3A_68 : i32
      %convert_element_type3A_70 = arith.extui %eq3A_69 : i1 to i32
      %cond3A_71 = arith.constant 0 : i32
      %cond3A_72 = arith.cmpi ne, %convert_element_type3A_70, %cond3A_71 : i32
      scf.if %cond3A_72 {
        "tpu.region"() ({
          %run_scoped3A = tpu.sem_alloc : memref<!tpu.dma_semaphore, #tpu.memory_space<semaphore_mem>>
          %dma_start3A = arith.constant 0 : i32
          %dma_start3A_78 = arith.constant 0 : i32
          %dma_start3A_79 = tpu.memref_slice %arg3[%dma_start3A, %dma_start3A_78] : memref<10000x128xf32, #tpu.memory_space<hbm>> -> memref<10000x128xf32, #tpu.memory_space<hbm>>
          tpu.enqueue_indirect_dma source(%dma_start3A_79 : memref<10000x128xf32, #tpu.memory_space<hbm>>) target(%arg12 : memref<200x128xf32, #tpu.memory_space<vmem>>) offsets(%arg9 : memref<200xi32, #tpu.memory_space<vmem>>) semaphore(%run_scoped3A : memref<!tpu.dma_semaphore, #tpu.memory_space<semaphore_mem>>)
          %dma_wait3A = arith.constant 0 : i32
          %dma_wait3A_80 = arith.constant 0 : i32
          %dma_wait3A_81 = tpu.memref_slice %arg3[%dma_wait3A, %dma_wait3A_80] : memref<10000x128xf32, #tpu.memory_space<hbm>> -> memref<10000x128xf32, #tpu.memory_space<hbm>>
          tpu.wait_indirect_dma semaphore(%run_scoped3A : memref<!tpu.dma_semaphore, #tpu.memory_space<semaphore_mem>>) src(%dma_wait3A_81 : memref<10000x128xf32, #tpu.memory_space<hbm>>) dst(%arg12 : memref<200x128xf32, #tpu.memory_space<vmem>>)
          tpu.yield
        }) : () -> ()
      } else {
      }
      %scan3A_73 = arith.constant 0 : i32
      %scan3A_74 = arith.constant 200 : i32
      %scan3A_75 = arith.addi %scan3A_73, %scan3A_74 : i32
      %scan3A_76 = arith.constant 1 : i32
      scf.for %scan3A_78 = %scan3A_73 to %scan3A_75 step %scan3A_76  : i32 {
        %mul3A_79 = arith.constant 1 : i32
        %mul3A_80 = arith.muli %scan3A_78, %mul3A_79 : i32
        %add3A_81 = arith.constant 0 : i32
        %add3A_82 = arith.addi %add3A_81, %mul3A_80 : i32
        %get3A = arith.index_cast %add3A_82 : i32 to index
        %get3A_83 = arith.constant 0 : index
        %get3A_84 = tpu.vector_load %arg11[%get3A, %get3A_83] {strides = array<i32>} : memref<200x16xf32, #tpu.memory_space<vmem>>, vector<1x16xf32>,
        %get3A_85 = vector.shape_cast %get3A_84 : vector<1x16xf32> to vector<16xf32>
        %broadcast_in_dim3A_86 = vector.shape_cast %add3A_13 : vector<16xi32> to vector<16x1xi32>
        %gather3A = vector.shape_cast %broadcast_in_dim3A_86 : vector<16x1xi32> to vector<16xi32>
        %gather3A_87 = tpu.dynamic_gather %get3A_85[%gather3A] in [0] : vector<16xf32>, vector<16xi32> -> vector<16xf32>
        %get3A_88 = arith.index_cast %add3A_82 : i32 to index
        %get3A_89 = arith.constant 0 : index
        %get3A_90 = tpu.vector_load %arg12[%get3A_88, %get3A_89] {strides = array<i32>} : memref<200x128xf32, #tpu.memory_space<vmem>>, vector<1x16xf32>,
        %get3A_91 = vector.shape_cast %get3A_90 : vector<1x16xf32> to vector<16xf32>
        %mul3A_92 = arith.mulf %get3A_91, %gather3A_87 : vector<16xf32>
        %swap3A = arith.index_cast %add3A_82 : i32 to index
        %swap3A_93 = arith.constant 0 : index
        %swap3A_94 = tpu.vector_load %arg12[%swap3A, %swap3A_93] {strides = array<i32>} : memref<200x128xf32, #tpu.memory_space<vmem>>, vector<1x16xf32>,
        %swap3A_95 = vector.shape_cast %swap3A_94 : vector<1x16xf32> to vector<16xf32>
        %swap3A_96 = vector.shape_cast %mul3A_92 : vector<16xf32> to vector<1x16xf32>
        tpu.vector_store %arg12[%swap3A, %swap3A_93], %swap3A_96 {strides = array<i32>} : memref<200x128xf32, #tpu.memory_space<vmem>>, vector<1x16xf32>,
        %get3A_97 = arith.index_cast %add3A_82 : i32 to index
        %get3A_98 = arith.constant 16 : index
        %get3A_99 = tpu.vector_load %arg12[%get3A_97, %get3A_98] {strides = array<i32>} : memref<200x128xf32, #tpu.memory_space<vmem>>, vector<1x16xf32>,
        %get3A_100 = vector.shape_cast %get3A_99 : vector<1x16xf32> to vector<16xf32>
        %mul3A_101 = arith.mulf %get3A_100, %gather3A_87 : vector<16xf32>
        %swap3A_102 = arith.index_cast %add3A_82 : i32 to index
        %swap3A_103 = arith.constant 16 : index
        %swap3A_104 = tpu.vector_load %arg12[%swap3A_102, %swap3A_103] {strides = array<i32>} : memref<200x128xf32, #tpu.memory_space<vmem>>, vector<1x16xf32>,
        %swap3A_105 = vector.shape_cast %swap3A_104 : vector<1x16xf32> to vector<16xf32>
        %swap3A_106 = vector.shape_cast %mul3A_101 : vector<16xf32> to vector<1x16xf32>
        tpu.vector_store %arg12[%swap3A_102, %swap3A_103], %swap3A_106 {strides = array<i32>} : memref<200x128xf32, #tpu.memory_space<vmem>>, vector<1x16xf32>,
        %broadcast_in_dim3A_107 = vector.shape_cast %add3A_21 : vector<16xi32> to vector<16x1xi32>
        %gather3A_108 = vector.shape_cast %broadcast_in_dim3A_107 : vector<16x1xi32> to vector<16xi32>
        %gather3A_109 = tpu.dynamic_gather %get3A_85[%gather3A_108] in [0] : vector<16xf32>, vector<16xi32> -> vector<16xf32>
        %get3A_110 = arith.index_cast %add3A_82 : i32 to index
        %get3A_111 = arith.constant 32 : index
        %get3A_112 = tpu.vector_load %arg12[%get3A_110, %get3A_111] {strides = array<i32>} : memref<200x128xf32, #tpu.memory_space<vmem>>, vector<1x16xf32>,
        %get3A_113 = vector.shape_cast %get3A_112 : vector<1x16xf32> to vector<16xf32>
        %mul3A_114 = arith.mulf %get3A_113, %gather3A_109 : vector<16xf32>
        %swap3A_115 = arith.index_cast %add3A_82 : i32 to index
        %swap3A_116 = arith.constant 32 : index
        %swap3A_117 = tpu.vector_load %arg12[%swap3A_115, %swap3A_116] {strides = array<i32>} : memref<200x128xf32, #tpu.memory_space<vmem>>, vector<1x16xf32>,
        %swap3A_118 = vector.shape_cast %swap3A_117 : vector<1x16xf32> to vector<16xf32>
        %swap3A_119 = vector.shape_cast %mul3A_114 : vector<16xf32> to vector<1x16xf32>
        tpu.vector_store %arg12[%swap3A_115, %swap3A_116], %swap3A_119 {strides = array<i32>} : memref<200x128xf32, #tpu.memory_space<vmem>>, vector<1x16xf32>,
        %get3A_120 = arith.index_cast %add3A_82 : i32 to index
        %get3A_121 = arith.constant 48 : index
        %get3A_122 = tpu.vector_load %arg12[%get3A_120, %get3A_121] {strides = array<i32>} : memref<200x128xf32, #tpu.memory_space<vmem>>, vector<1x16xf32>,
        %get3A_123 = vector.shape_cast %get3A_122 : vector<1x16xf32> to vector<16xf32>
        %mul3A_124 = arith.mulf %get3A_123, %gather3A_109 : vector<16xf32>
        %swap3A_125 = arith.index_cast %add3A_82 : i32 to index
        %swap3A_126 = arith.constant 48 : index
        %swap3A_127 = tpu.vector_load %arg12[%swap3A_125, %swap3A_126] {strides = array<i32>} : memref<200x128xf32, #tpu.memory_space<vmem>>, vector<1x16xf32>,
        %swap3A_128 = vector.shape_cast %swap3A_127 : vector<1x16xf32> to vector<16xf32>
        %swap3A_129 = vector.shape_cast %mul3A_124 : vector<16xf32> to vector<1x16xf32>
        tpu.vector_store %arg12[%swap3A_125, %swap3A_126], %swap3A_129 {strides = array<i32>} : memref<200x128xf32, #tpu.memory_space<vmem>>, vector<1x16xf32>,
        %broadcast_in_dim3A_130 = vector.shape_cast %add3A_29 : vector<16xi32> to vector<16x1xi32>
        %gather3A_131 = vector.shape_cast %broadcast_in_dim3A_130 : vector<16x1xi32> to vector<16xi32>
        %gather3A_132 = tpu.dynamic_gather %get3A_85[%gather3A_131] in [0] : vector<16xf32>, vector<16xi32> -> vector<16xf32>
        %get3A_133 = arith.index_cast %add3A_82 : i32 to index
        %get3A_134 = arith.constant 64 : index
        %get3A_135 = tpu.vector_load %arg12[%get3A_133, %get3A_134] {strides = array<i32>} : memref<200x128xf32, #tpu.memory_space<vmem>>, vector<1x16xf32>,
        %get3A_136 = vector.shape_cast %get3A_135 : vector<1x16xf32> to vector<16xf32>
        %mul3A_137 = arith.mulf %get3A_136, %gather3A_132 : vector<16xf32>
        %swap3A_138 = arith.index_cast %add3A_82 : i32 to index
        %swap3A_139 = arith.constant 64 : index
        %swap3A_140 = tpu.vector_load %arg12[%swap3A_138, %swap3A_139] {strides = array<i32>} : memref<200x128xf32, #tpu.memory_space<vmem>>, vector<1x16xf32>,
        %swap3A_141 = vector.shape_cast %swap3A_140 : vector<1x16xf32> to vector<16xf32>
        %swap3A_142 = vector.shape_cast %mul3A_137 : vector<16xf32> to vector<1x16xf32>
        tpu.vector_store %arg12[%swap3A_138, %swap3A_139], %swap3A_142 {strides = array<i32>} : memref<200x128xf32, #tpu.memory_space<vmem>>, vector<1x16xf32>,
        %get3A_143 = arith.index_cast %add3A_82 : i32 to index
        %get3A_144 = arith.constant 80 : index
        %get3A_145 = tpu.vector_load %arg12[%get3A_143, %get3A_144] {strides = array<i32>} : memref<200x128xf32, #tpu.memory_space<vmem>>, vector<1x16xf32>,
        %get3A_146 = vector.shape_cast %get3A_145 : vector<1x16xf32> to vector<16xf32>
        %mul3A_147 = arith.mulf %get3A_146, %gather3A_132 : vector<16xf32>
        %swap3A_148 = arith.index_cast %add3A_82 : i32 to index
        %swap3A_149 = arith.constant 80 : index
        %swap3A_150 = tpu.vector_load %arg12[%swap3A_148, %swap3A_149] {strides = array<i32>} : memref<200x128xf32, #tpu.memory_space<vmem>>, vector<1x16xf32>,
        %swap3A_151 = vector.shape_cast %swap3A_150 : vector<1x16xf32> to vector<16xf32>
        %swap3A_152 = vector.shape_cast %mul3A_147 : vector<16xf32> to vector<1x16xf32>
        tpu.vector_store %arg12[%swap3A_148, %swap3A_149], %swap3A_152 {strides = array<i32>} : memref<200x128xf32, #tpu.memory_space<vmem>>, vector<1x16xf32>,
        %broadcast_in_dim3A_153 = vector.shape_cast %add3A_37 : vector<16xi32> to vector<16x1xi32>
        %gather3A_154 = vector.shape_cast %broadcast_in_dim3A_153 : vector<16x1xi32> to vector<16xi32>
        %gather3A_155 = tpu.dynamic_gather %get3A_85[%gather3A_154] in [0] : vector<16xf32>, vector<16xi32> -> vector<16xf32>
        %get3A_156 = arith.index_cast %add3A_82 : i32 to index
        %get3A_157 = arith.constant 96 : index
        %get3A_158 = tpu.vector_load %arg12[%get3A_156, %get3A_157] {strides = array<i32>} : memref<200x128xf32, #tpu.memory_space<vmem>>, vector<1x16xf32>,
        %get3A_159 = vector.shape_cast %get3A_158 : vector<1x16xf32> to vector<16xf32>
        %mul3A_160 = arith.mulf %get3A_159, %gather3A_155 : vector<16xf32>
        %swap3A_161 = arith.index_cast %add3A_82 : i32 to index
        %swap3A_162 = arith.constant 96 : index
        %swap3A_163 = tpu.vector_load %arg12[%swap3A_161, %swap3A_162] {strides = array<i32>} : memref<200x128xf32, #tpu.memory_space<vmem>>, vector<1x16xf32>,
        %swap3A_164 = vector.shape_cast %swap3A_163 : vector<1x16xf32> to vector<16xf32>
        %swap3A_165 = vector.shape_cast %mul3A_160 : vector<16xf32> to vector<1x16xf32>
        tpu.vector_store %arg12[%swap3A_161, %swap3A_162], %swap3A_165 {strides = array<i32>} : memref<200x128xf32, #tpu.memory_space<vmem>>, vector<1x16xf32>,
        %get3A_166 = arith.index_cast %add3A_82 : i32 to index
        %get3A_167 = arith.constant 112 : index
        %get3A_168 = tpu.vector_load %arg12[%get3A_166, %get3A_167] {strides = array<i32>} : memref<200x128xf32, #tpu.memory_space<vmem>>, vector<1x16xf32>,
        %get3A_169 = vector.shape_cast %get3A_168 : vector<1x16xf32> to vector<16xf32>
        %mul3A_170 = arith.mulf %get3A_169, %gather3A_155 : vector<16xf32>
        %swap3A_171 = arith.index_cast %add3A_82 : i32 to index
        %swap3A_172 = arith.constant 112 : index
        %swap3A_173 = tpu.vector_load %arg12[%swap3A_171, %swap3A_172] {strides = array<i32>} : memref<200x128xf32, #tpu.memory_space<vmem>>, vector<1x16xf32>,
        %swap3A_174 = vector.shape_cast %swap3A_173 : vector<1x16xf32> to vector<16xf32>
        %swap3A_175 = vector.shape_cast %mul3A_170 : vector<16xf32> to vector<1x16xf32>
        tpu.vector_store %arg12[%swap3A_171, %swap3A_172], %swap3A_175 {strides = array<i32>} : memref<200x128xf32, #tpu.memory_space<vmem>>, vector<1x16xf32>,
      }
      %scan3A_77 = arith.constant 200 : i32
      "tpu.region"() ({
        %run_scoped3A = tpu.sem_alloc : memref<!tpu.dma_semaphore, #tpu.memory_space<semaphore_mem>>
        %dma_start3A = arith.constant 0 : i32
        %dma_start3A_78 = arith.constant 0 : i32
        %dma_start3A_79 = tpu.memref_slice %arg13[%dma_start3A, %dma_start3A_78] : memref<10240x128xf32, #tpu.memory_space<vmem_shared>> -> memref<10240x128xf32, #tpu.memory_space<vmem_shared>>
        tpu.enqueue_indirect_dma source(%arg12 : memref<200x128xf32, #tpu.memory_space<vmem>>) target(%dma_start3A_79 : memref<10240x128xf32, #tpu.memory_space<vmem_shared>>) offsets(%arg10 : memref<200xi32, #tpu.memory_space<vmem>>) semaphore(%run_scoped3A : memref<!tpu.dma_semaphore, #tpu.memory_space<semaphore_mem>>) {add = true}
        %dma_wait3A = arith.constant 0 : i32
        %dma_wait3A_80 = arith.constant 0 : i32
        %dma_wait3A_81 = tpu.memref_slice %arg13[%dma_wait3A, %dma_wait3A_80] : memref<10240x128xf32, #tpu.memory_space<vmem_shared>> -> memref<10240x128xf32, #tpu.memory_space<vmem_shared>>
        tpu.wait_indirect_dma semaphore(%run_scoped3A : memref<!tpu.dma_semaphore, #tpu.memory_space<semaphore_mem>>) src(%arg12 : memref<200x128xf32, #tpu.memory_space<vmem>>) dst(%dma_wait3A_81 : memref<10240x128xf32, #tpu.memory_space<vmem_shared>>)
        tpu.yield
      }) : () -> ()
    }
    %scan3A_44 = arith.constant 100 : i32
    %barrier3A_45 = arith.constant 0 : index
    tpu.barrier barrier_id(%barrier3A_45)
    %mul3A_46 = arith.constant 640 : i32
    %mul3A_47 = arith.muli %arg1, %mul3A_46 : i32
    %eq3A = arith.constant 0 : i32
    %eq3A_48 = arith.cmpi eq, %arg0, %eq3A : i32
    %convert_element_type3A = arith.extui %eq3A_48 : i1 to i32
    %cond3A = arith.constant 0 : i32
    %cond3A_49 = arith.cmpi ne, %convert_element_type3A, %cond3A : i32
    scf.if %cond3A_49 {
      "tpu.region"() ({
        %run_scoped3A = tpu.sem_alloc : memref<!tpu.dma_semaphore, #tpu.memory_space<semaphore_mem>>
        %dma_start3A = arith.constant 0 : i32
        %dma_start3A_55 = tpu.memref_slice %arg7[%mul3A_47, %dma_start3A] : memref<10240x128xf32, #tpu.memory_space<hbm>> -> memref<640x128xf32, #tpu.memory_space<hbm>>
        %dma_start3A_56 = arith.constant 0 : i32
        %dma_start3A_57 = tpu.memref_slice %arg13[%mul3A_47, %dma_start3A_56] : memref<10240x128xf32, #tpu.memory_space<vmem_shared>> -> memref<640x128xf32, #tpu.memory_space<vmem_shared>>
        tpu.enqueue_dma source(%dma_start3A_57 : memref<640x128xf32, #tpu.memory_space<vmem_shared>>) target(%dma_start3A_55 : memref<640x128xf32, #tpu.memory_space<hbm>>) target_semaphore(%run_scoped3A : memref<!tpu.dma_semaphore, #tpu.memory_space<semaphore_mem>>)
        %dma_wait3A = arith.constant 0 : i32
        %dma_wait3A_58 = tpu.memref_slice %arg7[%mul3A_47, %dma_wait3A] : memref<10240x128xf32, #tpu.memory_space<hbm>> -> memref<640x128xf32, #tpu.memory_space<hbm>>
        %dma_wait3A_59 = arith.constant 0 : i32
        %dma_wait3A_60 = tpu.memref_slice %arg13[%mul3A_47, %dma_wait3A_59] : memref<10240x128xf32, #tpu.memory_space<vmem_shared>> -> memref<640x128xf32, #tpu.memory_space<vmem_shared>>
        tpu.wait_dma2 semaphore(%run_scoped3A : memref<!tpu.dma_semaphore, #tpu.memory_space<semaphore_mem>>) src(%dma_wait3A_60 : memref<640x128xf32, #tpu.memory_space<vmem_shared>>) dst(%dma_wait3A_58 : memref<640x128xf32, #tpu.memory_space<hbm>>)
        tpu.yield
      }) : () -> ()
    } else {
    }
    %eq3A_50 = arith.constant 1 : i32
    %eq3A_51 = arith.cmpi eq, %arg0, %eq3A_50 : i32
    %convert_element_type3A_52 = arith.extui %eq3A_51 : i1 to i32
    %cond3A_53 = arith.constant 0 : i32
    %cond3A_54 = arith.cmpi ne, %convert_element_type3A_52, %cond3A_53 : i32
    scf.if %cond3A_54 {
      "tpu.region"() ({
        %run_scoped3A = tpu.sem_alloc : memref<!tpu.dma_semaphore, #tpu.memory_space<semaphore_mem>>
        %dma_start3A = arith.constant 0 : i32
        %dma_start3A_55 = tpu.memref_slice %arg8[%mul3A_47, %dma_start3A] : memref<10240x128xf32, #tpu.memory_space<hbm>> -> memref<640x128xf32, #tpu.memory_space<hbm>>
        %dma_start3A_56 = arith.constant 0 : i32
        %dma_start3A_57 = tpu.memref_slice %arg13[%mul3A_47, %dma_start3A_56] : memref<10240x128xf32, #tpu.memory_space<vmem_shared>> -> memref<640x128xf32, #tpu.memory_space<vmem_shared>>
        tpu.enqueue_dma source(%dma_start3A_57 : memref<640x128xf32, #tpu.memory_space<vmem_shared>>) target(%dma_start3A_55 : memref<640x128xf32, #tpu.memory_space<hbm>>) target_semaphore(%run_scoped3A : memref<!tpu.dma_semaphore, #tpu.memory_space<semaphore_mem>>)
        %dma_wait3A = arith.constant 0 : i32
        %dma_wait3A_58 = tpu.memref_slice %arg8[%mul3A_47, %dma_wait3A] : memref<10240x128xf32, #tpu.memory_space<hbm>> -> memref<640x128xf32, #tpu.memory_space<hbm>>
        %dma_wait3A_59 = arith.constant 0 : i32
        %dma_wait3A_60 = tpu.memref_slice %arg13[%mul3A_47, %dma_wait3A_59] : memref<10240x128xf32, #tpu.memory_space<vmem_shared>> -> memref<640x128xf32, #tpu.memory_space<vmem_shared>>
        tpu.wait_dma2 semaphore(%run_scoped3A : memref<!tpu.dma_semaphore, #tpu.memory_space<semaphore_mem>>) src(%dma_wait3A_60 : memref<640x128xf32, #tpu.memory_space<vmem_shared>>) dst(%dma_wait3A_58 : memref<640x128xf32, #tpu.memory_space<hbm>>)
        tpu.yield
      }) : () -> ()
    } else {
    }
    return
  }
}

module attributes {stable_mosaic.version = 14 : i64} {
  func.func @_proj_body(%arg0: i32, %arg1: memref<1000x128xf32, #tpu.memory_space<vmem>>, %arg2: memref<128x256xf32, #tpu.memory_space<vmem>>, %arg3: memref<256x8xf32, #tpu.memory_space<vmem>>, %arg4: memref<256x8xf32, #tpu.memory_space<vmem>>, %arg5: memref<1000x128xf32, #tpu.memory_space<vmem>>, %arg6: memref<1000x128xf32, #tpu.memory_space<vmem>>, %arg7: memref<10000x16xf32, #tpu.memory_space<vmem>>, %arg8: memref<10000x16xf32, #tpu.memory_space<vmem>>, %arg9: memref<10000x8xf32, #tpu.memory_space<vmem>>, %arg10: memref<10000x8xf32, #tpu.memory_space<vmem>>) attributes {dimension_semantics = [#tpu.dimension_semantics<arbitrary>], iteration_bounds = array<i64: 10>, scalar_prefetch = 0 : i64, scratch_operands = 2 : i64, tpu.core_type = #tpu.core_type<tc>, window_params = [{transform_indices = @transform_0, window_bounds = array<i64: 1000, 128>}, {pipeline_mode = #tpu.pipeline_mode<synchronous>, transform_indices = @transform_1, window_bounds = array<i64: 128, 256>}, {pipeline_mode = #tpu.pipeline_mode<synchronous>, transform_indices = @transform_2, window_bounds = array<i64: 256, 8>}, {pipeline_mode = #tpu.pipeline_mode<synchronous>, transform_indices = @transform_3, window_bounds = array<i64: 256, 8>}, {transform_indices = @transform_4, window_bounds = array<i64: 1000, 128>}, {transform_indices = @transform_5, window_bounds = array<i64: 1000, 128>}, {pipeline_mode = #tpu.pipeline_mode<synchronous>, transform_indices = @transform_6, window_bounds = array<i64: 10000, 16>}, {pipeline_mode = #tpu.pipeline_mode<synchronous>, transform_indices = @transform_7, window_bounds = array<i64: 10000, 16>}]} {
    %get3A = arith.constant 0 : index
    %get3A_0 = arith.constant 0 : index
    %get3A_1 = vector.load %arg1[%get3A, %get3A_0] : memref<1000x128xf32, #tpu.memory_space<vmem>>, vector<1000x128xf32>
    %get3A_2 = arith.constant 0 : index
    %get3A_3 = arith.constant 0 : index
    %get3A_4 = vector.load %arg2[%get3A_2, %get3A_3] : memref<128x256xf32, #tpu.memory_space<vmem>>, vector<128x256xf32>
    %dot_general3A = arith.constant dense<0.000000e+00> : vector<1000x256xf32>
    %dot_general3A_5 = tpu.matmul %get3A_1, %get3A_4, %dot_general3A {dimension_numbers = #tpu.dot_dimension_numbers<[1], [0], [0], [1], [0, 0, 1, 1], [], []>, transpose_lhs_hint = false} : vector<1000x128xf32>, vector<128x256xf32>, vector<1000x256xf32> -> vector<1000x256xf32>
    %slice3A = vector.extract_strided_slice %dot_general3A_5 {offsets = [0, 0], sizes = [1000, 128], strides = [1, 1]} : vector<1000x256xf32> to vector<1000x128xf32>
    %swap3A = arith.constant 0 : index
    %swap3A_6 = arith.constant 0 : index
    %swap3A_7 = vector.load %arg5[%swap3A, %swap3A_6] : memref<1000x128xf32, #tpu.memory_space<vmem>>, vector<1000x128xf32>
    tpu.vector_store %arg5[%swap3A, %swap3A_6], %slice3A {strides = array<i32>} : memref<1000x128xf32, #tpu.memory_space<vmem>>, vector<1000x128xf32>,
    %slice3A_8 = vector.extract_strided_slice %dot_general3A_5 {offsets = [0, 128], sizes = [1000, 128], strides = [1, 1]} : vector<1000x256xf32> to vector<1000x128xf32>
    %swap3A_9 = arith.constant 0 : index
    %swap3A_10 = arith.constant 0 : index
    %swap3A_11 = vector.load %arg6[%swap3A_9, %swap3A_10] : memref<1000x128xf32, #tpu.memory_space<vmem>>, vector<1000x128xf32>
    tpu.vector_store %arg6[%swap3A_9, %swap3A_10], %slice3A_8 {strides = array<i32>} : memref<1000x128xf32, #tpu.memory_space<vmem>>, vector<1000x128xf32>,
    %get3A_12 = arith.constant 0 : index
    %get3A_13 = arith.constant 0 : index
    %get3A_14 = vector.load %arg3[%get3A_12, %get3A_13] : memref<256x8xf32, #tpu.memory_space<vmem>>, vector<256x8xf32>
    %dot_general3A_15 = arith.constant dense<0.000000e+00> : vector<1000x8xf32>
    %dot_general3A_16 = tpu.matmul %dot_general3A_5, %get3A_14, %dot_general3A_15 {dimension_numbers = #tpu.dot_dimension_numbers<[1], [0], [0], [1], [0, 0, 1, 1], [], []>, transpose_lhs_hint = false} : vector<1000x256xf32>, vector<256x8xf32>, vector<1000x8xf32> -> vector<1000x8xf32>
    %mul3A = arith.constant 1000 : i32
    %mul3A_17 = arith.muli %arg0, %mul3A : i32
    %swap3A_18 = arith.index_cast %mul3A_17 : i32 to index
    %swap3A_19 = arith.constant 0 : index
    %swap3A_20 = vector.load %arg9[%swap3A_18, %swap3A_19] : memref<10000x8xf32, #tpu.memory_space<vmem>>, vector<1000x8xf32>
    tpu.vector_store %arg9[%swap3A_18, %swap3A_19], %dot_general3A_16 {strides = array<i32>} : memref<10000x8xf32, #tpu.memory_space<vmem>>, vector<1000x8xf32>,
    %get3A_21 = arith.constant 0 : index
    %get3A_22 = arith.constant 0 : index
    %get3A_23 = vector.load %arg4[%get3A_21, %get3A_22] : memref<256x8xf32, #tpu.memory_space<vmem>>, vector<256x8xf32>
    %dot_general3A_24 = arith.constant dense<0.000000e+00> : vector<1000x8xf32>
    %dot_general3A_25 = tpu.matmul %dot_general3A_5, %get3A_23, %dot_general3A_24 {dimension_numbers = #tpu.dot_dimension_numbers<[1], [0], [0], [1], [0, 0, 1, 1], [], []>, transpose_lhs_hint = false} : vector<1000x256xf32>, vector<256x8xf32>, vector<1000x8xf32> -> vector<1000x8xf32>
    %mul3A_26 = arith.constant 1000 : i32
    %mul3A_27 = arith.muli %arg0, %mul3A_26 : i32
    %swap3A_28 = arith.index_cast %mul3A_27 : i32 to index
    %swap3A_29 = arith.constant 0 : index
    %swap3A_30 = vector.load %arg10[%swap3A_28, %swap3A_29] : memref<10000x8xf32, #tpu.memory_space<vmem>>, vector<1000x8xf32>
    tpu.vector_store %arg10[%swap3A_28, %swap3A_29], %dot_general3A_25 {strides = array<i32>} : memref<10000x8xf32, #tpu.memory_space<vmem>>, vector<1000x8xf32>,
    %eq3A = arith.constant 9 : i32
    %eq3A_31 = arith.cmpi eq, %arg0, %eq3A : i32
    %convert_element_type3A = arith.extui %eq3A_31 : i1 to i32
    %cond3A = arith.constant 0 : i32
    %cond3A_32 = arith.cmpi ne, %convert_element_type3A, %cond3A : i32
    scf.if %cond3A_32 {
      %get3A_33 = arith.constant 0 : index
      %get3A_34 = arith.constant 0 : index
      %get3A_35 = vector.load %arg9[%get3A_33, %get3A_34] : memref<10000x8xf32, #tpu.memory_space<vmem>>, vector<10000x8xf32>
      %get3A_36 = arith.constant 0 : index
      %get3A_37 = arith.constant 0 : index
      %get3A_38 = vector.load %arg10[%get3A_36, %get3A_37] : memref<10000x8xf32, #tpu.memory_space<vmem>>, vector<10000x8xf32>
      %reduce_max3A = arith.constant dense<0xFF800000> : vector<8xf32>
      %reduce_max3A_39 = vector.multi_reduction <maximumf>, %get3A_35, %reduce_max3A [0] : vector<10000x8xf32> to vector<8xf32>
      %broadcast_in_dim3A = vector.shape_cast %reduce_max3A_39 : vector<8xf32> to vector<1x8xf32>
      %add3A = vector.broadcast %broadcast_in_dim3A : vector<1x8xf32> to vector<10000x8xf32>
      %add3A_40 = arith.addf %add3A, %get3A_38 : vector<10000x8xf32>
      %gt3A = arith.constant 0.000000e+00 : f32
      %gt3A_41 = vector.broadcast %gt3A : f32 to vector<10000x8xf32>
      %gt3A_42 = arith.cmpf ogt, %add3A_40, %gt3A_41 : vector<10000x8xf32>
      %mul3A_43 = arith.constant 2.000000e-01 : f32
      %mul3A_44 = vector.broadcast %mul3A_43 : f32 to vector<10000x8xf32>
      %mul3A_45 = arith.mulf %mul3A_44, %add3A_40 : vector<10000x8xf32>
      %select_n3A = arith.select %gt3A_42, %add3A_40, %mul3A_45 : vector<10000x8xi1>, vector<10000x8xf32>
      %broadcast_in_dim3A_46 = arith.constant 0.000000e+00 : f32
      %broadcast_in_dim3A_47 = vector.broadcast %broadcast_in_dim3A_46 : f32 to vector<10000x8xf32>
      %concatenate3A = tpu.concatenate %get3A_35, %broadcast_in_dim3A_47 in 1 : vector<10000x8xf32>, vector<10000x8xf32> -> vector<10000x16xf32>
      %swap3A_48 = arith.constant 0 : index
      %swap3A_49 = arith.constant 0 : index
      %swap3A_50 = vector.load %arg7[%swap3A_48, %swap3A_49] : memref<10000x16xf32, #tpu.memory_space<vmem>>, vector<10000x16xf32>
      tpu.vector_store %arg7[%swap3A_48, %swap3A_49], %concatenate3A {strides = array<i32>} : memref<10000x16xf32, #tpu.memory_space<vmem>>, vector<10000x16xf32>,
      %concatenate3A_51 = tpu.concatenate %get3A_38, %select_n3A in 1 : vector<10000x8xf32>, vector<10000x8xf32> -> vector<10000x16xf32>
      %swap3A_52 = arith.constant 0 : index
      %swap3A_53 = arith.constant 0 : index
      %swap3A_54 = vector.load %arg8[%swap3A_52, %swap3A_53] : memref<10000x16xf32, #tpu.memory_space<vmem>>, vector<10000x16xf32>
      tpu.vector_store %arg8[%swap3A_52, %swap3A_53], %concatenate3A_51 {strides = array<i32>} : memref<10000x16xf32, #tpu.memory_space<vmem>>, vector<10000x16xf32>,
    } else {
    }
    return
  }
  func.func @transform_0(%arg0: i32) -> (i32, i32) {
    %c0_i32 = arith.constant 0 : i32
    %c0_i32_0 = arith.constant 0 : i32
    return %arg0, %c0_i32 : i32, i32
  }
  func.func @transform_1(%arg0: i32) -> (i32, i32) {
    %c0_i32 = arith.constant 0 : i32
    %c0_i32_0 = arith.constant 0 : i32
    %c0_i32_1 = arith.constant 0 : i32
    return %c0_i32, %c0_i32_0 : i32, i32
  }
  func.func @transform_2(%arg0: i32) -> (i32, i32) {
    %c0_i32 = arith.constant 0 : i32
    %c0_i32_0 = arith.constant 0 : i32
    %c0_i32_1 = arith.constant 0 : i32
    return %c0_i32, %c0_i32_0 : i32, i32
  }
  func.func @transform_3(%arg0: i32) -> (i32, i32) {
    %c0_i32 = arith.constant 0 : i32
    %c0_i32_0 = arith.constant 0 : i32
    %c0_i32_1 = arith.constant 0 : i32
    return %c0_i32, %c0_i32_0 : i32, i32
  }
  func.func @transform_4(%arg0: i32) -> (i32, i32) {
    %c0_i32 = arith.constant 0 : i32
    %c0_i32_0 = arith.constant 0 : i32
    return %arg0, %c0_i32 : i32, i32
  }
  func.func @transform_5(%arg0: i32) -> (i32, i32) {
    %c0_i32 = arith.constant 0 : i32
    %c0_i32_0 = arith.constant 0 : i32
    return %arg0, %c0_i32 : i32, i32
  }
  func.func @transform_6(%arg0: i32) -> (i32, i32) {
    %c0_i32 = arith.constant 0 : i32
    %c0_i32_0 = arith.constant 0 : i32
    %c0_i32_1 = arith.constant 0 : i32
    return %c0_i32, %c0_i32_0 : i32, i32
  }
  func.func @transform_7(%arg0: i32) -> (i32, i32) {
    %c0_i32 = arith.constant 0 : i32
    %c0_i32_0 = arith.constant 0 : i32
    %c0_i32_1 = arith.constant 0 : i32
    return %c0_i32, %c0_i32_0 : i32, i32
  }
}

module attributes {stable_mosaic.version = 14 : i64} {
  func.func @_final_body(%arg0: i32, %arg1: memref<1000x128xf32, #tpu.memory_space<vmem>>, %arg2: memref<1000x128xf32, #tpu.memory_space<vmem>>, %arg3: memref<1000x16xf32, #tpu.memory_space<vmem>>, %arg4: memref<1000x16xf32, #tpu.memory_space<vmem>>, %arg5: memref<4x128xf32, #tpu.memory_space<vmem>>, %arg6: memref<1000x256xf32, #tpu.memory_space<vmem>>) attributes {dimension_semantics = [#tpu.dimension_semantics<arbitrary>], iteration_bounds = array<i64: 10>, scalar_prefetch = 0 : i64, scratch_operands = 0 : i64, tpu.core_type = #tpu.core_type<tc>, window_params = [{transform_indices = @transform_0, window_bounds = array<i64: 1000, 128>}, {transform_indices = @transform_1, window_bounds = array<i64: 1000, 128>}, {transform_indices = @transform_2, window_bounds = array<i64: 1000, 16>}, {transform_indices = @transform_3, window_bounds = array<i64: 1000, 16>}, {pipeline_mode = #tpu.pipeline_mode<synchronous>, transform_indices = @transform_4, window_bounds = array<i64: 4, 128>}, {transform_indices = @transform_5, window_bounds = array<i64: 1000, 256>}]} {
    %get3A = arith.constant 0 : index
    %get3A_0 = arith.constant 0 : index
    %get3A_1 = vector.load %arg3[%get3A, %get3A_0] : memref<1000x16xf32, #tpu.memory_space<vmem>>, vector<1000x16xf32>
    %slice3A = vector.extract_strided_slice %get3A_1 {offsets = [0, 0], sizes = [1000, 8], strides = [1, 1]} : vector<1000x16xf32> to vector<1000x8xf32>
    %get3A_2 = arith.constant 0 : index
    %get3A_3 = arith.constant 0 : index
    %get3A_4 = vector.load %arg4[%get3A_2, %get3A_3] : memref<1000x16xf32, #tpu.memory_space<vmem>>, vector<1000x16xf32>
    %slice3A_5 = vector.extract_strided_slice %get3A_4 {offsets = [0, 0], sizes = [1000, 8], strides = [1, 1]} : vector<1000x16xf32> to vector<1000x8xf32>
    %add3A = arith.addf %slice3A, %slice3A_5 : vector<1000x8xf32>
    %get3A_6 = arith.constant 0 : index
    %get3A_7 = arith.constant 0 : index
    %get3A_8 = vector.load %arg5[%get3A_6, %get3A_7] : memref<4x128xf32, #tpu.memory_space<vmem>>, vector<4x128xf32>
    %slice3A_9 = vector.extract_strided_slice %add3A {offsets = [0, 0], sizes = [1000, 4], strides = [1, 1]} : vector<1000x8xf32> to vector<1000x4xf32>
    %dot_general3A = arith.constant dense<0.000000e+00> : vector<1000x128xf32>
    %dot_general3A_10 = tpu.matmul %slice3A_9, %get3A_8, %dot_general3A {dimension_numbers = #tpu.dot_dimension_numbers<[1], [0], [0], [1], [0, 0, 1, 1], [], []>, transpose_lhs_hint = false} : vector<1000x4xf32>, vector<4x128xf32>, vector<1000x128xf32> -> vector<1000x128xf32>
    %slice3A_11 = vector.extract_strided_slice %add3A {offsets = [0, 4], sizes = [1000, 4], strides = [1, 1]} : vector<1000x8xf32> to vector<1000x4xf32>
    %dot_general3A_12 = arith.constant dense<0.000000e+00> : vector<1000x128xf32>
    %dot_general3A_13 = tpu.matmul %slice3A_11, %get3A_8, %dot_general3A_12 {dimension_numbers = #tpu.dot_dimension_numbers<[1], [0], [0], [1], [0, 0, 1, 1], [], []>, transpose_lhs_hint = false} : vector<1000x4xf32>, vector<4x128xf32>, vector<1000x128xf32> -> vector<1000x128xf32>
    %gt3A = arith.constant 0.000000e+00 : f32
    %gt3A_14 = vector.broadcast %gt3A : f32 to vector<1000x128xf32>
    %gt3A_15 = arith.cmpf ogt, %dot_general3A_10, %gt3A_14 : vector<1000x128xf32>
    %get3A_16 = arith.constant 0 : index
    %get3A_17 = arith.constant 0 : index
    %get3A_18 = vector.load %arg1[%get3A_16, %get3A_17] : memref<1000x128xf32, #tpu.memory_space<vmem>>, vector<1000x128xf32>
    %div3A = arith.divf %get3A_18, %dot_general3A_10 : vector<1000x128xf32>
    %jit3A = arith.constant 0.000000e+00 : f32
    %broadcast_in_dim3A = vector.broadcast %jit3A : f32 to vector<1000x128xf32>
    %select_n3A = arith.select %gt3A_15, %div3A, %broadcast_in_dim3A : vector<1000x128xi1>, vector<1000x128xf32>
    %gt3A_19 = arith.constant 0.000000e+00 : f32
    %gt3A_20 = vector.broadcast %gt3A_19 : f32 to vector<1000x128xf32>
    %gt3A_21 = arith.cmpf ogt, %dot_general3A_13, %gt3A_20 : vector<1000x128xf32>
    %get3A_22 = arith.constant 0 : index
    %get3A_23 = arith.constant 0 : index
    %get3A_24 = vector.load %arg2[%get3A_22, %get3A_23] : memref<1000x128xf32, #tpu.memory_space<vmem>>, vector<1000x128xf32>
    %div3A_25 = arith.divf %get3A_24, %dot_general3A_13 : vector<1000x128xf32>
    %jit3A_26 = arith.constant 0.000000e+00 : f32
    %broadcast_in_dim3A_27 = vector.broadcast %jit3A_26 : f32 to vector<1000x128xf32>
    %select_n3A_28 = arith.select %gt3A_21, %div3A_25, %broadcast_in_dim3A_27 : vector<1000x128xi1>, vector<1000x128xf32>
    %concatenate3A = tpu.concatenate %select_n3A, %select_n3A_28 in 1 : vector<1000x128xf32>, vector<1000x128xf32> -> vector<1000x256xf32>
    %swap3A = arith.constant 0 : index
    %swap3A_29 = arith.constant 0 : index
    %swap3A_30 = vector.load %arg6[%swap3A, %swap3A_29] : memref<1000x256xf32, #tpu.memory_space<vmem>>, vector<1000x256xf32>
    tpu.vector_store %arg6[%swap3A, %swap3A_29], %concatenate3A {strides = array<i32>} : memref<1000x256xf32, #tpu.memory_space<vmem>>, vector<1000x256xf32>,
    return
  }
  func.func @transform_0(%arg0: i32) -> (i32, i32) {
    %c0_i32 = arith.constant 0 : i32
    %c0_i32_0 = arith.constant 0 : i32
    return %arg0, %c0_i32 : i32, i32
  }
  func.func @transform_1(%arg0: i32) -> (i32, i32) {
    %c0_i32 = arith.constant 0 : i32
    %c0_i32_0 = arith.constant 0 : i32
    return %arg0, %c0_i32 : i32, i32
  }
  func.func @transform_2(%arg0: i32) -> (i32, i32) {
    %c0_i32 = arith.constant 0 : i32
    %c0_i32_0 = arith.constant 0 : i32
    return %arg0, %c0_i32 : i32, i32
  }
  func.func @transform_3(%arg0: i32) -> (i32, i32) {
    %c0_i32 = arith.constant 0 : i32
    %c0_i32_0 = arith.constant 0 : i32
    return %arg0, %c0_i32 : i32, i32
  }
  func.func @transform_4(%arg0: i32) -> (i32, i32) {
    %c0_i32 = arith.constant 0 : i32
    %c0_i32_0 = arith.constant 0 : i32
    %c0_i32_1 = arith.constant 0 : i32
    return %c0_i32, %c0_i32_0 : i32, i32
  }
  func.func @transform_5(%arg0: i32) -> (i32, i32) {
    %c0_i32 = arith.constant 0 : i32
    %c0_i32_0 = arith.constant 0 : i32
    return %arg0, %c0_i32 : i32, i32
  }
}

</mosaic_0001>

<sc_bundles>
// kernel: kernel.6.cloned.1.call-start
scs
__scs_entry_jumppad:
0x0: {  	(pc) =	sbr.rel $0x88, $3  }
0x1: {  	(tag) =	ssettag $0x0;
	lr =	simm.s32 $0x1  }
0x2: {  	[smem:$0x3F9B] =	sst lr;
	_ =	strace $0xD0000000  }
0x3: {  	_ = 	snop  }
0x4: {  	_ = 	snop  }
0x5: {  	_ = 	snop  }
0x6: {  	_ = 	snop  }
0x7: {  	_ = 	snop  }
__scs_overlays_trampoline_lowered:
0x8: {  	[smem:$0x3FAA] =	sst s0  }
0x9: {  	[smem:$0x3FAB] =	sst s1  }
0xa: {  	[smem:$0x3FAC] =	sst s2  }
0xb: {  	[smem:$0x3FAD] =	sst s3  }
0xc: {  	[smem:$0x3FAE] =	sst s4  }
0xd: {  	[smem:$0x3FAF] =	sst s5  }
0xe: {  	[smem:$0x3FB0] =	sst s6  }
0xf: {  	[smem:$0x3FB1] =	sst s7  }
0x10: {  	[smem:$0x3FB2] =	sst s8  }
0x11: {  	[smem:$0x3FB3] =	sst s9;
	s0 =	simm.s32 @!p0 $0x0  }
0x12: {  	s1 =	sld [smem:$0x3F99];
	s0 =	simm.s32 @p0 $0x1  }
0x13: {  	[smem:$0x3FB4] =	sst s0;
	s0 =	simm.s32 @!p1 $0x0  }
0x14: {  	s2 =	sld [smem:$0x3F98];
	s0 =	simm.s32 @p1 $0x1  }
0x15: {  	[smem:$0x3FB5] =	sst s0;
	s0 =	simm.s32 @!p2 $0x0  }
0x16: {  	s3 =	sld [smem:$0x3FDB];
	s0 =	simm.s32 @p2 $0x1  }
0x17: {  	s4 =	simm.s32 $0x1BF5;
	[smem:$0x3FB7] =	sst s0  }
0x18: {  	s0 =	sld [smem:$0x3F9A];
	_ =	swait.ge [sflag:s4], $0x0  }
0x19: {  	s7 =	sld [smem:$0x3F9B]  }
0x1a: {  	s8 =	sadd.s32 $0xFFFFE003, lr  }
0x1b: {  	s9 =	sadd.s32 $0xFFFFFEF7, lr;
	s5 =	simm.s32 $0xFFFFFFFF;
	p2 =	slt.u32 s8, $0xFFFFF086  }
0x1c: {  	p1 =	slt.u32 s9, $0xF7A;
	s5 =	simm.s32 @!p2 $0x0  }
0x1d: {  	s5 =	simm.s32 @p1 $0x1;
	p0 =	seq.s32 s7, s2  }
0x1e: {  	s7 =	smul.u32 @!p0 $0xF7A, s2;
	p2 =	seq.s32 @!p0 s5, $0x0  }
0x1f: {  	s9 =	smul.u32 $0xF7A, s1;
	s8 =	simm.s32 @!p0 $0x1BF5;
	p2 =	por !p2, p0  }
0x20: {  	[sflag:s8] =	ssyncset.s32 @!p0 $0xFFFFF086;
	s6 =	sadd.s32 @!p0 s3, s7;
	s7 =	simm.s32 @!p0 $0x108  }
0x21: {  	s3 =	sadd.s32 s3, s9;
	s6 =	sadd.s32 @!p0 $0x88, s6;
	s7 =	simm.s32 @p2 $0x1082  }
0x22: {  	[simem:s7], [sflag:s8] =	dma.local @!p0 [hbm:s6], $0xF7A  }
0x23: {  	s9 =	sor.u32 $0xD0000000, s2;
	s6 =	simm.s32 $0x108;
	_ =	swait.ge @!p0 [sflag:s8], $0x0  }
0x24: {  	s3 =	sadd.s32 $0x88, s3;
	s6 =	simm.s32 @!p1 $0x1082;
	[sflag:s4] =	ssyncset.s32 $0xFFFFF086  }
0x25: {  	[simem:s6], [sflag:s4] =	dma.local [hbm:s3], $0xF7A  }
0x26: {  	[smem:$0x3F9B] =	sst s1;
	(tag) =	ssettag s2;
	_ =	strace s9  }
0x27: {  	s1 =	sld [smem:$0x3FAB]  }
0x28: {  	s2 =	sld [smem:$0x3FAC]  }
0x29: {  	s4 =	sld [smem:$0x3FAE]  }
0x2a: {  	p0 =	seq.s32 s5, $0x0;
	s5 =	sld [smem:$0x3FAF]  }
0x2b: {  	s6 =	sld [smem:$0x3FB0]  }
0x2c: {  	s7 =	sld [smem:$0x3FB1]  }
0x2d: {  	s3 =	simm.s32 $0x108;
	s8 =	sld [smem:$0x3FB2]  }
0x2e: {  	s3 =	simm.s32 @!p0 $0x1082;
	s9 =	sld [smem:$0x3FB3]  }
0x2f: {  	lr =	sadd.s32 s0, s3;
	s0 =	sld [smem:$0x3FAA]  }
0x30: {  	s3 =	sld [smem:$0x3FAD]  }
0x31: {  	[smem:$0x3FB6] =	sst s10  }
0x32: {  	s10 =	sld [smem:$0x3FB4];
	_ =	sdelay $0x3  }
0x33: {  	p0 =	seq.s32 s10, $0x1;
	s10 =	sld [smem:$0x3FB6];
	_ =	sdelay $0x3  }
0x34: {  	[smem:$0x3FB6] =	sst s10  }
0x35: {  	s10 =	sld [smem:$0x3FB5];
	_ =	sdelay $0x3  }
0x36: {  	p1 =	seq.s32 s10, $0x1;
	s10 =	sld [smem:$0x3FB6];
	_ =	sdelay $0x3  }
0x37: {  	[smem:$0x3FB6] =	sst s10  }
0x38: {  	s10 =	sld [smem:$0x3FB7]  }
0x39: {  	_ = 	snop;
	(pc) =	sbr.ind lr, $3  }
0x3a: {  	_ = 	snop  }
0x3b: {  	_ = 	snop  }
0x3c: {  	p2 =	seq.s32 s10, $0x1;
	s10 =	sld [smem:$0x3FB6]  }
0x3d: {  	_ =	shalt  }
0x3e: {  	_ =	shalt  }
0x3f: {  	_ =	shalt  }
0x40: {  	_ =	shalt  }
0x41: {  	_ =	shalt  }
0x42: {  	_ =	shalt  }
0x43: {  	_ =	shalt  }
0x44: {  	_ =	shalt  }
0x45: {  	_ =	shalt  }
0x46: {  	_ =	shalt  }
0x47: {  	_ =	shalt  }
0x48: {  	_ =	shalt  }
0x49: {  	_ =	shalt  }
0x4a: {  	_ =	shalt  }
0x4b: {  	_ =	shalt  }
0x4c: {  	_ =	shalt  }
0x4d: {  	_ =	shalt  }
0x4e: {  	_ =	shalt  }
0x4f: {  	_ =	shalt  }
0x50: {  	_ =	shalt  }
0x51: {  	_ =	shalt  }
0x52: {  	_ =	shalt  }
0x53: {  	_ =	shalt  }
0x54: {  	_ =	shalt  }
0x55: {  	_ =	shalt  }
0x56: {  	_ =	shalt  }
0x57: {  	_ =	shalt  }
0x58: {  	_ =	shalt  }
0x59: {  	_ =	shalt  }
0x5a: {  	_ =	shalt  }
0x5b: {  	_ =	shalt  }
0x5c: {  	_ =	shalt  }
0x5d: {  	_ =	shalt  }
0x5e: {  	_ =	shalt  }
0x5f: {  	_ =	shalt  }
0x60: {  	_ =	shalt  }
0x61: {  	_ =	shalt  }
0x62: {  	_ =	shalt  }
0x63: {  	_ =	shalt  }
0x64: {  	_ =	shalt  }
0x65: {  	_ =	shalt  }
0x66: {  	_ =	shalt  }
0x67: {  	_ =	shalt  }
0x68: {  	_ =	shalt  }
0x69: {  	_ =	shalt  }
0x6a: {  	_ =	shalt  }
0x6b: {  	_ =	shalt  }
0x6c: {  	_ =	shalt  }
0x6d: {  	_ =	shalt  }
0x6e: {  	_ =	shalt  }
0x6f: {  	_ =	shalt  }
0x70: {  	_ =	shalt  }
0x71: {  	_ =	shalt  }
0x72: {  	_ =	shalt  }
0x73: {  	_ =	shalt  }
0x74: {  	_ =	shalt  }
0x75: {  	_ =	shalt  }
0x76: {  	_ =	shalt  }
0x77: {  	_ =	shalt  }
0x78: {  	_ =	shalt  }
0x79: {  	_ =	shalt  }
0x7a: {  	_ =	shalt  }
0x7b: {  	_ =	shalt  }
0x7c: {  	_ =	shalt  }
0x7d: {  	_ =	shalt  }
0x7e: {  	_ =	shalt  }
0x7f: {  	_ =	shalt  }
0x80: {  	_ =	shalt  }
0x81: {  	_ =	shalt  }
0x82: {  	_ =	shalt  }
0x83: {  	_ =	shalt  }
0x84: {  	_ =	shalt  }
0x85: {  	_ =	shalt  }
0x86: {  	_ =	shalt  }
0x87: {  	_ =	shalt  }
.Lfunc_end0:
.L_simem_size_0:
called_computation_lowered:
.L_overlay_start_0:
0x88: {  	s2 =	sld [smem:$0x3FD9]  }
0x89: {  	s3 =	sld [smem:$0x3FFE];
	_ =	sdelay $0x1  }
0x8a: {  	s1 =	srdreg.scid  }
0x8b: {  	s0 =	sand.u32 $0x1, s1  }
0x8c: {  	s17 =	sshll.u32 s0, $0xA;
	s2 =	sadd.s32 s3, s2  }
0x8d: {  	s2 =	sadd.s32 s2, s17  }
0x8e: {  	[smem:$0x3FC2] =	sst s2  }
0x8f: {  	_ = 	snop  }
0x90: {  	s2 =	sld [smem:$0x3FD0];
	(tm) =	ssettm $0x1  }
0x91: {  	s18 =	sld [smem:$0x3FFB];
	_ =	sdelay $0x3  }
0x92: {  	_ =	strace s18  }
0x93: {  	s3 =	sld [smem:$0x3FFC];
	_ =	sdelay $0x3  }
0x94: {  	_ =	strace s3  }
0x95: {  	s3 =	sld [smem:$0x3FFD];
	_ =	sdelay $0x3  }
0x96: {  	_ =	strace s3  }
0x97: {  	_ =	strace $0x8FFFFFFF  }
0x98: {  	s19 =	sld [smem:$0x3FDB];
	_ =	sdelay $0x1  }
0x99: {  	s4 =	simm.s32 $_scs_section_size  }
0x9a: {  	s5 =	simm.s32 $_size__tile_overlayer_lowered;
	s6 =	simm.s32 $_tile_overlayer_lowered  }
0x9b: {  	s22 =	simm.s32 $0x1BFF;
	s21 =	sshll.u32 s6, $0x1;
	s3 =	sadd.s32 s4, s19  }
0x9c: {  	s7 =	simm.s32 $0x0;
	s20 =	sshll.u32 s5, $0x1;
	s5 =	sadd.s32 s21, s3  }
0x9d: {  	[timem:s7], [sflag:s22] =	dma.local [hbm:s5], s20  }
0x9e: {  	_ =	swait.ge [sflag:s22], s20  }
0x9f: {  	s4 =	ssub.s32 $0x0, s20;
	[sflag:s22] =	ssyncset.done $0x0  }
0xa0: {  	[sflag:s22] =	ssyncadd.s32 s4;
	_ =	sdelay $0x1  }
0xa1: {  	s23 =	simm.s32 $0x1B8B  }
0xa2: {  	_ =	swait.ge [sflag:s23], $0x1  }
0xa3: {  	[sflag:s23] =	ssyncset.done $0x0  }
0xa4: {  	s25 =	simm.s32 $0x1B8E;
	s24 =	sld [smem:$0x3FFE];
	[sflag:s23] =	ssyncadd.s32 $0xFFFFFFFF  }
0xa5: {  	s26 =	simm.s32 $execute0_lowered;
	[smem:$0x3FD2] =	sst s25  }
0xa6: {  	s5 =	sshll.u32 s26, $0x1;
	_ =	strace $0x80000046;
	[dreg:$0x1] =	wrdreg $0xFFFFFFFF  }
0xa7: {  	s28 =	simm.s32 $_size_execute0_lowered;
	s3 =	sadd.s32 s3, s5;
	[dreg:$0x0] =	wrdreg $0x0  }
0xa8: {  	s5 =	sshll.u32 s28, $0x1;
	[dreg:$0x2] =	wrdreg s3  }
0xa9: {  	[dreg:$0x3] =	wrdreg s5  }
0xaa: {  	[dreg:$0x4] =	wrdreg $0xC0  }
0xab: {  	_ =	task [dreg:s7], $0x5FFFF  }
0xac: {  	[dreg:$0x1] =	wrdreg $0xFFFFFFFF  }
0xad: {  	[dreg:$0x0] =	wrdreg $0x60  }
0xae: {  	[dreg:$0x2] =	wrdreg s24  }
0xaf: {  	[dreg:$0x3] =	wrdreg s2  }
0xb0: {  	[dreg:$0x4] =	wrdreg $0x68B00  }
0xb1: {  	[dreg:$0x5] =	wrdreg $0x9  }
0xb2: {  	_ =	task.clear_ibuf [dreg:s7], $0x6FFFF;
	_ =	strace $0x90000046  }
0xb3: {  	s29 =	simm.s32 $0x9;
	_ =	strace $0x80000048  }
0xb4: {  	_ =	swait.ge [sflag:s29], $0x1  }
0xb5: {  	[sflag:s29] =	ssyncadd.s32 $0xFFFFFFFF  }
0xb6: {  	_ =	strace $0x90000048  }
0xb7: {  	_ =	sfence  }
0xb8: {  	s30 =	sld [smem:$0x0];
	_ =	sdelay $0x2  }
0xb9: {  	s31 =	sshll.u32 s1, $0xD;
	s1 =	sshrl.u32 s1, $0x2  }
0xba: {  	s3 =	sand.u32 $0x4000, s31;
	s1 =	sadd.s32 s1, s30  }
0xbb: {  	s0 =	sor.u32 s3, s0;
	s1 =	sshll.u32 s1, $0x11  }
0xbc: {  	s0 =	sor.u32 s1, s0  }
0xbd: {  	s0 =	sadd.s32 $0x8F2B, s0  }
0xbe: {  	[sflag:s0] =	ssyncadd.remote.s32 $0x1  }
0xbf: {  	_ =	sfence.sel $0xFFFF  }
0xc0: {  	[dreg:$0x0] =	wrdreg $0xFFFFFFFF;
	(pc) =	sbr.abs _section_cstart, $3  }
0xc1: {  	[dreg:$0x1] =	wrdreg $0xFFFFFFFF  }
0xc2: {  	_ =	task.clear_ibuf [dreg:s7], $0x2FFFF;
	_ =	strace $0x9FFFFFFF  }
0xc3: {  	(tm) =	ssettm $0x7FFFFFFF  }
tec
execute0_lowered:
.L_overlay_start_1:
0x0: {  	(tag) =	ssettag $0x1  }
0x1: {  	s0 =	rddreg [dreg:$0x0]  }
0x2: {  	s1 =	rddreg [dreg:$0x1]  }
0x3: {  	s2 =	rddreg [dreg:$0x2]  }
0x4: {  	s3 =	simm.s32 $0x0;
	s4 =	srdreg.scid;
	s14 =	stileid.u32  }
0x5: {  	s17 =	simm.s32 $0x6D800;
	s18 =	simm.s32 $0x36B0;
	s19 =	simm.s32 $0x1  }
0x6: {  	s20 =	simm.s32 $0x190;
	s21 =	simm.s32 $0x4B0;
	s22 =	simm.s32 $0x1DB0  }
0x7: {  	s23 =	simm.s32 $0x4FB0;
	s25 =	simm.s32 $0x0;
	s26 =	simm.s32 $0x0  }
0x8: {  	[smem:$0x7FF] =	sst s3;
	s5 =	sadd.s32 $0x54C00, s0;
	s6 =	sadd.s32 $0x4FC00, s0  }
0x9: {  	s4 =	sand.u32 $0x1, s4;
	s7 =	sadd.s32 $0x63A00, s0;
	s11 =	smul.u32 $0xA000, s14  }
0xa: {  	v0 =	vimm.f32 $0.0e+00;
	s8 =	sadd.s32 $0x59C00, s0;
	s9 =	sadd.s32 $0x77800, s0;
	s13 =	sshll.u32 s14, $0x1  }
0xb: {  	v1 =	vlaneseq.u32;
	vm13 =	vmmov $0xff;
	v2 =	vimm.s32 $0x0;
	s14 =	smul.u32 $0x2800, s14;
	_ =	strace $0x80000047;
	s10 =	ssub.s32 $0x2, s4  }
0xc: {  	v3 =	vimm.s32 $0x1;
	v4 =	vimm.s32 $0x2;
	v5 =	vimm.s32 $0x3;
	s13 =	sor.u32 s4, s13;
	p0 =	seq.s32 s4, $0x1;
	s12 =	sshrl.u32 s10, $0x1  }
0xd: {  	v6 =	vimm.s32 $0x4;
	v7 =	vimm.s32 $0x5;
	v8 =	vimm.s32 $0x6;
	s11 =	sshrl.u32 s11, $0x2;
	s31 =	sshrl.u32 s14, $0x3;
	s24 =	sadd.s32 s14, s2  }
0xe: {  	v9 =	vimm.s32 $0x7;
	v10 =	vimm.s32 $0x8;
	v11 =	vimm.s32 $0x9;
	s17 =	simm.s32 @!p0 $0x72800;
	s12 =	ssub.s32 s10, s12;
	s10 =	sadd.s32 s11, s2  }
0xf: {  	v12 =	vimm.s32 $0xA;
	v13 =	vimm.s32 $0xB;
	v18 =	vimm.s32 $0x0;
	s11 =	smul.u32 $0x2710, s13;
	s0 =	sadd.s32 s17, s0;
	s24 =	sshrl.u32 s24, $0x3  }
0x10: {  	v14 =	vimm.s32 $0xC;
	v15 =	vimm.s32 $0xD;
	v18 =	vsel vm13, $0xFFFFFFFF, v18;
	s12 =	smax.u32 s12, $0x1;
	s13 =	sadd.s32 $0x800, s10;
	s14 =	sadd.s32 $0x1000, s10  }
0x11: {  	v16 =	vimm.s32 $0xE;
	v17 =	vimm.s32 $0xF;
	v1 =	vor.u32 $0x8, v1;
	[tilespmem:$0x1FFF0] =	vst v18;
	s15 =	sadd.s32 $0x1800, s10;
	s16 =	sadd.s32 $0x2000, s10;
	s17 =	sadd.s32 s0, s31  }
.LBB2_1:
0x12: {  	s0 =	simm.s32 $0x40;
	s4 =	simm.s32 $0x0  }
.LBB2_2:
0x13: {  	p0 =	sne.s32 s0, $0x1FC0;
	[tilespmem:s4+$0x36B0] =	vst v0;
	s4 =	smov.u32 s0;
	s0 =	sadd.s32 $0x40, s0  }
.Ltmp0:
0x14: {  	(pc) =	sbr.rel @p0 .LBB2_2-.Ltmp0, $2  }
0x15: {  	_ =	sdelay $0x2  }
0x16: {  	s4 =	sshra.s32 s4, $0x2  }
0x17: {  	[tilespmem:s4+$0x36B0] =	vst v0  }
0x18: {  	[spmem:s10] =	stream.linear.scatter [tilespmem:s18], [sflag:$0x1], $0x800, $0x38;
	[tilespmem:$0x90B0] =	vst v63  }
0x19: {  	_ =	swait.ge [sflag:s19], $0x800  }
0x1a: {  	[sflag:s19] =	ssyncset.done $0x0  }
0x1b: {  	[sflag:s19] =	ssyncadd.s32 $0xFFFFF800  }
0x1c: {  	[spmem:s13] =	stream.linear.scatter [tilespmem:s18], [sflag:$0x1], $0x800, $0x38;
	[tilespmem:$0x90B0] =	vst v63  }
0x1d: {  	_ =	swait.ge [sflag:s19], $0x800  }
0x1e: {  	[sflag:s19] =	ssyncset.done $0x0  }
0x1f: {  	[sflag:s19] =	ssyncadd.s32 $0xFFFFF800  }
0x20: {  	[spmem:s14] =	stream.linear.scatter [tilespmem:s18], [sflag:$0x1], $0x800, $0x38;
	[tilespmem:$0x90B0] =	vst v63  }
0x21: {  	_ =	swait.ge [sflag:s19], $0x800  }
0x22: {  	[sflag:s19] =	ssyncset.done $0x0  }
0x23: {  	[sflag:s19] =	ssyncadd.s32 $0xFFFFF800  }
0x24: {  	[spmem:s15] =	stream.linear.scatter [tilespmem:s18], [sflag:$0x1], $0x800, $0x38;
	[tilespmem:$0x90B0] =	vst v63  }
0x25: {  	_ =	swait.ge [sflag:s19], $0x800  }
0x26: {  	[sflag:s19] =	ssyncset.done $0x0  }
0x27: {  	[sflag:s19] =	ssyncadd.s32 $0xFFFFF800  }
0x28: {  	[spmem:s16] =	stream.linear.scatter [tilespmem:s18], [sflag:$0x1], $0x800, $0x38;
	[tilespmem:$0x90B0] =	vst v63  }
0x29: {  	_ =	swait.ge [sflag:s19], $0x800  }
0x2a: {  	[sflag:s19] =	ssyncset.done $0x0  }
0x2b: {  	[sflag:s19] =	ssyncadd.s32 $0xFFFFF800  }
0x2c: {  	s28 =	simm.s32 $0x0;
	[bflag:$0x0] =	sbarrier.arrive $0xFFFF  }
.LBB2_4:
0x2d: {  	s0 =	smul.u32 $0x190, s28;
	_ =	sdelay $0x1  }
0x2e: {  	s29 =	sadd.s32 s11, s0  }
0x2f: {  	s0 =	sshrl.u32 s29, $0x3  }
0x30: {  	s4 =	sadd.s32 s7, s0  }
0x31: {  	[tilespmem:s26], [sflag:$0x1] =	stream.linear.gather [hbm4b:s4+s26], $0x190, $0x38;
	[tilespmem:$0x90B0] =	vst v63  }
0x32: {  	_ =	swait.ge [sflag:s19], $0x190  }
0x33: {  	[sflag:s19] =	ssyncset.done $0x0  }
0x34: {  	s4 =	sadd.s32 s8, s0;
	[sflag:s19] =	ssyncadd.s32 $0xFFFFFE70  }
0x35: {  	[tilespmem:s20], [sflag:$0x1] =	stream.linear.gather [hbm4b:s4+s26], $0x190, $0x38;
	[tilespmem:$0x90B0] =	vst v63  }
0x36: {  	_ =	swait.ge [sflag:s19], $0x190  }
0x37: {  	[sflag:s19] =	ssyncset.done $0x0  }
0x38: {  	s31 =	simm.s32 $0x320;
	s0 =	sadd.s32 s1, s0;
	[sflag:s19] =	ssyncadd.s32 $0xFFFFFE70  }
0x39: {  	[tilespmem:s31], [sflag:$0x1] =	stream.linear.gather [hbm4b:s0+s26], $0x190, $0x38;
	[tilespmem:$0x90B0] =	vst v63  }
0x3a: {  	_ =	swait.ge [sflag:s19], $0x190  }
0x3b: {  	[sflag:s19] =	ssyncset.done $0x0  }
0x3c: {  	[sflag:s19] =	ssyncadd.s32 $0xFFFFFE70  }
0x3d: {  	[tilespmem:s21], [sflag:$0x1] =	stream.indirect.gather [hbm4b:s5+s20], $0x10, s26, s20, $0xb8;
	[tilespmem:$0x90B0] =	vst v63  }
0x3e: {  	_ =	swait.ge [sflag:s19], $0x1900  }
0x3f: {  	[sflag:s19] =	ssyncset.done $0x0  }
0x40: {  	[sflag:s19] =	ssyncadd.s32 $0xFFFFE700  }
0x41: {  	[tilespmem:s22], [sflag:$0x1] =	stream.indirect.gather [hbm4b:s6+s20], $0x10, s20, s20, $0xb8;
	[tilespmem:$0x90B0] =	vst v63  }
0x42: {  	_ =	swait.ge [sflag:s19], $0x1900  }
0x43: {  	[sflag:s19] =	ssyncset.done $0x0  }
0x44: {  	s4 =	simm.s32 $0x0;
	[sflag:s19] =	ssyncadd.s32 $0xFFFFE700  }
0x45: {  	v18 =	vld [tilespmem:s4+$0x4B0]  }
0x46: {  	v19 =	vld [tilespmem:s4+$0x1DB0]  }
0x47: {  	v20 =	vld [tilespmem:s4+$0x4C0]  }
0x48: {  	v21 =	vld [tilespmem:s4+$0x1DC0]  }
0x49: {  	v22 =	vld [tilespmem:s4+$0x4D0]  }
0x4a: {  	v23 =	vld [tilespmem:s4+$0x1DD0]  }
0x4b: {  	v24 =	vld [tilespmem:s4+$0x4E0]  }
0x4c: {  	v25 =	vld [tilespmem:s4+$0x1DE0]  }
0x4d: {  	v26 =	vld [tilespmem:s4+$0x4F0]  }
0x4e: {  	v27 =	vld [tilespmem:s4+$0x1DF0]  }
0x4f: {  	v28 =	vld [tilespmem:s4+$0x500]  }
0x50: {  	v29 =	vld [tilespmem:s4+$0x1E00]  }
0x51: {  	v30 =	vld [tilespmem:s4+$0x510]  }
0x52: {  	v31 =	vld [tilespmem:s4+$0x1E10]  }
0x53: {  	v32 =	vld [tilespmem:s4+$0x520]  }
0x54: {  	v33 =	vld [tilespmem:s4+$0x1E20]  }
0x55: {  	v34 =	vld [tilespmem:s4+$0x530]  }
0x56: {  	v35 =	vld [tilespmem:s4+$0x1E30]  }
0x57: {  	v36 =	vld [tilespmem:s4+$0x540]  }
0x58: {  	v37 =	vld [tilespmem:s4+$0x1E40]  }
0x59: {  	v38 =	vld [tilespmem:s4+$0x550]  }
0x5a: {  	v39 =	vld [tilespmem:s4+$0x1E50]  }
0x5b: {  	v41 =	vld [tilespmem:s4+$0x570]  }
0x5c: {  	v42 =	vld [tilespmem:s4+$0x1E70];
	v18 =	vadd.f32 v19, v18;
	v19 =	vadd.f32 v21, v20  }
0x5d: {  	v43 =	vld [tilespmem:s4+$0x5A0];
	v21 =	vadd.f32 v23, v22;
	v22 =	vadd.f32 v25, v24  }
0x5e: {  	v45 =	vld [tilespmem:s4+$0x1EA0];
	v23 =	vadd.f32 v27, v26;
	v27 =	vadd.f32 v29, v28  }
0x5f: {  	v30 =	vadd.f32 v31, v30;
	v31 =	vadd.f32 v33, v32  }
0x60: {  	v34 =	vadd.f32 v35, v34;
	v36 =	vadd.f32 v37, v36;
	v24 =	vperm.xlane v19, v1  }
0x61: {  	v37 =	vadd.f32 v39, v38;
	v25 =	vperm.xlane v21, v1;
	v26 =	vperm.xlane v22, v1  }
0x62: {  	v41 =	vadd.f32 v42, v41;
	v28 =	vmul.f32 $2.000000030e-01, v18;
	v29 =	vperm.xlane v23, v1  }
0x63: {  	v42 =	vadd.f32 v45, v43;
	v58 =	vperm.xlane v27, v1;
	v44 =	vmul.f32 $2.000000030e-01, v19  }
0x64: {  	v40 =	vld [tilespmem:s4+$0x560];
	vm0 =	vgt.f32 v18, $0.0e+00;
	v46 =	vperm.xlane v30, v1;
	v47 =	vperm.xlane v31, v1  }
0x65: {  	v20 =	vld [tilespmem:s4+$0x1E60];
	vm1 =	vgt.f32 v19, $0.0e+00;
	v48 =	vmul.f32 $2.000000030e-01, v22;
	v62 =	vmul.f32 $2.000000030e-01, v27  }
0x66: {  	vm2 =	vgt.f32 v21, $0.0e+00;
	v63 =	vmul.f32 $2.000000030e-01, v30;
	v49 =	vmul.f32 $2.000000030e-01, v31  }
0x67: {  	v35 =	vld [tilespmem:s4+$0x580];
	vm3 =	vgt.f32 v22, $0.0e+00;
	v52 =	vmul.f32 $2.000000030e-01, v34;
	v55 =	vperm.xlane v34, v1  }
0x68: {  	v38 =	vld [tilespmem:s4+$0x1E80];
	vm4 =	vgt.f32 v23, $0.0e+00;
	v43 =	vperm.xlane v36, v1;
	v50 =	vperm.xlane v41, v1  }
0x69: {  	v19 =	vsel vm1, v19, v44;
	vm1 =	vgt.f32 v27, $0.0e+00;
	v60 =	vsel vm3, v22, v48  }
0x6a: {  	vm3 =	vgt.f32 v34, $0.0e+00;
	v33 =	vadd.f32 v20, v40;
	v20 =	vperm.xlane v18, v1  }
0x6b: {  	v18 =	vsel vm0, v18, v28;
	v28 =	vmul.f32 $2.000000030e-01, v21;
	v24 =	vsub.f32 v19, v24  }
0x6c: {  	vm0 =	vgt.f32 v30, $0.0e+00;
	v26 =	vsub.f32 v60, v26;
	v27 =	vsel vm1, v27, v62  }
0x6d: {  	v34 =	vsel vm3, v34, v52;
	v48 =	vadd.f32 v38, v35;
	vm3 =	vgt.f32 v37, $0.0e+00  }
0x6e: {  	vm1 =	vgt.f32 v41, $0.0e+00;
	v27 =	vsub.f32 v27, v58;
	v30 =	vsel vm0, v30, v63  }
0x6f: {  	v56 =	vsub.f32 v34, v55;
	v20 =	vsub.f32 v18, v20;
	v21 =	vsel vm2, v21, v28  }
0x70: {  	v24 =	vmul.f32 $1.442695020e+00, v24;
	vm2 =	vgt.f32 v31, $0.0e+00;
	v28 =	vmul.f32 $2.000000030e-01, v23  }
0x71: {  	v39 =	vld [tilespmem:s4+$0x590];
	v45 =	vperm.xlane v33, v1;
	v25 =	vsub.f32 v21, v25;
	v59 =	vmul.f32 $1.442695020e+00, v20  }
0x72: {  	v40 =	vld [tilespmem:s4+$0x1E90];
	v51 =	vperm.xlane v48, v1;
	v62 =	vmul.f32 $2.000000030e-01, v48;
	v23 =	vsel vm4, v23, v28  }
0x73: {  	s30 =	simm.s32 $0x100;
	v61 =	vmul.f32 $1.442695020e+00, v25;
	v23 =	vsub.f32 v23, v29;
	(erf) = vpow2.f32 v59  }
0x74: {  	v0 =	vld [tilespmem:s30+$0x4B0];
	v30 =	vsub.f32 v30, v46;
	v29 =	vmul.f32 $1.442695020e+00, v26;
	(erf) = vpow2.f32 v24  }
0x75: {  	vm0 =	vgt.f32 v48, $0.0e+00;
	v23 =	vmul.f32 $1.442695020e+00, v23;
	(erf) = vpow2.f32 v61  }
0x76: {  	v53 =	vsel vm2, v31, v49;
	v54 =	vmul.f32 $1.442695020e+00, v27;
	(erf) = vpow2.f32 v29  }
0x77: {  	v32 =	vld [tilespmem:s30+$0x1E00];
	v58 =	vmul.f32 $1.442695020e+00, v56;
	v39 =	vadd.f32 v40, v39;
	(erf) = vpow2.f32 v23  }
0x78: {  	v19 =	vld [tilespmem:s30+$0x1DB0];
	vm2 =	vgt.f32 v36, $0.0e+00;
	v56 =	vmul.f32 $2.000000030e-01, v36;
	v30 =	vmul.f32 $1.442695020e+00, v30  }
0x79: {  	[tilespmem:$0x1FFE0] =	vst v0;
	v18 =	vld [tilespmem:s30+$0x4D0];
	v44 =	vsub.f32 v53, v47;
	v53 =	vperm.xlane v42, v1;
	v0 =	vmul.f32 $2.000000030e-01, v39  }
0x7a: {  	v21 =	vld [tilespmem:s30+$0x1DC0];
	v36 =	vsel vm2, v36, v56;
	v52 =	vperm.xlane v39, v1;
	vm2 =	vgt.f32 v39, $0.0e+00  }
0x7b: {  	v31 =	vld [tilespmem:s30+$0x500];
	vm4 =	vgt.f32 v33, $0.0e+00;
	v36 =	vsub.f32 v36, v43;
	v0 =	vsel vm2, v39, v0  }
0x7c: {  	v27 =	vld [tilespmem:s30+$0x510];
	v44 =	vmul.f32 $1.442695020e+00, v44;
	v61 =	vmul.f32 $2.000000030e-01, v41;
	v0 =	vsub.f32 v0, v52;
	v23 =	vpop (erf)  }
0x7d: {  	v20 =	vld [tilespmem:s30+$0x4C0];
	v62 =	vsel vm0, v48, v62;
	v36 =	vmul.f32 $1.442695020e+00, v36;
	(erf) = vpow2.f32 v54;
	v57 =	vpop (erf)  }
0x7e: {  	v0 =	vmul.f32 $1.442695020e+00, v0;
	v46 =	vnsel vm13, $0x0, v23;
	v23 =	vld [tilespmem:s31+$0x0];
	(erf) = vpow2.f32 v30;
	v30 =	vpop (erf)  }
0x7f: {  	v28 =	vld [tilespmem:s30+$0x4F0];
	v47 =	vnsel vm13, $0x0, v57;
	(erf) = vpow2.f32 v44;
	v44 =	vperm.xlane v37, v1;
	v59 =	vpop (erf)  }
0x80: {  	v25 =	vld [tilespmem:s30+$0x1DD0];
	v40 =	vnsel vm13, $0x0, v30;
	(erf) = vpow2.f32 v58;
	v58 =	vmul.f32 $2.000000030e-01, v37;
	v60 =	vpop (erf)  }
0x81: {  	v26 =	vld [tilespmem:s30+$0x1DE0];
	v49 =	vnsel vm13, $0x0, v59;
	v59 =	vmul.f32 $2.000000030e-01, v33;
	v54 =	vnsel vm13, $0x0, v60  }
0x82: {  	v24 =	vld [tilespmem:s30+$0x4E0];
	v37 =	vsel vm3, v37, v58;
	v58 =	vmul.f32 $2.000000030e-01, v42;
	vm3 =	vgt.f32 v42, $0.0e+00  }
0x83: {  	v29 =	vld [tilespmem:s30+$0x1DF0];
	[tilespmem:s4+$0x36B0] =	vst v46;
	v33 =	vsel vm4, v33, v59;
	v37 =	vsub.f32 v37, v44;
	v44 =	vperm.xlane v23, v2  }
0x84: {  	v34 =	vld [tilespmem:s30+$0x1E10];
	[tilespmem:s4+$0x36C0] =	vst v47;
	v48 =	vperm.xlane v23, v5;
	v52 =	vperm.xlane v23, v7;
	v7 =	vimm.s32 $0x3  }
0x85: {  	v30 =	vld [tilespmem:s30+$0x520];
	[tilespmem:s4+$0x36D0] =	vst v40;
	v5 =	vimm.s32 $0x1;
	v44 =	vmul.f32 v46, v44;
	v46 =	vperm.xlane v23, v3  }
0x86: {  	v35 =	vld [tilespmem:s30+$0x1E20];
	[tilespmem:s4+$0x36E0] =	vst v49;
	v33 =	vsub.f32 v33, v45;
	v37 =	vmul.f32 $1.442695020e+00, v37;
	v49 =	vmul.f32 v49, v48  }
0x87: {  	v55 =	vpop (erf);
	(erf) = vpow2.f32 v36;
	v36 =	vsel vm1, v41, v61;
	v61 =	vperm.xlane v23, v4  }
0x88: {  	v33 =	vmul.f32 $1.442695020e+00, v33;
	v4 =	vimm.s32 $0x0;
	v55 =	vnsel vm13, $0x0, v55  }
0x89: {  	v60 =	vpop (erf);
	v46 =	vmul.f32 v47, v46;
	v36 =	vsub.f32 v36, v50;
	(erf) = vpow2.f32 v37  }
0x8a: {  	v37 =	vsub.f32 v62, v51;
	v50 =	vperm.xlane v23, v6;
	v51 =	vsel vm3, v42, v58  }
0x8b: {  	v58 =	vperm.xlane v23, v8;
	v62 =	vperm.xlane v23, v9;
	v9 =	vimm.s32 $0x5  }
0x8c: {  	v8 =	vimm.s32 $0x4;
	v6 =	vimm.s32 $0x2;
	v40 =	vmul.f32 v40, v61  }
0x8d: {  	v38 =	vld [tilespmem:s30+$0x530];
	[tilespmem:s4+$0x36F0] =	vst v54;
	v60 =	vnsel vm13, $0x0, v60;
	(erf) = vpow2.f32 v33;
	v61 =	vmul.f32 v55, v52  }
0x8e: {  	v57 =	vld [tilespmem:s30+$0x1E30];
	[tilespmem:s4+$0x3700] =	vst v55;
	v56 =	vpop (erf);
	v52 =	vadd.f32 v21, v20;
	v20 =	vadd.f32 v32, v31;
	v31 =	vperm.xlane v23, v13  }
0x8f: {  	v63 =	vld [tilespmem:s30+$0x540];
	[tilespmem:s4+$0x3710] =	vst v60;
	v43 =	vnsel vm13, $0x0, v56;
	v59 =	vpop (erf);
	v36 =	vmul.f32 $1.442695020e+00, v36;
	v37 =	vmul.f32 $1.442695020e+00, v37  }
0x90: {  	v39 =	vmul.f32 v54, v50;
	v54 =	vsub.f32 v51, v53;
	v56 =	vld [tilespmem:s30+$0x1E40];
	[tilespmem:s4+$0x3720] =	vst v43;
	v45 =	vnsel vm13, $0x0, v59  }
0x91: {  	v13 =	vimm.s32 $0x9;
	v21 =	vmul.f32 v43, v62;
	v59 =	vld [tilespmem:s30+$0x550];
	[tilespmem:s4+$0x3730] =	vst v45;
	(erf) = vpow2.f32 v36  }
0x92: {  	vm9 =	vgt.f32 v52, $0.0e+00;
	v33 =	vmul.f32 $1.442695020e+00, v54;
	v22 =	vld [tilespmem:s30+$0x1E50];
	(erf) = vpow2.f32 v37  }
0x93: {  	vm3 =	vgt.f32 v20, $0.0e+00;
	v36 =	vmul.f32 v60, v58;
	[tilespmem:s4+$0x4FB0] =	vst v44;
	(erf) = vpow2.f32 v0;
	v0 =	vld [tilespmem:$0x1FFE0]  }
0x94: {  	v44 =	vld [tilespmem:s30+$0x560];
	[tilespmem:s4+$0x4FC0] =	vst v46;
	v46 =	vadd.f32 v25, v18;
	v25 =	vperm.xlane v23, v10;
	v18 =	vadd.f32 v26, v24  }
0x95: {  	v10 =	vimm.s32 $0x6;
	v41 =	vld [tilespmem:s30+$0x1E60];
	[tilespmem:s4+$0x4FD0] =	vst v40;
	(erf) = vpow2.f32 v33;
	v33 =	vadd.f32 v35, v30  }
0x96: {  	v40 =	vld [tilespmem:s30+$0x570];
	[tilespmem:s4+$0x4FE0] =	vst v49;
	v25 =	vmul.f32 v45, v25;
	v45 =	vperm.xlane v23, v14;
	vm10 =	vgt.f32 v46, $0.0e+00  }
0x97: {  	vm1 =	vgt.f32 v18, $0.0e+00;
	v14 =	vimm.s32 $0xA;
	v47 =	vld [tilespmem:s30+$0x1E70];
	[tilespmem:s4+$0x4FF0] =	vst v39;
	v39 =	vpop (erf);
	vm5 =	vgt.f32 v33, $0.0e+00  }
0x98: {  	v53 =	vnsel vm13, $0x0, v39;
	v37 =	vadd.f32 v22, v59;
	v50 =	vadd.f32 v19, v0  }
0x99: {  	v48 =	vld [tilespmem:s30+$0x580];
	[tilespmem:s4+$0x5000] =	vst v61;
	v26 =	vpop (erf);
	v19 =	vadd.f32 v29, v28;
	v28 =	vperm.xlane v23, v11;
	v29 =	vperm.xlane v23, v12  }
0x9a: {  	v42 =	vld [tilespmem:s30+$0x1E80];
	[tilespmem:s4+$0x5010] =	vst v36;
	v55 =	vnsel vm13, $0x0, v26;
	v36 =	vadd.f32 v57, v38;
	v0 =	vmul.f32 $2.000000030e-01, v52  }
0x9b: {  	v11 =	vimm.s32 $0x7;
	v12 =	vimm.s32 $0x8;
	v38 =	vadd.f32 v41, v44  }
0x9c: {  	v24 =	vld [tilespmem:s30+$0x590];
	[tilespmem:s4+$0x5020] =	vst v21;
	v21 =	vpop (erf);
	v44 =	vperm.xlane v18, v1;
	v41 =	vperm.xlane v33, v1;
	vm8 =	vgt.f32 v37, $0.0e+00  }
0x9d: {  	v59 =	vmul.f32 $2.000000030e-01, v37;
	v26 =	vmul.f32 v53, v28;
	v62 =	vnsel vm13, $0x0, v21  }
0x9e: {  	v21 =	vadd.f32 v34, v27;
	v29 =	vmul.f32 v55, v29;
	v34 =	vadd.f32 v56, v63  }
0x9f: {  	v43 =	vpop (erf);
	vm0 =	vgt.f32 v50, $0.0e+00;
	vm2 =	vgt.f32 v19, $0.0e+00;
	vm6 =	vgt.f32 v36, $0.0e+00  }
0xa0: {  	v56 =	vmul.f32 $2.000000030e-01, v33;
	v51 =	vmul.f32 v62, v31;
	v60 =	vnsel vm13, $0x0, v43  }
0xa1: {  	v32 =	vld [tilespmem:s30+$0x1E90];
	[tilespmem:s4+$0x5030] =	vst v25;
	v25 =	vpop (erf);
	v39 =	vadd.f32 v47, v40;
	v47 =	vperm.xlane v46, v1;
	v43 =	vperm.xlane v20, v1  }
0xa2: {  	v40 =	vperm.xlane v36, v1;
	v61 =	vnsel vm13, $0x0, v25;
	v25 =	vperm.xlane v23, v15  }
0xa3: {  	v31 =	vld [tilespmem:s30+$0x5A0];
	vm12 =	vgt.f32 v38, $0.0e+00;
	[tilespmem:s4+$0x5040] =	vst v26;
	v26 =	vperm.xlane v23, v16;
	v23 =	vperm.xlane v23, v17  }
0xa4: {  	v54 =	vmul.f32 v60, v45;
	v45 =	vperm.xlane v19, v1;
	vm4 =	vgt.f32 v21, $0.0e+00;
	v49 =	vld [tilespmem:s30+$0x1EA0];
	[tilespmem:s4+$0x5050] =	vst v29  }
0xa5: {  	v57 =	vmul.f32 $2.000000030e-01, v34;
	v35 =	vadd.f32 v42, v48;
	v48 =	vperm.xlane v52, v1;
	[tilespmem:s4+$0x5060] =	vst v51  }
0xa6: {  	vm7 =	vgt.f32 v34, $0.0e+00;
	v42 =	vperm.xlane v21, v1;
	v29 =	vperm.xlane v38, v1;
	[tilespmem:s4+$0x3740] =	vst v53  }
0xa7: {  	v17 =	vimm.s32 $0xD;
	v30 =	vperm.xlane v39, v1;
	v51 =	vmul.f32 $2.000000030e-01, v18;
	[tilespmem:s4+$0x3750] =	vst v55  }
0xa8: {  	v27 =	vpop (erf);
	v15 =	vimm.s32 $0xB;
	v53 =	vmul.f32 $2.000000030e-01, v19;
	v55 =	vmul.f32 $2.000000030e-01, v21;
	[tilespmem:s4+$0x3760] =	vst v62  }
0xa9: {  	v28 =	vnsel vm13, $0x0, v27;
	v27 =	vpop (erf);
	[tilespmem:s4+$0x3770] =	vst v60;
	v60 =	vmul.f32 $2.000000030e-01, v38;
	v62 =	vmul.f32 $2.000000030e-01, v39  }
0xaa: {  	[tilespmem:s4+$0x3780] =	vst v61;
	v58 =	vmul.f32 v61, v25;
	v2 =	vnsel vm13, $0x0, v27;
	v63 =	vmul.f32 v28, v26  }
0xab: {  	v16 =	vimm.s32 $0xC;
	[tilespmem:s4+$0x5070] =	vst v54;
	v54 =	vmul.f32 $2.000000030e-01, v20;
	v23 =	vmul.f32 v2, v23  }
0xac: {  	[tilespmem:s4+$0x3790] =	vst v28;
	v27 =	vadd.f32 v32, v24;
	v32 =	vperm.xlane v37, v1;
	v26 =	vperm.xlane v35, v1  }
0xad: {  	vm14 =	vgt.f32 v39, $0.0e+00;
	v61 =	vmul.f32 $2.000000030e-01, v35;
	[tilespmem:s4+$0x5090] =	vst v63;
	v63 =	vmul.f32 $2.000000030e-01, v50  }
0xae: {  	v28 =	vsel vm9, v52, v0;
	[tilespmem:s4+$0x5080] =	vst v58;
	v58 =	vmul.f32 $2.000000030e-01, v36;
	v24 =	vperm.xlane v27, v1  }
0xaf: {  	[tilespmem:s4+$0x50A0] =	vst v23;
	v23 =	vmul.f32 $2.000000030e-01, v46;
	vm9 =	vgt.f32 v27, $0.0e+00;
	v25 =	vadd.f32 v49, v31  }
0xb0: {  	v49 =	vperm.xlane v50, v1;
	v31 =	vperm.xlane v34, v1;
	v63 =	vsel vm0, v50, v63  }
0xb1: {  	vm0 =	vgt.f32 v35, $0.0e+00;
	v50 =	vmul.f32 $2.000000030e-01, v27;
	v23 =	vsel vm10, v46, v23  }
0xb2: {  	s0 =	simm.s32 $0x800;
	[tilespmem:s4+$0x37A0] =	vst v2;
	v22 =	vperm.xlane v25, v1;
	vm11 =	vgt.f32 v25, $0.0e+00;
	v52 =	vmul.f32 $2.000000030e-01, v25  }
.LBB2_5:
0xb3: {  	v0 =	vsel vm1, v18, v51  }
0xb4: {  	v18 =	vsel vm2, v19, v53;
	v19 =	vsel vm3, v20, v54;
	v20 =	vsel vm4, v21, v55  }
0xb5: {  	v21 =	vsel vm5, v33, v56;
	v58 =	vsel vm6, v36, v58;
	v34 =	vsel vm7, v34, v57  }
0xb6: {  	v59 =	vsel vm8, v37, v59;
	v60 =	vsel vm12, v38, v60;
	v49 =	vsub.f32 v63, v49  }
0xb7: {  	v39 =	vsel vm14, v39, v62;
	v35 =	vsel vm0, v35, v61;
	v28 =	vsub.f32 v28, v48  }
0xb8: {  	v27 =	vsel vm9, v27, v50;
	v23 =	vsub.f32 v23, v47;
	v0 =	vsub.f32 v0, v44  }
0xb9: {  	v25 =	vsel vm11, v25, v52;
	v18 =	vsub.f32 v18, v45;
	v19 =	vsub.f32 v19, v43  }
0xba: {  	v20 =	vsub.f32 v20, v42;
	v38 =	vmul.f32 $1.442695020e+00, v49;
	v28 =	vmul.f32 $1.442695020e+00, v28  }
0xbb: {  	s4 =	sshra.s32 s0, $0x2;
	v21 =	vsub.f32 v21, v41;
	v23 =	vmul.f32 $1.442695020e+00, v23;
	v0 =	vmul.f32 $1.442695020e+00, v0  }
0xbc: {  	v46 =	vld [tilespmem:s4+$0x4B0];
	v29 =	vsub.f32 v60, v29;
	v18 =	vmul.f32 $1.442695020e+00, v18;
	(erf) = vpow2.f32 v38  }
0xbd: {  	v50 =	vld [tilespmem:s4+$0x1DB0];
	v30 =	vsub.f32 v39, v30;
	v19 =	vmul.f32 $1.442695020e+00, v19;
	(erf) = vpow2.f32 v28  }
0xbe: {  	v53 =	vld [tilespmem:s4+$0x4D0];
	v26 =	vsub.f32 v35, v26;
	v20 =	vmul.f32 $1.442695020e+00, v20;
	v21 =	vmul.f32 $1.442695020e+00, v21  }
0xbf: {  	v54 =	vld [tilespmem:s4+$0x1DD0];
	v24 =	vsub.f32 v27, v24;
	v2 =	vmul.f32 $1.442695020e+00, v29;
	(erf) = vpow2.f32 v23  }
0xc0: {  	v22 =	vsub.f32 v25, v22;
	v26 =	vmul.f32 $1.442695020e+00, v26;
	(erf) = vpow2.f32 v0;
	v0 =	vld [tilespmem:s4+$0x4E0]  }
0xc1: {  	v24 =	vmul.f32 $1.442695020e+00, v24;
	v28 =	vsub.f32 v58, v40;
	(erf) = vpow2.f32 v18;
	v18 =	vld [tilespmem:s4+$0x1DE0]  }
0xc2: {  	v22 =	vmul.f32 $1.442695020e+00, v22;
	v23 =	vsub.f32 v34, v31;
	(erf) = vpow2.f32 v19;
	v19 =	vld [tilespmem:s4+$0x4F0]  }
0xc3: {  	v31 =	vsub.f32 v59, v32;
	v28 =	vmul.f32 $1.442695020e+00, v28;
	(erf) = vpow2.f32 v20;
	v20 =	vld [tilespmem:s4+$0x1DF0]  }
0xc4: {  	v27 =	vld [tilespmem:s4+$0x1E00];
	v23 =	vmul.f32 $1.442695020e+00, v23;
	(erf) = vpow2.f32 v21  }
0xc5: {  	v31 =	vmul.f32 $1.442695020e+00, v31;
	v21 =	vld [tilespmem:s4+$0x500];
	(erf) = vpow2.f32 v28;
	v25 =	vpop (erf)  }
0xc6: {  	v51 =	vld [tilespmem:s4+$0x4C0];
	(erf) = vpow2.f32 v23;
	v23 =	vmul.f32 $1.442695020e+00, v30;
	v18 =	vadd.f32 v18, v0;
	v30 =	vpop (erf)  }
0xc7: {  	s31 =	sadd.s32 $0x10, s31;
	v52 =	vld [tilespmem:s4+$0x1DC0];
	v25 =	vnsel vm13, $0x0, v25;
	(erf) = vpow2.f32 v31;
	v30 =	vnsel vm13, $0x0, v30  }
0xc8: {  	v31 =	vld [tilespmem:s31+$0x0];
	v55 =	vpop (erf);
	(erf) = vpow2.f32 v2;
	v19 =	vadd.f32 v20, v19;
	vm1 =	vgt.f32 v18, $0.0e+00  }
0xc9: {  	v32 =	vnsel vm13, $0x0, v55;
	v28 =	vpop (erf);
	(erf) = vpow2.f32 v23;
	v23 =	vadd.f32 v50, v46  }
0xca: {  	v46 =	vadd.f32 v54, v53;
	v20 =	vadd.f32 v27, v21;
	v56 =	vnsel vm13, $0x0, v28;
	v28 =	vpop (erf)  }
0xcb: {  	(erf) = vpow2.f32 v26;
	vm2 =	vgt.f32 v19, $0.0e+00;
	v37 =	vnsel vm13, $0x0, v28  }
0xcc: {  	v29 =	vld [tilespmem:s4+$0x510];
	[tilespmem:s30+$0x36B0] =	vst v25;
	v57 =	vpop (erf);
	(erf) = vpow2.f32 v24;
	v28 =	vadd.f32 v52, v51;
	vm0 =	vgt.f32 v23, $0.0e+00  }
0xcd: {  	v34 =	vld [tilespmem:s4+$0x1E10];
	[tilespmem:s30+$0x36C0] =	vst v30;
	vm15 =	vgt.f32 v46, $0.0e+00;
	v58 =	vpop (erf);
	(erf) = vpow2.f32 v22;
	v59 =	vperm.xlane v31, v4  }
0xce: {  	v35 =	vld [tilespmem:s4+$0x520];
	[tilespmem:s30+$0x36D0] =	vst v32;
	vm3 =	vgt.f32 v20, $0.0e+00;
	v2 =	vperm.xlane v31, v5;
	v61 =	vperm.xlane v31, v6  }
0xcf: {  	v26 =	vld [tilespmem:s4+$0x1E20];
	[tilespmem:s30+$0x36E0] =	vst v56;
	v38 =	vnsel vm13, $0x0, v57;
	v3 =	vperm.xlane v31, v7;
	v57 =	vperm.xlane v31, v11  }
0xd0: {  	v24 =	vld [tilespmem:s4+$0x530];
	[tilespmem:s30+$0x36F0] =	vst v37;
	v39 =	vnsel vm13, $0x0, v58;
	v60 =	vpop (erf);
	v25 =	vmul.f32 v25, v59;
	v30 =	vmul.f32 v30, v2  }
0xd1: {  	v22 =	vld [tilespmem:s4+$0x1E30];
	[tilespmem:s30+$0x3700] =	vst v38;
	v43 =	vnsel vm13, $0x0, v60;
	v32 =	vmul.f32 v32, v61;
	v54 =	vmul.f32 v56, v3  }
0xd2: {  	v44 =	vld [tilespmem:s4+$0x540];
	[tilespmem:s30+$0x3710] =	vst v39;
	v62 =	vpop (erf);
	v56 =	vperm.xlane v31, v9;
	v21 =	vadd.f32 v34, v29;
	v3 =	vmul.f32 $2.000000030e-01, v46  }
0xd3: {  	v48 =	vld [tilespmem:s4+$0x1E40];
	[tilespmem:s30+$0x3720] =	vst v43;
	v40 =	vnsel vm13, $0x0, v62;
	v60 =	vmul.f32 v43, v57;
	v62 =	vperm.xlane v31, v13  }
0xd4: {  	v2 =	vimm.s32 $0xE;
	v63 =	vpop (erf);
	v57 =	vperm.xlane v31, v15;
	v43 =	vperm.xlane v20, v1;
	v41 =	vld [tilespmem:s4+$0x550];
	[tilespmem:s30+$0x3730] =	vst v40  }
0xd5: {  	v55 =	vpop (erf);
	v58 =	vmul.f32 v38, v56;
	v33 =	vadd.f32 v26, v35;
	v0 =	vld [tilespmem:s4+$0x1E50];
	[tilespmem:s30+$0x4FB0] =	vst v25;
	v25 =	vperm.xlane v31, v8  }
0xd6: {  	v42 =	vnsel vm13, $0x0, v63;
	v56 =	vperm.xlane v31, v14;
	vm4 =	vgt.f32 v21, $0.0e+00;
	v47 =	vpop (erf)  }
0xd7: {  	v49 =	vld [tilespmem:s4+$0x560];
	[tilespmem:s30+$0x4FC0] =	vst v30;
	v30 =	vperm.xlane v31, v10;
	v51 =	vpop (erf);
	vm5 =	vgt.f32 v33, $0.0e+00;
	v25 =	vmul.f32 v37, v25  }
0xd8: {  	v27 =	vld [tilespmem:s4+$0x1E60];
	[tilespmem:s30+$0x4FD0] =	vst v32;
	v59 =	vpop (erf);
	v32 =	vnsel vm13, $0x0, v55;
	v50 =	vnsel vm13, $0x0, v51;
	v55 =	vmul.f32 $2.000000030e-01, v21  }
0xd9: {  	v29 =	vld [tilespmem:s4+$0x570];
	[tilespmem:s30+$0x4FE0] =	vst v54;
	v30 =	vmul.f32 v39, v30;
	v53 =	vnsel vm13, $0x0, v59;
	v59 =	vperm.xlane v31, v17  }
0xda: {  	v34 =	vadd.f32 v48, v44;
	v48 =	vperm.xlane v28, v1;
	v44 =	vperm.xlane v18, v1;
	v39 =	vld [tilespmem:s4+$0x1E70];
	[tilespmem:s30+$0x4FF0] =	vst v25  }
0xdb: {  	v25 =	vperm.xlane v31, v12;
	v45 =	vld [tilespmem:s4+$0x580];
	[tilespmem:s30+$0x5000] =	vst v58;
	v58 =	vmul.f32 v32, v56;
	v37 =	vadd.f32 v0, v41  }
0xdc: {  	v61 =	vpop (erf);
	v0 =	vimm.s32 $0x0;
	v41 =	vperm.xlane v33, v1;
	v56 =	vmul.f32 $2.000000030e-01, v33;
	v52 =	vld [tilespmem:s4+$0x1E80];
	[tilespmem:s30+$0x5010] =	vst v30  }
0xdd: {  	v63 =	vpop (erf);
	v25 =	vmul.f32 v40, v25;
	v40 =	vnsel vm13, $0x0, v47;
	v0 =	vsel vm0, $0xFFFFFFFF, v0;
	v47 =	vld [tilespmem:s4+$0x590];
	[tilespmem:s30+$0x5020] =	vst v60  }
0xde: {  	v63 =	vnsel vm13, $0x0, v63;
	v30 =	vmul.f32 v42, v62;
	v62 =	vmul.f32 v53, v59;
	[tilespmem:$0x1FFD0] =	vst v0  }
0xdf: {  	vm7 =	vgt.f32 v34, $0.0e+00;
	v36 =	vmul.f32 v40, v57;
	v60 =	vperm.xlane v31, v2;
	v51 =	vld [tilespmem:s4+$0x1E90];
	[tilespmem:s30+$0x5030] =	vst v25  }
0xe0: {  	v2 =	vimm.s32 $0xF;
	v38 =	vadd.f32 v27, v49;
	v49 =	vperm.xlane v23, v1;
	v54 =	vld [tilespmem:s4+$0x5A0];
	[tilespmem:s30+$0x5040] =	vst v30  }
0xe1: {  	v0 =	vmul.f32 $2.000000030e-01, v23;
	v57 =	vmul.f32 $2.000000030e-01, v34;
	v30 =	vnsel vm13, $0x0, v61;
	v61 =	vld [tilespmem:s4+$0x1EA0];
	[tilespmem:s30+$0x5050] =	vst v58  }
0xe2: {  	vm8 =	vgt.f32 v37, $0.0e+00;
	v59 =	vmul.f32 $2.000000030e-01, v37;
	v25 =	vperm.xlane v31, v16;
	[tilespmem:s30+$0x5060] =	vst v36  }
0xe3: {  	v31 =	vperm.xlane v31, v2;
	v2 =	vmul.f32 $2.000000030e-01, v28;
	v39 =	vadd.f32 v39, v29;
	[tilespmem:s30+$0x5080] =	vst v62  }
0xe4: {  	vm13 =	vgt.f32 v28, $0.0e+00;
	v29 =	vperm.xlane v38, v1;
	v25 =	vmul.f32 v50, v25;
	[tilespmem:s30+$0x3740] =	vst v42  }
0xe5: {  	vm12 =	vgt.f32 v38, $0.0e+00;
	v26 =	vmul.f32 v30, v60;
	v31 =	vmul.f32 v63, v31;
	[tilespmem:s30+$0x37A0] =	vst v63;
	v63 =	vld [tilespmem:$0x1FFD0]  }
0xe6: {  	v36 =	vadd.f32 v22, v24;
	[tilespmem:s30+$0x3750] =	vst v32;
	v42 =	vperm.xlane v21, v1;
	v32 =	vperm.xlane v37, v1  }
0xe7: {  	[tilespmem:s30+$0x3780] =	vst v53;
	v53 =	vmul.f32 $2.000000030e-01, v19;
	v60 =	vmul.f32 $2.000000030e-01, v38;
	v28 =	vsel vm13, v28, v2  }
0xe8: {  	[tilespmem:s30+$0x3790] =	vst v30;
	v35 =	vadd.f32 v52, v45;
	v45 =	vperm.xlane v19, v1;
	v30 =	vperm.xlane v39, v1  }
0xe9: {  	[tilespmem:s30+$0x3760] =	vst v40;
	vm14 =	vgt.f32 v39, $0.0e+00;
	v62 =	vmul.f32 $2.000000030e-01, v39;
	v40 =	vperm.xlane v36, v1  }
0xea: {  	[tilespmem:s30+$0x50A0] =	vst v31;
	v31 =	vperm.xlane v34, v1;
	v58 =	vmul.f32 $2.000000030e-01, v36;
	vm10 =	vnez.u8 v63  }
0xeb: {  	p0 =	sne.s32 s0, $0x6000;
	v27 =	vadd.f32 v51, v47;
	v47 =	vperm.xlane v46, v1;
	v63 =	vsel vm10, v23, v0;
	v0 =	vld [tilespmem:$0x1FFF0]  }
.Ltmp1:
0xec: {  	[tilespmem:s30+$0x5090] =	vst v26;
	vm6 =	vgt.f32 v36, $0.0e+00;
	v26 =	vperm.xlane v35, v1;
	v51 =	vmul.f32 $2.000000030e-01, v18;
	(pc) =	sbr.rel @p0 .LBB2_5-.Ltmp1, $4  }
0xed: {  	[tilespmem:s30+$0x5070] =	vst v25;
	vm0 =	vgt.f32 v35, $0.0e+00;
	v25 =	vadd.f32 v61, v54;
	v24 =	vperm.xlane v27, v1  }
0xee: {  	v54 =	vmul.f32 $2.000000030e-01, v20;
	v61 =	vmul.f32 $2.000000030e-01, v35;
	vm9 =	vgt.f32 v27, $0.0e+00  }
0xef: {  	[tilespmem:s30+$0x3770] =	vst v50;
	v50 =	vmul.f32 $2.000000030e-01, v27;
	v23 =	vsel vm15, v46, v3;
	v22 =	vperm.xlane v25, v1  }
0xf0: {  	s0 =	sadd.s32 $0x400, s0;
	s30 =	smov.u32 s4;
	vm11 =	vgt.f32 v25, $0.0e+00;
	v52 =	vmul.f32 $2.000000030e-01, v25;
	vm13 =	vnez.u8 v0  }
0xf1: {  	v0 =	vsel vm1, v18, v51;
	v2 =	vsel vm2, v19, v53;
	v3 =	vsel vm3, v20, v54  }
0xf2: {  	v18 =	vsel vm4, v21, v55;
	v19 =	vsel vm5, v33, v56;
	v56 =	vsel vm6, v36, v58  }
0xf3: {  	v57 =	vsel vm7, v34, v57;
	v58 =	vsub.f32 v63, v49;
	v59 =	vsel vm8, v37, v59  }
0xf4: {  	v60 =	vsel vm12, v38, v60;
	v28 =	vsub.f32 v28, v48;
	v23 =	vsub.f32 v23, v47  }
0xf5: {  	v0 =	vsub.f32 v0, v44;
	v2 =	vsub.f32 v2, v45;
	v33 =	vmul.f32 $1.442695020e+00, v58  }
0xf6: {  	v3 =	vsub.f32 v3, v43;
	v28 =	vmul.f32 $1.442695020e+00, v28;
	v23 =	vmul.f32 $1.442695020e+00, v23  }
0xf7: {  	s0 =	sadd.s32 $0x10, s31;
	v18 =	vsub.f32 v18, v42;
	v0 =	vmul.f32 $1.442695020e+00, v0;
	(erf) = vpow2.f32 v33  }
0xf8: {  	v19 =	vsub.f32 v19, v41;
	v41 =	vld [tilespmem:s0+$0x0];
	v2 =	vmul.f32 $1.442695020e+00, v2;
	(erf) = vpow2.f32 v28  }
0xf9: {  	v63 =	vsel vm14, v39, v62;
	v3 =	vmul.f32 $1.442695020e+00, v3;
	(erf) = vpow2.f32 v23  }
0xfa: {  	v34 =	vsub.f32 v59, v32;
	v18 =	vmul.f32 $1.442695020e+00, v18;
	(erf) = vpow2.f32 v0  }
0xfb: {  	v38 =	vsub.f32 v63, v30;
	v19 =	vmul.f32 $1.442695020e+00, v19;
	(erf) = vpow2.f32 v2  }
0xfc: {  	v20 =	vmul.f32 $1.442695020e+00, v34;
	v0 =	vsub.f32 v56, v40;
	(erf) = vpow2.f32 v3  }
0xfd: {  	v35 =	vsel vm0, v35, v61;
	v21 =	vmul.f32 $1.442695020e+00, v38;
	v53 =	vperm.xlane v41, v7  }
0xfe: {  	v0 =	vmul.f32 $1.442695020e+00, v0;
	(erf) = vpow2.f32 v18;
	v18 =	vsub.f32 v57, v31  }
0xff: {  	v2 =	vsel vm9, v27, v50;
	v3 =	vsel vm11, v25, v52;
	(erf) = vpow2.f32 v19  }
0x100: {  	v19 =	vsub.f32 v60, v29;
	(erf) = vpow2.f32 v0;
	v0 =	vmul.f32 $1.442695020e+00, v18;
	v39 =	vpop (erf)  }
0x101: {  	v2 =	vsub.f32 v2, v24;
	v18 =	vsub.f32 v35, v26;
	v23 =	vnsel vm13, $0x0, v39;
	v40 =	vpop (erf)  }
0x102: {  	v19 =	vmul.f32 $1.442695020e+00, v19;
	(erf) = vpow2.f32 v0;
	[tilespmem:s30+$0x36B0] =	vst v23;
	v0 =	vnsel vm13, $0x0, v40;
	v42 =	vpop (erf)  }
0x103: {  	v3 =	vsub.f32 v3, v22;
	(erf) = vpow2.f32 v20;
	[tilespmem:s30+$0x36C0] =	vst v0;
	v43 =	vnsel vm13, $0x0, v42;
	v44 =	vpop (erf)  }
0x104: {  	v18 =	vmul.f32 $1.442695020e+00, v18;
	(erf) = vpow2.f32 v19;
	[tilespmem:s30+$0x36D0] =	vst v43;
	v19 =	vnsel vm13, $0x0, v44;
	v45 =	vpop (erf)  }
0x105: {  	v2 =	vmul.f32 $1.442695020e+00, v2;
	(erf) = vpow2.f32 v21;
	[tilespmem:s30+$0x36E0] =	vst v19;
	v46 =	vnsel vm13, $0x0, v45;
	v47 =	vpop (erf)  }
0x106: {  	(erf) = vpow2.f32 v18;
	v19 =	vmul.f32 v19, v53;
	[tilespmem:s30+$0x36F0] =	vst v46;
	v18 =	vnsel vm13, $0x0, v47  }
0x107: {  	v54 =	vperm.xlane v41, v9;
	v48 =	vpop (erf);
	[tilespmem:s30+$0x3700] =	vst v18  }
0x108: {  	v3 =	vmul.f32 $1.442695020e+00, v3;
	(erf) = vpow2.f32 v2;
	v22 =	vnsel vm13, $0x0, v48;
	v49 =	vpop (erf);
	[tilespmem:s30+$0x4FE0] =	vst v19  }
0x109: {  	v2 =	vperm.xlane v41, v4;
	v18 =	vmul.f32 v18, v54;
	[tilespmem:s30+$0x3710] =	vst v22;
	v24 =	vnsel vm13, $0x0, v49  }
0x10a: {  	(erf) = vpow2.f32 v3;
	v3 =	vperm.xlane v41, v5;
	v50 =	vpop (erf);
	[tilespmem:s30+$0x3720] =	vst v24  }
0x10b: {  	v51 =	vperm.xlane v41, v6;
	v2 =	vmul.f32 v23, v2;
	v52 =	vnsel vm13, $0x0, v50;
	[tilespmem:s30+$0x5000] =	vst v18  }
0x10c: {  	v0 =	vmul.f32 v0, v3;
	[tilespmem:s30+$0x3730] =	vst v52  }
0x10d: {  	v3 =	vmul.f32 v43, v51;
	[tilespmem:s30+$0x4FB0] =	vst v2  }
0x10e: {  	v2 =	vperm.xlane v41, v8;
	v19 =	vpop (erf);
	[tilespmem:s30+$0x4FC0] =	vst v0  }
0x10f: {  	v55 =	vperm.xlane v41, v13;
	v56 =	vperm.xlane v41, v14;
	[tilespmem:s30+$0x4FD0] =	vst v3;
	v18 =	vpop (erf);
	v19 =	vnsel vm13, $0x0, v19  }
0x110: {  	v0 =	vperm.xlane v41, v10;
	v2 =	vmul.f32 v46, v2;
	v18 =	vnsel vm13, $0x0, v18;
	[tilespmem:s30+$0x3740] =	vst v19  }
0x111: {  	v3 =	vperm.xlane v41, v11;
	v20 =	vmul.f32 v19, v55;
	[tilespmem:s30+$0x3750] =	vst v18  }
0x112: {  	v0 =	vmul.f32 v22, v0;
	[tilespmem:s30+$0x4FF0] =	vst v2;
	v2 =	vperm.xlane v41, v12  }
0x113: {  	v3 =	vmul.f32 v24, v3;
	[tilespmem:s30+$0x5040] =	vst v20  }
0x114: {  	v21 =	vmul.f32 v18, v56;
	[tilespmem:s30+$0x5010] =	vst v0  }
0x115: {  	[tilespmem:s30+$0x5020] =	vst v3;
	v0 =	vmul.f32 v52, v2  }
0x116: {  	v57 =	vperm.xlane v41, v15;
	[tilespmem:s30+$0x5050] =	vst v21;
	v2 =	vpop (erf)  }
0x117: {  	[tilespmem:s30+$0x5030] =	vst v0;
	v3 =	vpop (erf);
	v2 =	vnsel vm13, $0x0, v2  }
0x118: {  	v0 =	vperm.xlane v41, v16;
	v22 =	vmul.f32 v2, v57;
	v3 =	vnsel vm13, $0x0, v3;
	[tilespmem:s30+$0x3760] =	vst v2  }
0x119: {  	v59 =	vperm.xlane v41, v17;
	v58 =	vpop (erf);
	[tilespmem:s30+$0x3770] =	vst v3  }
0x11a: {  	v4 =	vimm.s32 $0xE;
	v23 =	vnsel vm13, $0x0, v58;
	v0 =	vmul.f32 v3, v0;
	[tilespmem:s30+$0x5060] =	vst v22  }
0x11b: {  	v61 =	vperm.xlane v41, v4;
	v60 =	vpop (erf);
	[tilespmem:s30+$0x3780] =	vst v23  }
0x11c: {  	v4 =	vimm.s32 $0xF;
	v20 =	vnsel vm13, $0x0, v60;
	v24 =	vmul.f32 v23, v59;
	[tilespmem:s30+$0x5070] =	vst v0  }
0x11d: {  	v25 =	vperm.xlane v41, v4;
	v62 =	vpop (erf);
	[tilespmem:s30+$0x3790] =	vst v20  }
0x11e: {  	v21 =	vnsel vm13, $0x0, v62;
	v63 =	vmul.f32 v20, v61;
	[tilespmem:s30+$0x5080] =	vst v24  }
0x11f: {  	v0 =	vmul.f32 v21, v25;
	[tilespmem:s30+$0x37A0] =	vst v21  }
0x120: {  	[tilespmem:s30+$0x5090] =	vst v63  }
0x121: {  	[tilespmem:s30+$0x50A0] =	vst v0  }
0x122: {  	[spmem:s2] =	stream.indirect.scatter.add.f32 [tilespmem:s18], [sflag:$0x1], $0x10, s20, s20, $0xb8;
	[tilespmem:$0x90B0] =	vst v63  }
0x123: {  	s28 =	sadd.s32 $0x1, s28;
	_ =	swait.ge [sflag:s19], $0x1900  }
0x124: {  	s31 =	sshll.u32 s29, $0x1;
	p0 =	sne.s32 s28, $0x19;
	v6 =	vimm.s32 $0x4;
	[sflag:s19] =	ssyncset.done $0x0  }
.Ltmp2:
0x125: {  	s0 =	sadd.s32 s9, s31;
	v7 =	vimm.s32 $0x5;
	v9 =	vimm.s32 $0x7;
	v13 =	vimm.s32 $0xB;
	[sflag:s19] =	ssyncadd.s32 $0xFFFFE700;
	(pc) =	sbr.rel @p0 .LBB2_4-.Ltmp2, $4  }
0x126: {  	v17 =	vimm.s32 $0xF;
	v14 =	vimm.s32 $0xC;
	v15 =	vimm.s32 $0xD;
	[hbm4b:s0+s3] =	stream.linear.scatter [tilespmem:s23], [sflag:$0x1], $0x1900, $0x38;
	[tilespmem:$0x90B0] =	vst v63  }
0x127: {  	v5 =	vimm.s32 $0x3;
	v4 =	vimm.s32 $0x2;
	v8 =	vimm.s32 $0x6;
	_ =	swait.ge [sflag:s19], $0x1900  }
0x128: {  	v10 =	vimm.s32 $0x8;
	v11 =	vimm.s32 $0x9;
	v12 =	vimm.s32 $0xA;
	[sflag:s19] =	ssyncset.done $0x0  }
0x129: {  	v16 =	vimm.s32 $0xE;
	v2 =	vimm.s32 $0x0;
	v3 =	vimm.s32 $0x1;
	[sflag:s19] =	ssyncadd.s32 $0xFFFFE700  }
0x12a: {  	s0 =	stileid.u32;
	s25 =	sadd.s32 $0x1, s25  }
0x12b: {  	s0 =	sshll.u32 s0, $0x6;
	p0 =	sne.s32 s25, s12  }
.Ltmp3:
0x12c: {  	[bflag:$0x0] =	sbarrier.arrive $0xFFFF;
	s0 =	sor.u32 $0x1C01, s0;
	(pc) =	sbr.rel @p0 .LBB2_1-.Ltmp3, $4  }
0x12d: {  	[hbm:s17], [sflag:s0] =	dma.local [spmem:s24], $0x500  }
0x12e: {  	_ =	swait.ge [sflag:s19], $0x500  }
0x12f: {  	[sflag:s19] =	ssyncset.done $0x0  }
0x130: {  	v0 =	vimm.f32 $0.0e+00;
	[sflag:s19] =	ssyncadd.s32 $0xFFFFFB00  }
0x131: {  	_ =	sfence.sel $0x180000  }
0x132: {  	[bflag:$0x0] =	sbarrier.arrive $0xFFFF  }
0x133: {  	_ =	strace $0x90000047  }
0x134: {  	s0 =	stileid.u32;
	[bflag:$0x2] =	sbarrier.arrive $0xFFFF  }
0x135: {  	p0 =	sne.s32 s0, $0x0;
	s0 =	rddreg [dreg:$0x3]  }
0x136: {  	s0 =	sadd.s32 @!p0 $0x100000, s0  }
0x137: {  	[sflag:s0] =	ssyncadd.tile.s32 @!p0 $0x1;
	_ =	shalt  }
.Lfunc_end2:
_tile_overlayer_lowered:
.L_overlay_start_2:
0x138: {  	(tag) =	ssettag $0x2  }
0x139: {  	s0 =	rddreg [dreg:$0x0];
	s2 =	stileid.u32  }
0x13a: {  	s1 =	rddreg [dreg:$0x1];
	p0 =	sne.s32 s2, $0x0  }
0x13b: {  	s3 =	rddreg [dreg:$0x2];
	[bflag:$0x3] =	sbarrier.arrive $0xFFFF;
	s2 =	simm.s32 @!p0 $0x1C01  }
0x13c: {  	[timem:s3], [sflag:s2] =	dma.local @!p0 [hbm:s0], s1  }
0x13d: {  	s0 =	simm.s32 @!p0 $0x1  }
0x13e: {  	_ =	swait.ge @!p0 [sflag:s0], s1  }
0x13f: {  	s1 =	ssub.s32 @!p0 $0x0, s1;
	[sflag:s0] =	ssyncset.done @!p0 $0x0  }
0x140: {  	[sflag:s0] =	ssyncadd.s32 @!p0 s1  }
0x141: {  	[bflag:$0x3] =	sbarrier.arrive $0xFFFF  }
0x142: {  	_ =	shalt  }

// kernel: kernel.9.cloned.1.call-start
scs
__scs_entry_jumppad:
0x0: {  	(pc) =	sbr.rel $0x88, $3  }
0x1: {  	(tag) =	ssettag $0x0;
	lr =	simm.s32 $0x1  }
0x2: {  	[smem:$0x3F9B] =	sst lr;
	_ =	strace $0xD0000000  }
0x3: {  	_ = 	snop  }
0x4: {  	_ = 	snop  }
0x5: {  	_ = 	snop  }
0x6: {  	_ = 	snop  }
0x7: {  	_ = 	snop  }
__scs_overlays_trampoline_lowered:
0x8: {  	[smem:$0x3FAA] =	sst s0  }
0x9: {  	[smem:$0x3FAB] =	sst s1  }
0xa: {  	[smem:$0x3FAC] =	sst s2  }
0xb: {  	[smem:$0x3FAD] =	sst s3  }
0xc: {  	[smem:$0x3FAE] =	sst s4  }
0xd: {  	[smem:$0x3FAF] =	sst s5  }
0xe: {  	[smem:$0x3FB0] =	sst s6  }
0xf: {  	[smem:$0x3FB1] =	sst s7  }
0x10: {  	[smem:$0x3FB2] =	sst s8  }
0x11: {  	[smem:$0x3FB3] =	sst s9;
	s0 =	simm.s32 @!p0 $0x0  }
0x12: {  	s1 =	sld [smem:$0x3F99];
	s0 =	simm.s32 @p0 $0x1  }
0x13: {  	[smem:$0x3FB4] =	sst s0;
	s0 =	simm.s32 @!p1 $0x0  }
0x14: {  	s2 =	sld [smem:$0x3F98];
	s0 =	simm.s32 @p1 $0x1  }
0x15: {  	[smem:$0x3FB5] =	sst s0;
	s0 =	simm.s32 @!p2 $0x0  }
0x16: {  	s3 =	sld [smem:$0x3FDB];
	s0 =	simm.s32 @p2 $0x1  }
0x17: {  	s4 =	simm.s32 $0x1BF5;
	[smem:$0x3FB7] =	sst s0  }
0x18: {  	s0 =	sld [smem:$0x3F9A];
	_ =	swait.ge [sflag:s4], $0x0  }
0x19: {  	s7 =	sld [smem:$0x3F9B]  }
0x1a: {  	s8 =	sadd.s32 $0xFFFFE003, lr  }
0x1b: {  	s9 =	sadd.s32 $0xFFFFFEF7, lr;
	s5 =	simm.s32 $0xFFFFFFFF;
	p2 =	slt.u32 s8, $0xFFFFF086  }
0x1c: {  	p1 =	slt.u32 s9, $0xF7A;
	s5 =	simm.s32 @!p2 $0x0  }
0x1d: {  	s5 =	simm.s32 @p1 $0x1;
	p0 =	seq.s32 s7, s2  }
0x1e: {  	s7 =	smul.u32 @!p0 $0xF7A, s2;
	p2 =	seq.s32 @!p0 s5, $0x0  }
0x1f: {  	s9 =	smul.u32 $0xF7A, s1;
	s8 =	simm.s32 @!p0 $0x1BF5;
	p2 =	por !p2, p0  }
0x20: {  	[sflag:s8] =	ssyncset.s32 @!p0 $0xFFFFF086;
	s6 =	sadd.s32 @!p0 s3, s7;
	s7 =	simm.s32 @!p0 $0x108  }
0x21: {  	s3 =	sadd.s32 s3, s9;
	s6 =	sadd.s32 @!p0 $0x88, s6;
	s7 =	simm.s32 @p2 $0x1082  }
0x22: {  	[simem:s7], [sflag:s8] =	dma.local @!p0 [hbm:s6], $0xF7A  }
0x23: {  	s9 =	sor.u32 $0xD0000000, s2;
	s6 =	simm.s32 $0x108;
	_ =	swait.ge @!p0 [sflag:s8], $0x0  }
0x24: {  	s3 =	sadd.s32 $0x88, s3;
	s6 =	simm.s32 @!p1 $0x1082;
	[sflag:s4] =	ssyncset.s32 $0xFFFFF086  }
0x25: {  	[simem:s6], [sflag:s4] =	dma.local [hbm:s3], $0xF7A  }
0x26: {  	[smem:$0x3F9B] =	sst s1;
	(tag) =	ssettag s2;
	_ =	strace s9  }
0x27: {  	s1 =	sld [smem:$0x3FAB]  }
0x28: {  	s2 =	sld [smem:$0x3FAC]  }
0x29: {  	s4 =	sld [smem:$0x3FAE]  }
0x2a: {  	p0 =	seq.s32 s5, $0x0;
	s5 =	sld [smem:$0x3FAF]  }
0x2b: {  	s6 =	sld [smem:$0x3FB0]  }
0x2c: {  	s7 =	sld [smem:$0x3FB1]  }
0x2d: {  	s3 =	simm.s32 $0x108;
	s8 =	sld [smem:$0x3FB2]  }
0x2e: {  	s3 =	simm.s32 @!p0 $0x1082;
	s9 =	sld [smem:$0x3FB3]  }
0x2f: {  	lr =	sadd.s32 s0, s3;
	s0 =	sld [smem:$0x3FAA]  }
0x30: {  	s3 =	sld [smem:$0x3FAD]  }
0x31: {  	[smem:$0x3FB6] =	sst s10  }
0x32: {  	s10 =	sld [smem:$0x3FB4];
	_ =	sdelay $0x3  }
0x33: {  	p0 =	seq.s32 s10, $0x1;
	s10 =	sld [smem:$0x3FB6];
	_ =	sdelay $0x3  }
0x34: {  	[smem:$0x3FB6] =	sst s10  }
0x35: {  	s10 =	sld [smem:$0x3FB5];
	_ =	sdelay $0x3  }
0x36: {  	p1 =	seq.s32 s10, $0x1;
	s10 =	sld [smem:$0x3FB6];
	_ =	sdelay $0x3  }
0x37: {  	[smem:$0x3FB6] =	sst s10  }
0x38: {  	s10 =	sld [smem:$0x3FB7]  }
0x39: {  	_ = 	snop;
	(pc) =	sbr.ind lr, $3  }
0x3a: {  	_ = 	snop  }
0x3b: {  	_ = 	snop  }
0x3c: {  	p2 =	seq.s32 s10, $0x1;
	s10 =	sld [smem:$0x3FB6]  }
0x3d: {  	_ =	shalt  }
0x3e: {  	_ =	shalt  }
0x3f: {  	_ =	shalt  }
0x40: {  	_ =	shalt  }
0x41: {  	_ =	shalt  }
0x42: {  	_ =	shalt  }
0x43: {  	_ =	shalt  }
0x44: {  	_ =	shalt  }
0x45: {  	_ =	shalt  }
0x46: {  	_ =	shalt  }
0x47: {  	_ =	shalt  }
0x48: {  	_ =	shalt  }
0x49: {  	_ =	shalt  }
0x4a: {  	_ =	shalt  }
0x4b: {  	_ =	shalt  }
0x4c: {  	_ =	shalt  }
0x4d: {  	_ =	shalt  }
0x4e: {  	_ =	shalt  }
0x4f: {  	_ =	shalt  }
0x50: {  	_ =	shalt  }
0x51: {  	_ =	shalt  }
0x52: {  	_ =	shalt  }
0x53: {  	_ =	shalt  }
0x54: {  	_ =	shalt  }
0x55: {  	_ =	shalt  }
0x56: {  	_ =	shalt  }
0x57: {  	_ =	shalt  }
0x58: {  	_ =	shalt  }
0x59: {  	_ =	shalt  }
0x5a: {  	_ =	shalt  }
0x5b: {  	_ =	shalt  }
0x5c: {  	_ =	shalt  }
0x5d: {  	_ =	shalt  }
0x5e: {  	_ =	shalt  }
0x5f: {  	_ =	shalt  }
0x60: {  	_ =	shalt  }
0x61: {  	_ =	shalt  }
0x62: {  	_ =	shalt  }
0x63: {  	_ =	shalt  }
0x64: {  	_ =	shalt  }
0x65: {  	_ =	shalt  }
0x66: {  	_ =	shalt  }
0x67: {  	_ =	shalt  }
0x68: {  	_ =	shalt  }
0x69: {  	_ =	shalt  }
0x6a: {  	_ =	shalt  }
0x6b: {  	_ =	shalt  }
0x6c: {  	_ =	shalt  }
0x6d: {  	_ =	shalt  }
0x6e: {  	_ =	shalt  }
0x6f: {  	_ =	shalt  }
0x70: {  	_ =	shalt  }
0x71: {  	_ =	shalt  }
0x72: {  	_ =	shalt  }
0x73: {  	_ =	shalt  }
0x74: {  	_ =	shalt  }
0x75: {  	_ =	shalt  }
0x76: {  	_ =	shalt  }
0x77: {  	_ =	shalt  }
0x78: {  	_ =	shalt  }
0x79: {  	_ =	shalt  }
0x7a: {  	_ =	shalt  }
0x7b: {  	_ =	shalt  }
0x7c: {  	_ =	shalt  }
0x7d: {  	_ =	shalt  }
0x7e: {  	_ =	shalt  }
0x7f: {  	_ =	shalt  }
0x80: {  	_ =	shalt  }
0x81: {  	_ =	shalt  }
0x82: {  	_ =	shalt  }
0x83: {  	_ =	shalt  }
0x84: {  	_ =	shalt  }
0x85: {  	_ =	shalt  }
0x86: {  	_ =	shalt  }
0x87: {  	_ =	shalt  }
.Lfunc_end0:
.L_simem_size_0:
called_computation.1_lowered:
.L_overlay_start_0:
0x88: {  	s2 =	sld [smem:$0x3FD9]  }
0x89: {  	s3 =	sld [smem:$0x3FFE];
	_ =	sdelay $0x1  }
0x8a: {  	s1 =	srdreg.scid  }
0x8b: {  	s0 =	sand.u32 $0x1, s1  }
0x8c: {  	s17 =	sshll.u32 s0, $0xA;
	s2 =	sadd.s32 s3, s2  }
0x8d: {  	s2 =	sadd.s32 s2, s17  }
0x8e: {  	[smem:$0x3FC2] =	sst s2  }
0x8f: {  	_ = 	snop  }
0x90: {  	s2 =	sld [smem:$0x3FD0];
	(tm) =	ssettm $0x1  }
0x91: {  	s18 =	sld [smem:$0x3FFB];
	_ =	sdelay $0x3  }
0x92: {  	_ =	strace s18  }
0x93: {  	s3 =	sld [smem:$0x3FFC];
	_ =	sdelay $0x3  }
0x94: {  	_ =	strace s3  }
0x95: {  	s3 =	sld [smem:$0x3FFD];
	_ =	sdelay $0x3  }
0x96: {  	_ =	strace s3  }
0x97: {  	_ =	strace $0x8FFFFFFF  }
0x98: {  	s19 =	sld [smem:$0x3FDB];
	_ =	sdelay $0x1  }
0x99: {  	s4 =	simm.s32 $_scs_section_size  }
0x9a: {  	s5 =	simm.s32 $_size__tile_overlayer_lowered;
	s6 =	simm.s32 $_tile_overlayer_lowered  }
0x9b: {  	s22 =	simm.s32 $0x1BFF;
	s21 =	sshll.u32 s6, $0x1;
	s3 =	sadd.s32 s4, s19  }
0x9c: {  	s7 =	simm.s32 $0x0;
	s20 =	sshll.u32 s5, $0x1;
	s5 =	sadd.s32 s21, s3  }
0x9d: {  	[timem:s7], [sflag:s22] =	dma.local [hbm:s5], s20  }
0x9e: {  	_ =	swait.ge [sflag:s22], s20  }
0x9f: {  	s4 =	ssub.s32 $0x0, s20;
	[sflag:s22] =	ssyncset.done $0x0  }
0xa0: {  	[sflag:s22] =	ssyncadd.s32 s4;
	_ =	sdelay $0x1  }
0xa1: {  	s23 =	simm.s32 $0x1B8B  }
0xa2: {  	_ =	swait.ge [sflag:s23], $0x1  }
0xa3: {  	[sflag:s23] =	ssyncset.done $0x0  }
0xa4: {  	s25 =	simm.s32 $0x1B8E;
	s24 =	sld [smem:$0x3FFE];
	[sflag:s23] =	ssyncadd.s32 $0xFFFFFFFF  }
0xa5: {  	s26 =	simm.s32 $execute0_lowered;
	[smem:$0x3FD2] =	sst s25  }
0xa6: {  	s5 =	sshll.u32 s26, $0x1;
	_ =	strace $0x80000049;
	[dreg:$0x1] =	wrdreg $0xFFFFFFFF  }
0xa7: {  	s28 =	simm.s32 $_size_execute0_lowered;
	s3 =	sadd.s32 s3, s5;
	[dreg:$0x0] =	wrdreg $0x0  }
0xa8: {  	s5 =	sshll.u32 s28, $0x1;
	[dreg:$0x2] =	wrdreg s3  }
0xa9: {  	[dreg:$0x3] =	wrdreg s5  }
0xaa: {  	[dreg:$0x4] =	wrdreg $0xC0  }
0xab: {  	_ =	task [dreg:s7], $0x5FFFF  }
0xac: {  	[dreg:$0x1] =	wrdreg $0xFFFFFFFF  }
0xad: {  	[dreg:$0x0] =	wrdreg $0x60  }
0xae: {  	[dreg:$0x2] =	wrdreg s24  }
0xaf: {  	[dreg:$0x3] =	wrdreg s2  }
0xb0: {  	[dreg:$0x4] =	wrdreg $0x72100  }
0xb1: {  	[dreg:$0x5] =	wrdreg $0x9  }
0xb2: {  	_ =	task.clear_ibuf [dreg:s7], $0x6FFFF;
	_ =	strace $0x90000049  }
0xb3: {  	s29 =	simm.s32 $0x9;
	_ =	strace $0x8000004B  }
0xb4: {  	_ =	swait.ge [sflag:s29], $0x1  }
0xb5: {  	[sflag:s29] =	ssyncadd.s32 $0xFFFFFFFF  }
0xb6: {  	_ =	strace $0x9000004B  }
0xb7: {  	_ =	sfence  }
0xb8: {  	s30 =	sld [smem:$0x0];
	_ =	sdelay $0x2  }
0xb9: {  	s31 =	sshll.u32 s1, $0xD;
	s1 =	sshrl.u32 s1, $0x2  }
0xba: {  	s3 =	sand.u32 $0x4000, s31;
	s1 =	sadd.s32 s1, s30  }
0xbb: {  	s0 =	sor.u32 s3, s0;
	s1 =	sshll.u32 s1, $0x11  }
0xbc: {  	s0 =	sor.u32 s1, s0  }
0xbd: {  	s0 =	sadd.s32 $0x8F2B, s0  }
0xbe: {  	[sflag:s0] =	ssyncadd.remote.s32 $0x1  }
0xbf: {  	_ =	sfence.sel $0xFFFF  }
0xc0: {  	[dreg:$0x0] =	wrdreg $0xFFFFFFFF;
	(pc) =	sbr.abs _section_cstart, $3  }
0xc1: {  	[dreg:$0x1] =	wrdreg $0xFFFFFFFF  }
0xc2: {  	_ =	task.clear_ibuf [dreg:s7], $0x2FFFF;
	_ =	strace $0x9FFFFFFF  }
0xc3: {  	(tm) =	ssettm $0x7FFFFFFF  }
tec
execute0_lowered:
.L_overlay_start_1:
0x0: {  	(tag) =	ssettag $0x1  }
0x1: {  	s8 =	rddreg [dreg:$0x0]  }
0x2: {  	s15 =	rddreg [dreg:$0x1]  }
0x3: {  	s1 =	rddreg [dreg:$0x2]  }
0x4: {  	s0 =	rddreg [dreg:$0x3];
	s2 =	simm.s32 $0x0;
	s6 =	srdreg.scid  }
0x5: {  	s3 =	stileid.u32;
	[smem:$0x7FF] =	sst s2  }
0x6: {  	s4 =	sadd.s32 $0x1800, s8;
	s16 =	sadd.s32 $0x28A00, s8;
	s5 =	sadd.s32 $0x77800, s8  }
0x7: {  	s10 =	sand.u32 $0x1, s6;
	s9 =	smul.u32 $0x50000, s3;
	s6 =	sadd.s32 $0x63A00, s8  }
0x8: {  	s7 =	sadd.s32 $0x59C00, s8;
	s17 =	sadd.s32 $0x113C00, s8;
	s12 =	smul.u32 $0x14000, s3  }
0x9: {  	_ =	strace $0x8000004A;
	s11 =	ssub.s32 $0x2, s10;
	s14 =	sshll.u32 s10, $0x2  }
0xa: {  	s20 =	sshllo.u32 s10, $0x2;
	p0 =	seq.s32 s10, $0x1;
	s31 =	sshrl.u32 s11, $0x1  }
0xb: {  	s9 =	sshrl.u32 s9, $0x2;
	s18 =	sor.u32 $0x1, s14;
	s19 =	sor.u32 $0x2, s14  }
0xc: {  	s21 =	sshrl.u32 s12, $0x3;
	s22 =	sadd.s32 s12, s1;
	s4 =	smov.u32 @p0 s16  }
0xd: {  	s15 =	smov.u32 @p0 s17;
	s16 =	simm.s32 $0xE10;
	s17 =	simm.s32 $0x1  }
0xe: {  	v0 =	vmov s14;
	s11 =	ssub.s32 s11, s31;
	s8 =	sadd.s32 s9, s1;
	s9 =	smul.u32 $0x4E20, s3  }
0xf: {  	v3 =	vmov s20;
	v1 =	vmov s18;
	v2 =	vmov s19;
	s15 =	sadd.s32 s15, s21;
	s18 =	simm.s32 $0xC8;
	s19 =	simm.s32 $0x190  }
0x10: {  	v0 =	vbroadcast v0, $0x0;
	v3 =	vbroadcast v3, $0x0;
	s20 =	sshrl.u32 s22, $0x3;
	s10 =	smax.u32 s11, $0x1;
	s11 =	sadd.s32 $0x4000, s8  }
0x11: {  	v4 =	vimm.f32 $0.0e+00;
	s12 =	sadd.s32 $0x8000, s8;
	s13 =	sadd.s32 $0xC000, s8;
	s14 =	sadd.s32 $0x10000, s8;
	v1 =	vbroadcast v1, $0x0;
	v2 =	vbroadcast v2, $0x0  }
.LBB2_1:
0x12: {  	s21 =	simm.s32 $0x0;
	s22 =	simm.s32 $0x200  }
.LBB2_2:
0x13: {  	p0 =	sne.s32 s22, $0xFE00;
	[tilespmem:s21+$0xE80] =	vst v4  }
0x14: {  	[tilespmem:s21+$0xE10] =	vst v4  }
0x15: {  	[tilespmem:s21+$0xE20] =	vst v4  }
.Ltmp0:
0x16: {  	[tilespmem:s21+$0xE30] =	vst v4;
	(pc) =	sbr.rel @p0 .LBB2_2-.Ltmp0, $4  }
0x17: {  	[tilespmem:s21+$0xE40] =	vst v4  }
0x18: {  	[tilespmem:s21+$0xE50] =	vst v4  }
0x19: {  	[tilespmem:s21+$0xE60] =	vst v4  }
0x1a: {  	[tilespmem:s21+$0xE70] =	vst v4;
	s21 =	sshra.s32 s22, $0x2;
	s22 =	sadd.s32 $0x200, s22  }
0x1b: {  	[tilespmem:s21+$0xE80] =	vst v4  }
0x1c: {  	[tilespmem:s21+$0xE10] =	vst v4  }
0x1d: {  	[tilespmem:s21+$0xE20] =	vst v4  }
0x1e: {  	[tilespmem:s21+$0xE30] =	vst v4  }
0x1f: {  	[tilespmem:s21+$0xE40] =	vst v4  }
0x20: {  	[tilespmem:s21+$0xE50] =	vst v4  }
0x21: {  	[tilespmem:s21+$0xE60] =	vst v4  }
0x22: {  	[tilespmem:s21+$0xE70] =	vst v4  }
0x23: {  	[spmem:s8] =	stream.linear.scatter [tilespmem:s16], [sflag:$0x1], $0x4000, $0x38;
	[tilespmem:$0x1B210] =	vst v63  }
0x24: {  	_ =	swait.ge [sflag:s17], $0x4000  }
0x25: {  	[sflag:s17] =	ssyncset.done $0x0  }
0x26: {  	[sflag:s17] =	ssyncadd.s32 $0xFFFFC000  }
0x27: {  	[spmem:s11] =	stream.linear.scatter [tilespmem:s16], [sflag:$0x1], $0x4000, $0x38;
	[tilespmem:$0x1B210] =	vst v63  }
0x28: {  	_ =	swait.ge [sflag:s17], $0x4000  }
0x29: {  	[sflag:s17] =	ssyncset.done $0x0  }
0x2a: {  	[sflag:s17] =	ssyncadd.s32 $0xFFFFC000  }
0x2b: {  	[spmem:s12] =	stream.linear.scatter [tilespmem:s16], [sflag:$0x1], $0x4000, $0x38;
	[tilespmem:$0x1B210] =	vst v63  }
0x2c: {  	_ =	swait.ge [sflag:s17], $0x4000  }
0x2d: {  	[sflag:s17] =	ssyncset.done $0x0  }
0x2e: {  	[sflag:s17] =	ssyncadd.s32 $0xFFFFC000  }
0x2f: {  	[spmem:s13] =	stream.linear.scatter [tilespmem:s16], [sflag:$0x1], $0x4000, $0x38;
	[tilespmem:$0x1B210] =	vst v63  }
0x30: {  	_ =	swait.ge [sflag:s17], $0x4000  }
0x31: {  	[sflag:s17] =	ssyncset.done $0x0  }
0x32: {  	[sflag:s17] =	ssyncadd.s32 $0xFFFFC000  }
0x33: {  	[spmem:s14] =	stream.linear.scatter [tilespmem:s16], [sflag:$0x1], $0x4000, $0x38;
	[tilespmem:$0x1B210] =	vst v63  }
0x34: {  	_ =	swait.ge [sflag:s17], $0x4000  }
0x35: {  	[sflag:s17] =	ssyncset.done $0x0  }
0x36: {  	[sflag:s17] =	ssyncadd.s32 $0xFFFFC000  }
0x37: {  	s21 =	simm.s32 $0x0;
	s22 =	simm.s32 $0x0;
	[bflag:$0x0] =	sbarrier.arrive $0xFFFF  }
.LBB2_4:
0x38: {  	s23 =	smul.u32 $0xC8, s22;
	_ =	sdelay $0x1  }
0x39: {  	s23 =	sadd.s32 s9, s23  }
0x3a: {  	s24 =	sshrl.u32 s23, $0x3  }
0x3b: {  	s25 =	sadd.s32 s6, s24  }
0x3c: {  	[tilespmem:s21], [sflag:$0x1] =	stream.linear.gather [hbm4b:s25+s21], $0xC8, $0x38;
	[tilespmem:$0x1B210] =	vst v63  }
0x3d: {  	_ =	swait.ge [sflag:s17], $0xC8  }
0x3e: {  	[sflag:s17] =	ssyncset.done $0x0  }
0x3f: {  	s24 =	sadd.s32 s7, s24;
	[sflag:s17] =	ssyncadd.s32 $0xFFFFFF38  }
0x40: {  	[tilespmem:s18], [sflag:$0x1] =	stream.linear.gather [hbm4b:s24+s21], $0xC8, $0x38;
	[tilespmem:$0x1B210] =	vst v63  }
0x41: {  	_ =	swait.ge [sflag:s17], $0xC8  }
0x42: {  	s23 =	sshll.u32 s23, $0x1;
	[sflag:s17] =	ssyncset.done $0x0  }
0x43: {  	s23 =	sadd.s32 s5, s23;
	[sflag:s17] =	ssyncadd.s32 $0xFFFFFF38  }
0x44: {  	[tilespmem:s19], [sflag:$0x1] =	stream.linear.gather [hbm4b:s23+s21], $0xC80, $0x38;
	[tilespmem:$0x1B210] =	vst v63  }
0x45: {  	_ =	swait.ge [sflag:s17], $0xC80  }
0x46: {  	[sflag:s17] =	ssyncset.done $0x0  }
0x47: {  	[sflag:s17] =	ssyncadd.s32 $0xFFFFF380  }
0x48: {  	[tilespmem:s16], [sflag:$0x1] =	stream.indirect.gather [hbm4b:s4+s18], $0x80, s21, s18, $0xb8;
	[tilespmem:$0x1B210] =	vst v63  }
0x49: {  	_ =	swait.ge [sflag:s17], $0x6400  }
0x4a: {  	[sflag:s17] =	ssyncset.done $0x0  }
0x4b: {  	s23 =	simm.s32 $0xE50;
	[sflag:s17] =	ssyncadd.s32 $0xFFFF9C00  }
0x4c: {  	s31 =	simm.s32 $0x0;
	v12 =	vld [tilespmem:s23+$0xFFFFFFD0]  }
0x4d: {  	v7 =	vld [tilespmem:s31+$0x190]  }
0x4e: {  	v10 =	vld [tilespmem:s23+$0x20]  }
0x4f: {  	v13 =	vld [tilespmem:s23+$0xFFFFFFC0]  }
0x50: {  	v16 =	vld [tilespmem:s23+$0xFFFFFFE0]  }
0x51: {  	v5 =	vld [tilespmem:s23+$0xFFFFFFF0]  }
0x52: {  	v6 =	vld [tilespmem:s23+$0x30];
	v14 =	vperm.xlane v7, v0;
	v11 =	vperm.xlane v7, v3  }
0x53: {  	v8 =	vld [tilespmem:s23+$0x0];
	v9 =	vperm.xlane v7, v1  }
0x54: {  	v15 =	vmul.f32 v13, v14;
	v13 =	vmul.f32 v10, v11;
	v10 =	vld [tilespmem:s23+$0x10]  }
0x55: {  	v7 =	vperm.xlane v7, v2  }
0x56: {  	s25 =	simm.s32 $0xE50;
	s24 =	simm.s32 $0x40;
	v14 =	vmul.f32 v12, v14;
	v12 =	vmul.f32 v16, v9  }
.LBB2_5:
0x57: {  	p0 =	sne.s32 s24, $0x31C0  }
0x58: {  	[tilespmem:s23+$0xFFFFFFC0] =	vst v15;
	v8 =	vmul.f32 v8, v7;
	v6 =	vmul.f32 v6, v11;
	s25 =	sadd.s32 $0x80, s25;
	s26 =	smov.u32 s24;
	s24 =	sadd.s32 $0x40, s24  }
0x59: {  	v9 =	vmul.f32 v5, v9;
	v7 =	vmul.f32 v10, v7;
	[tilespmem:s23+$0x20] =	vst v13  }
0x5a: {  	[tilespmem:s23+$0xFFFFFFD0] =	vst v14  }
0x5b: {  	[tilespmem:s23+$0xFFFFFFE0] =	vst v12  }
0x5c: {  	[tilespmem:s23+$0x30] =	vst v6  }
0x5d: {  	v5 =	vld [tilespmem:s25+$0xFFFFFFF0];
	[tilespmem:s23+$0x10] =	vst v7  }
0x5e: {  	v12 =	vld [tilespmem:s25+$0xFFFFFFD0];
	[tilespmem:s23+$0xFFFFFFF0] =	vst v9  }
0x5f: {  	s26 =	sshra.s32 s26, $0x2;
	v13 =	vld [tilespmem:s25+$0x20];
	[tilespmem:s23+$0x0] =	vst v8;
	s23 =	smov.u32 s25  }
0x60: {  	v7 =	vld [tilespmem:s26+$0x190]  }
0x61: {  	v6 =	vld [tilespmem:s25+$0x30]  }
0x62: {  	v14 =	vld [tilespmem:s25+$0xFFFFFFC0]  }
0x63: {  	v16 =	vld [tilespmem:s25+$0xFFFFFFE0]  }
.Ltmp1:
0x64: {  	v8 =	vld [tilespmem:s25+$0x0];
	(pc) =	sbr.rel @p0 .LBB2_5-.Ltmp1, $4  }
0x65: {  	v17 =	vperm.xlane v7, v0;
	v10 =	vld [tilespmem:s25+$0x10];
	v11 =	vperm.xlane v7, v3  }
0x66: {  	v9 =	vperm.xlane v7, v1;
	v7 =	vperm.xlane v7, v2  }
0x67: {  	v15 =	vmul.f32 v14, v17;
	v13 =	vmul.f32 v13, v11  }
0x68: {  	v14 =	vmul.f32 v12, v17;
	v12 =	vmul.f32 v16, v9  }
0x69: {  	[tilespmem:s23+$0xFFFFFFC0] =	vst v15  }
0x6a: {  	[tilespmem:s23+$0x20] =	vst v13  }
0x6b: {  	v6 =	vmul.f32 v6, v11;
	[tilespmem:s23+$0xFFFFFFD0] =	vst v14  }
0x6c: {  	v5 =	vmul.f32 v5, v9;
	[tilespmem:s23+$0xFFFFFFE0] =	vst v12  }
0x6d: {  	v10 =	vmul.f32 v10, v7;
	[tilespmem:s23+$0x30] =	vst v6  }
0x6e: {  	s22 =	sadd.s32 $0x1, s22;
	v6 =	vmul.f32 v8, v7;
	[tilespmem:s23+$0xFFFFFFF0] =	vst v5  }
0x6f: {  	p0 =	sne.s32 s22, $0x64;
	[tilespmem:s23+$0x10] =	vst v10  }
.Ltmp2:
0x70: {  	[tilespmem:s23+$0x0] =	vst v6;
	(pc) =	sbr.rel @p0 .LBB2_4-.Ltmp2, $4  }
0x71: {  	[spmem:s1] =	stream.indirect.scatter.add.f32 [tilespmem:s16], [sflag:$0x1], $0x80, s18, s18, $0xb8;
	[tilespmem:$0x1B210] =	vst v63  }
0x72: {  	_ =	swait.ge [sflag:s17], $0x6400  }
0x73: {  	[sflag:s17] =	ssyncset.done $0x0  }
0x74: {  	[sflag:s17] =	ssyncadd.s32 $0xFFFF9C00  }
0x75: {  	s2 =	sadd.s32 $0x1, s2  }
0x76: {  	s21 =	sshll.u32 s3, $0x6;
	p0 =	sne.s32 s2, s10  }
.Ltmp3:
0x77: {  	[bflag:$0x0] =	sbarrier.arrive $0xFFFF;
	s21 =	sor.u32 $0x1C01, s21;
	(pc) =	sbr.rel @p0 .LBB2_1-.Ltmp3, $4  }
0x78: {  	[hbm:s15], [sflag:s21] =	dma.local [spmem:s20], $0x2800  }
0x79: {  	_ =	swait.ge [sflag:s17], $0x2800  }
0x7a: {  	[sflag:s17] =	ssyncset.done $0x0  }
0x7b: {  	[sflag:s17] =	ssyncadd.s32 $0xFFFFD800  }
0x7c: {  	_ =	sfence.sel $0x180000  }
0x7d: {  	[bflag:$0x0] =	sbarrier.arrive $0xFFFF  }
0x7e: {  	p0 =	sne.s32 s3, $0x0;
	_ =	strace $0x9000004A  }
0x7f: {  	s0 =	sadd.s32 @!p0 $0x100000, s0;
	[bflag:$0x2] =	sbarrier.arrive $0xFFFF  }
0x80: {  	[sflag:s0] =	ssyncadd.tile.s32 @!p0 $0x1;
	_ =	shalt  }
.Lfunc_end2:
_tile_overlayer_lowered:
.L_overlay_start_2:
0x81: {  	(tag) =	ssettag $0x2  }
0x82: {  	s0 =	rddreg [dreg:$0x0];
	s2 =	stileid.u32  }
0x83: {  	s1 =	rddreg [dreg:$0x1];
	p0 =	sne.s32 s2, $0x0  }
0x84: {  	s3 =	rddreg [dreg:$0x2];
	[bflag:$0x3] =	sbarrier.arrive $0xFFFF;
	s2 =	simm.s32 @!p0 $0x1C01  }
0x85: {  	[timem:s3], [sflag:s2] =	dma.local @!p0 [hbm:s0], s1  }
0x86: {  	s0 =	simm.s32 @!p0 $0x1  }
0x87: {  	_ =	swait.ge @!p0 [sflag:s0], s1  }
0x88: {  	s1 =	ssub.s32 @!p0 $0x0, s1;
	[sflag:s0] =	ssyncset.done @!p0 $0x0  }
0x89: {  	[sflag:s0] =	ssyncadd.s32 @!p0 s1  }
0x8a: {  	[bflag:$0x3] =	sbarrier.arrive $0xFFFF  }
0x8b: {  	_ =	shalt  }

</sc_bundles>
